<compile_context>
chip_gen: v7x
topology: tpu7x:2x2x1
jax: 0.10.2.dev20260603
libtpu: 0.0.44.dev20260713+nightly
codegen_flags: <defaults>
</compile_context>

<pallas_src>
import jax
import jax.numpy as jnp
from jax import lax
from jax.experimental import pallas as pl
from jax.experimental.pallas import tpu as pltpu
from jax.experimental.pallas import tpu_sc as plsc

N = 100000
D = 128
NW = 32
LANES = 16
TCN = 0
SCN = N
RB = 3120
EXTRA = 10
RMAX = RB + 16
CHUNK = 240
NCHUNK = RB // CHUNK
NGROUP = CHUNK // LANES
NBUF = 3
NEG = -1.0e30
PAD = -3.0e38
FPAD = 784 * 128

_mesh = plsc.VectorSubcoreMesh(core_axis_name="c", subcore_axis_name="s")


def _wid():
    return lax.axis_index("s") * 2 + lax.axis_index("c")


def _k1_body(emb, w_hbm, scores_out, buf, w_v, scores_v, semring):
    wid = _wid()
    lstart = wid * RB + 16 * jnp.minimum(wid, EXTRA)
    start = TCN + lstart
    CD = CHUNK * D

    def issue(cin):
        sel = cin % NBUF
        pltpu.async_copy(emb.at[pl.ds((start + cin * CHUNK) * D, CD)],
                         buf.at[pl.ds(sel * CD, CD)], semring.at[sel])

    def wait_for(cin):
        sel = cin % NBUF
        pltpu.make_async_copy(emb.at[pl.ds(0, CD)],
                              buf.at[pl.ds(sel * CD, CD)],
                              semring.at[sel]).wait()

    def prebody(c0, carry):
        issue(c0)
        return carry

    lax.fori_loop(0, NBUF - 1, prebody, 0)
    pltpu.sync_copy(w_hbm, w_v)

    wvs = [w_v[pl.ds(k * LANES, LANES)] for k in range(D // LANES)]
    lane = lax.iota(jnp.int32, LANES)
    half = lane < 8

    def score_group(rowbase):
        res = jnp.zeros((LANES,), jnp.float32)
        for l2 in range(LANES // 2):
            ps = []
            for l in (2 * l2, 2 * l2 + 1):
                rb = rowbase + l * D
                p = buf[pl.ds(rb, LANES)] * wvs[0]
                for k in range(1, D // LANES):
                    p = p + buf[pl.ds(rb + k * LANES, LANES)] * wvs[k]
                ps.append(p + lax.rev(p, (0,)))
            c = plsc.cumsum(jnp.where(half, ps[0], ps[1]))
            sa = c[7]
            sb = c[15] - c[7]
            res = jnp.where(lane == 2 * l2, sa, res)
            res = jnp.where(lane == 2 * l2 + 1, sb, res)
        return res

    def chunk_body(ci, carry):
        @pl.when(ci + (NBUF - 1) < NCHUNK)
        def _():
            issue(ci + (NBUF - 1))

        wait_for(ci)
        bufbase = (ci % NBUF) * CD

        def gbody(g, c2):
            off = ci * CHUNK + g * LANES
            scores_v[pl.ds(off, LANES)] = score_group(bufbase + g * LANES * D)
            return c2

        return lax.fori_loop(0, NGROUP, gbody, carry)

    lax.fori_loop(0, NCHUNK, chunk_body, 0)

    @pl.when(wid < EXTRA)
    def _():
        pltpu.sync_copy(emb.at[pl.ds((start + RB) * D, LANES * D)],
                        buf.at[pl.ds(0, LANES * D)])
        scores_v[pl.ds(RB, LANES)] = score_group(0)

    pltpu.sync_copy(scores_v.at[pl.ds(0, RB)],
                    scores_out.at[pl.ds(lstart, RB)])

    @pl.when(wid < EXTRA)
    def _():
        pltpu.sync_copy(scores_v.at[pl.ds(RB, LANES)],
                        scores_out.at[pl.ds(lstart + RB, LANES)])


_k1 = pl.kernel(
    _k1_body,
    out_type=jax.ShapeDtypeStruct((SCN,), jnp.float32),
    mesh=_mesh,
    compiler_params=pltpu.CompilerParams(needs_layout_passes=False),
    scratch_types=[
        pltpu.VMEM((NBUF * CHUNK * D,), jnp.float32),
        pltpu.VMEM((D,), jnp.float32),
        pltpu.VMEM((RMAX,), jnp.float32),
        pltpu.SemaphoreType.DMA((NBUF,)),
    ],
)


def _fin_body(sil_ref, dec_ref, b_ref, sc_ref, out_ref):
    s = sc_ref[...] + b_ref[...]
    s = s + jnp.where(sil_ref[...] == 1, NEG, 0.0)
    s = s + jnp.where(dec_ref[...] == 1, NEG, 0.0)
    gmax = jnp.max(s)
    e = jnp.exp(s - gmax)
    out_ref[...] = e * (1.0 / jnp.sum(e))


_fin = pl.pallas_call(
    _fin_body,
    out_shape=jax.ShapeDtypeStruct((FPAD // 128, 128), jnp.float32),
)


@jax.jit
def kernel(embeddings, W, b, silent_np, decision, number_of_candidates):
    del number_of_candidates
    sc_all = _k1(embeddings.reshape(N * D), W.reshape(D))
    sc_pad = jnp.pad(sc_all, (0, FPAD - N),
                     constant_values=PAD).reshape(FPAD // 128, 128)
    silp = jnp.pad(silent_np, (0, FPAD - N)).reshape(FPAD // 128, 128)
    decp = jnp.pad(decision, (0, FPAD - N)).reshape(FPAD // 128, 128)
    b11 = b.reshape(1, 1)
    return _fin(silp, decp, b11, sc_pad).reshape(FPAD)[:N]

# --- scband reference (transcript-rebuilt; emitter-appended) ---
"""Pipeline reference for scband-choose-place-agent-57930518888946 (READ-ONLY COPY).

The authoritative reference and input builder live on the scoring server;
editing this copy changes nothing except your own understanding.
"""

import jax, jax.numpy as jnp
import numpy as np


def setup_inputs(seed: int = 0) -> dict:
    key = jax.random.key(seed)
    k1, k2, k3, k4 = jax.random.split(key, 4)
    C = 100000
    D = 128
    N = C  # all graph nodes are candidates
    embeddings = jax.random.normal(k1, (N, D), dtype=jnp.float32)
    W = jax.random.normal(k2, (D, 1), dtype=jnp.float32) * 0.02
    b = jnp.zeros((1,), dtype=jnp.float32)
    silent_np = jax.random.randint(k3, (C,), 0, 2).astype(jnp.int32)
    decision = jax.random.randint(k4, (C,), 0, 2).astype(jnp.int32)
    return {
        "embeddings": embeddings,
        "W": W,
        "b": b,
        "silent_np": silent_np,
        "decision": decision,
        "number_of_candidates": C,
    }


def reference(embeddings, W, b, silent_np, decision, number_of_candidates):
    # self.choose_place(embeddings[-number_of_candidates:]).view(1, -1)
    cand = jax.lax.dynamic_slice_in_dim(
        embeddings,
        embeddings.shape[0] - number_of_candidates,
        silent_np.shape[0],
        axis=0,
    )
    place_scores = (cand @ W + b).reshape(1, -1)
    # mask out silent and already-decided places (training-mode path: no 'unsound' mask)
    place_scores = place_scores + (silent_np == 1).astype(jnp.float32) * (-1e30)
    place_scores = place_scores + (decision == 1).astype(jnp.float32) * (-1e30)
    # return_probs=True path: softmax over candidates
    place_probs = jax.nn.softmax(place_scores, axis=1)
    return place_probs[0]

if __name__ == "__main__":
    import jax
    _d = setup_inputs()
    print(jax.jit(kernel)(*tuple(_d.values())))

</pallas_src>

<mosaic_0001>
#map = affine_map<(d0, d1) -> (0)>
module attributes {stable_mosaic.version = 14 : i64} {
  func.func @_k1_body(%arg0: i32, %arg1: i32, %arg2: memref<12800000xf32, #tpu.memory_space<hbm>>, %arg3: memref<128xf32, #tpu.memory_space<hbm>>, %arg4: memref<100000xf32, #tpu.memory_space<hbm>>, %arg5: memref<92160xf32, #tpu.memory_space<vmem>>, %arg6: memref<128xf32, #tpu.memory_space<vmem>>, %arg7: memref<3136xf32, #tpu.memory_space<vmem>>, %arg8: memref<3x!tpu.dma_semaphore, #tpu.memory_space<semaphore_mem>>) attributes {dimension_semantics = [#tpu.dimension_semantics<core_parallel>, #tpu.dimension_semantics<subcore_parallel>], iteration_bounds = array<i64: 2, 16>, scalar_prefetch = 0 : i64, scratch_operands = 4 : i64, tpu.core_type = #tpu.core_type<sc_vector_subcore>, window_params = [{transform_indices = #map}, {transform_indices = #map}, {transform_indices = #map}]} {
    %mul3A = arith.constant 2 : i32
    %mul3A_0 = arith.muli %arg1, %mul3A : i32
    %add3A = arith.addi %mul3A_0, %arg0 : i32
    %mul3A_1 = arith.constant 3120 : i32
    %mul3A_2 = arith.muli %add3A, %mul3A_1 : i32
    %min3A = arith.constant 10 : i32
    %min3A_3 = arith.minsi %add3A, %min3A : i32
    %mul3A_4 = arith.constant 16 : i32
    %mul3A_5 = arith.muli %mul3A_4, %min3A_3 : i32
    %add3A_6 = arith.addi %mul3A_2, %mul3A_5 : i32
    %add3A_7 = arith.constant 0 : i32
    %add3A_8 = arith.addi %add3A_7, %add3A_6 : i32
    %scan3A = arith.constant 0 : i32
    %scan3A_9 = arith.constant 0 : i32
    %scan3A_10 = arith.constant 2 : i32
    %scan3A_11 = arith.addi %scan3A_9, %scan3A_10 : i32
    %scan3A_12 = arith.constant 1 : i32
    scf.for %scan3A_45 = %scan3A_9 to %scan3A_11 step %scan3A_12  : i32 {
      %jit3A = arith.constant 3 : i32
      %eq3A = arith.constant 0 : i32
      %eq3A_46 = arith.cmpi eq, %jit3A, %eq3A : i32
      %jit3A_47 = arith.constant 1 : i32
      %select_n3A = arith.select %eq3A_46, %jit3A_47, %jit3A : i32
      %rem3A = arith.remsi %scan3A_45, %select_n3A : i32
      %ne3A = arith.constant 0 : i32
      %ne3A_48 = arith.cmpi ne, %rem3A, %ne3A : i32
      %lt3A_49 = arith.constant 0 : i32
      %lt3A_50 = arith.cmpi slt, %rem3A, %lt3A_49 : i32
      %lt3A_51 = arith.constant 0 : i32
      %lt3A_52 = arith.cmpi slt, %select_n3A, %lt3A_51 : i32
      %ne3A_53 = arith.xori %lt3A_50, %lt3A_52 : i1
      %and3A = arith.andi %ne3A_53, %ne3A_48 : i1
      %add3A_54 = arith.addi %rem3A, %select_n3A : i32
      %select_n3A_55 = arith.select %and3A, %add3A_54, %rem3A : i32
      %mul3A_56 = arith.constant 240 : i32
      %mul3A_57 = arith.muli %scan3A_45, %mul3A_56 : i32
      %add3A_58 = arith.addi %add3A_8, %mul3A_57 : i32
      %mul3A_59 = arith.constant 128 : i32
      %mul3A_60 = arith.muli %add3A_58, %mul3A_59 : i32
      %mul3A_61 = arith.constant 30720 : i32
      %mul3A_62 = arith.muli %select_n3A_55, %mul3A_61 : i32
      %dma_start3A = tpu.memref_slice %arg5[%mul3A_62] : memref<92160xf32, #tpu.memory_space<vmem>> -> memref<30720xf32, #tpu.memory_space<vmem>>
      %dma_start3A_63 = tpu.memref_slice %arg2[%mul3A_60] : memref<12800000xf32, #tpu.memory_space<hbm>> -> memref<30720xf32, #tpu.memory_space<hbm>>
      %dma_start3A_64 = tpu.memref_slice %arg8[%select_n3A_55] : memref<3x!tpu.dma_semaphore, #tpu.memory_space<semaphore_mem>> -> memref<1x!tpu.dma_semaphore, #tpu.memory_space<semaphore_mem>>
      %dma_start3A_65 = tpu.memref_squeeze %dma_start3A_64 : memref<1x!tpu.dma_semaphore, #tpu.memory_space<semaphore_mem>> -> memref<!tpu.dma_semaphore, #tpu.memory_space<semaphore_mem>>
      %dma_start3A_66 = tpu.memref_slice %arg5[%mul3A_62] : memref<92160xf32, #tpu.memory_space<vmem>> -> memref<30720xf32, #tpu.memory_space<vmem>>
      %dma_start3A_67 = tpu.memref_slice %arg2[%mul3A_60] : memref<12800000xf32, #tpu.memory_space<hbm>> -> memref<30720xf32, #tpu.memory_space<hbm>>
      tpu.enqueue_dma source(%dma_start3A_67 : memref<30720xf32, #tpu.memory_space<hbm>>) target(%dma_start3A_66 : memref<30720xf32, #tpu.memory_space<vmem>>) target_semaphore(%dma_start3A_65 : memref<!tpu.dma_semaphore, #tpu.memory_space<semaphore_mem>>)
    }
    %scan3A_13 = arith.constant 2 : i32
    "tpu.region"() ({
      %run_scoped3A = tpu.sem_alloc : memref<!tpu.dma_semaphore, #tpu.memory_space<semaphore_mem>>
      tpu.enqueue_dma source(%arg3 : memref<128xf32, #tpu.memory_space<hbm>>) target(%arg6 : memref<128xf32, #tpu.memory_space<vmem>>) target_semaphore(%run_scoped3A : memref<!tpu.dma_semaphore, #tpu.memory_space<semaphore_mem>>)
      tpu.wait_dma2 semaphore(%run_scoped3A : memref<!tpu.dma_semaphore, #tpu.memory_space<semaphore_mem>>) src(%arg3 : memref<128xf32, #tpu.memory_space<hbm>>) dst(%arg6 : memref<128xf32, #tpu.memory_space<vmem>>)
      tpu.yield
    }) : () -> ()
    %get3A = arith.constant 0 : index
    %get3A_14 = tpu.vector_load %arg6[%get3A] {strides = array<i32>} : memref<128xf32, #tpu.memory_space<vmem>>, vector<16xf32>,
    %get3A_15 = arith.constant 16 : index
    %get3A_16 = tpu.vector_load %arg6[%get3A_15] {strides = array<i32>} : memref<128xf32, #tpu.memory_space<vmem>>, vector<16xf32>,
    %get3A_17 = arith.constant 32 : index
    %get3A_18 = tpu.vector_load %arg6[%get3A_17] {strides = array<i32>} : memref<128xf32, #tpu.memory_space<vmem>>, vector<16xf32>,
    %get3A_19 = arith.constant 48 : index
    %get3A_20 = tpu.vector_load %arg6[%get3A_19] {strides = array<i32>} : memref<128xf32, #tpu.memory_space<vmem>>, vector<16xf32>,
    %get3A_21 = arith.constant 64 : index
    %get3A_22 = tpu.vector_load %arg6[%get3A_21] {strides = array<i32>} : memref<128xf32, #tpu.memory_space<vmem>>, vector<16xf32>,
    %get3A_23 = arith.constant 80 : index
    %get3A_24 = tpu.vector_load %arg6[%get3A_23] {strides = array<i32>} : memref<128xf32, #tpu.memory_space<vmem>>, vector<16xf32>,
    %get3A_25 = arith.constant 96 : index
    %get3A_26 = tpu.vector_load %arg6[%get3A_25] {strides = array<i32>} : memref<128xf32, #tpu.memory_space<vmem>>, vector<16xf32>,
    %get3A_27 = arith.constant 112 : index
    %get3A_28 = tpu.vector_load %arg6[%get3A_27] {strides = array<i32>} : memref<128xf32, #tpu.memory_space<vmem>>, vector<16xf32>,
    %iota3A = tpu.iota {dimensions = array<i32: 0>} : vector<16xi32>
    %lt3A = arith.constant 8 : i32
    %lt3A_29 = vector.broadcast %lt3A : i32 to vector<16xi32>
    %lt3A_30 = arith.cmpi slt, %iota3A, %lt3A_29 : vector<16xi32>
    %scan3A_31 = arith.constant 0 : i32
    %scan3A_32 = arith.constant 0 : i32
    %scan3A_33 = arith.constant 13 : i32
    %scan3A_34 = arith.addi %scan3A_32, %scan3A_33 : i32
    %scan3A_35 = arith.constant 1 : i32
    scf.for %scan3A_45 = %scan3A_32 to %scan3A_34 step %scan3A_35  : i32 {
      %add3A_46 = arith.constant 2 : i32
      %add3A_47 = arith.addi %scan3A_45, %add3A_46 : i32
      %lt3A_48 = arith.constant 13 : i32
      %lt3A_49 = arith.cmpi slt, %add3A_47, %lt3A_48 : i32
      %convert_element_type3A_50 = arith.extui %lt3A_49 : i1 to i32
      %cond3A_51 = arith.constant 0 : i32
      %cond3A_52 = arith.cmpi ne, %convert_element_type3A_50, %cond3A_51 : i32
      scf.if %cond3A_52 {
        %add3A_95 = arith.constant 2 : i32
        %add3A_96 = arith.addi %scan3A_45, %add3A_95 : i32
        %jit3A_97 = arith.constant 3 : i32
        %eq3A_98 = arith.constant 0 : i32
        %eq3A_99 = arith.cmpi eq, %jit3A_97, %eq3A_98 : i32
        %jit3A_100 = arith.constant 1 : i32
        %select_n3A_101 = arith.select %eq3A_99, %jit3A_100, %jit3A_97 : i32
        %rem3A_102 = arith.remsi %add3A_96, %select_n3A_101 : i32
        %ne3A_103 = arith.constant 0 : i32
        %ne3A_104 = arith.cmpi ne, %rem3A_102, %ne3A_103 : i32
        %lt3A_105 = arith.constant 0 : i32
        %lt3A_106 = arith.cmpi slt, %rem3A_102, %lt3A_105 : i32
        %lt3A_107 = arith.constant 0 : i32
        %lt3A_108 = arith.cmpi slt, %select_n3A_101, %lt3A_107 : i32
        %ne3A_109 = arith.xori %lt3A_106, %lt3A_108 : i1
        %and3A_110 = arith.andi %ne3A_109, %ne3A_104 : i1
        %add3A_111 = arith.addi %rem3A_102, %select_n3A_101 : i32
        %select_n3A_112 = arith.select %and3A_110, %add3A_111, %rem3A_102 : i32
        %mul3A_113 = arith.constant 240 : i32
        %mul3A_114 = arith.muli %add3A_96, %mul3A_113 : i32
        %add3A_115 = arith.addi %add3A_8, %mul3A_114 : i32
        %mul3A_116 = arith.constant 128 : i32
        %mul3A_117 = arith.muli %add3A_115, %mul3A_116 : i32
        %mul3A_118 = arith.constant 30720 : i32
        %mul3A_119 = arith.muli %select_n3A_112, %mul3A_118 : i32
        %dma_start3A = tpu.memref_slice %arg5[%mul3A_119] : memref<92160xf32, #tpu.memory_space<vmem>> -> memref<30720xf32, #tpu.memory_space<vmem>>
        %dma_start3A_120 = tpu.memref_slice %arg2[%mul3A_117] : memref<12800000xf32, #tpu.memory_space<hbm>> -> memref<30720xf32, #tpu.memory_space<hbm>>
        %dma_start3A_121 = tpu.memref_slice %arg8[%select_n3A_112] : memref<3x!tpu.dma_semaphore, #tpu.memory_space<semaphore_mem>> -> memref<1x!tpu.dma_semaphore, #tpu.memory_space<semaphore_mem>>
        %dma_start3A_122 = tpu.memref_squeeze %dma_start3A_121 : memref<1x!tpu.dma_semaphore, #tpu.memory_space<semaphore_mem>> -> memref<!tpu.dma_semaphore, #tpu.memory_space<semaphore_mem>>
        %dma_start3A_123 = tpu.memref_slice %arg5[%mul3A_119] : memref<92160xf32, #tpu.memory_space<vmem>> -> memref<30720xf32, #tpu.memory_space<vmem>>
        %dma_start3A_124 = tpu.memref_slice %arg2[%mul3A_117] : memref<12800000xf32, #tpu.memory_space<hbm>> -> memref<30720xf32, #tpu.memory_space<hbm>>
        tpu.enqueue_dma source(%dma_start3A_124 : memref<30720xf32, #tpu.memory_space<hbm>>) target(%dma_start3A_123 : memref<30720xf32, #tpu.memory_space<vmem>>) target_semaphore(%dma_start3A_122 : memref<!tpu.dma_semaphore, #tpu.memory_space<semaphore_mem>>)
      } else {
      }
      %jit3A = arith.constant 3 : i32
      %eq3A = arith.constant 0 : i32
      %eq3A_53 = arith.cmpi eq, %jit3A, %eq3A : i32
      %jit3A_54 = arith.constant 1 : i32
      %select_n3A = arith.select %eq3A_53, %jit3A_54, %jit3A : i32
      %rem3A = arith.remsi %scan3A_45, %select_n3A : i32
      %ne3A = arith.constant 0 : i32
      %ne3A_55 = arith.cmpi ne, %rem3A, %ne3A : i32
      %lt3A_56 = arith.constant 0 : i32
      %lt3A_57 = arith.cmpi slt, %rem3A, %lt3A_56 : i32
      %lt3A_58 = arith.constant 0 : i32
      %lt3A_59 = arith.cmpi slt, %select_n3A, %lt3A_58 : i32
      %ne3A_60 = arith.xori %lt3A_57, %lt3A_59 : i1
      %and3A = arith.andi %ne3A_60, %ne3A_55 : i1
      %add3A_61 = arith.addi %rem3A, %select_n3A : i32
      %select_n3A_62 = arith.select %and3A, %add3A_61, %rem3A : i32
      %mul3A_63 = arith.constant 30720 : i32
      %mul3A_64 = arith.muli %select_n3A_62, %mul3A_63 : i32
      %dma_wait3A = tpu.memref_slice %arg5[%mul3A_64] : memref<92160xf32, #tpu.memory_space<vmem>> -> memref<30720xf32, #tpu.memory_space<vmem>>
      %dma_wait3A_65 = arith.constant 0 : i32
      %dma_wait3A_66 = tpu.memref_slice %arg2[%dma_wait3A_65] : memref<12800000xf32, #tpu.memory_space<hbm>> -> memref<30720xf32, #tpu.memory_space<hbm>>
      %dma_wait3A_67 = tpu.memref_slice %arg8[%select_n3A_62] : memref<3x!tpu.dma_semaphore, #tpu.memory_space<semaphore_mem>> -> memref<1x!tpu.dma_semaphore, #tpu.memory_space<semaphore_mem>>
      %dma_wait3A_68 = tpu.memref_squeeze %dma_wait3A_67 : memref<1x!tpu.dma_semaphore, #tpu.memory_space<semaphore_mem>> -> memref<!tpu.dma_semaphore, #tpu.memory_space<semaphore_mem>>
      %dma_wait3A_69 = tpu.memref_slice %arg5[%mul3A_64] : memref<92160xf32, #tpu.memory_space<vmem>> -> memref<30720xf32, #tpu.memory_space<vmem>>
      %dma_wait3A_70 = arith.constant 0 : i32
      %dma_wait3A_71 = tpu.memref_slice %arg2[%dma_wait3A_70] : memref<12800000xf32, #tpu.memory_space<hbm>> -> memref<30720xf32, #tpu.memory_space<hbm>>
      tpu.wait_dma2 semaphore(%dma_wait3A_68 : memref<!tpu.dma_semaphore, #tpu.memory_space<semaphore_mem>>) src(%dma_wait3A_71 : memref<30720xf32, #tpu.memory_space<hbm>>) dst(%dma_wait3A_69 : memref<30720xf32, #tpu.memory_space<vmem>>)
      %jit3A_72 = arith.constant 3 : i32
      %eq3A_73 = arith.constant 0 : i32
      %eq3A_74 = arith.cmpi eq, %jit3A_72, %eq3A_73 : i32
      %jit3A_75 = arith.constant 1 : i32
      %select_n3A_76 = arith.select %eq3A_74, %jit3A_75, %jit3A_72 : i32
      %rem3A_77 = arith.remsi %scan3A_45, %select_n3A_76 : i32
      %ne3A_78 = arith.constant 0 : i32
      %ne3A_79 = arith.cmpi ne, %rem3A_77, %ne3A_78 : i32
      %lt3A_80 = arith.constant 0 : i32
      %lt3A_81 = arith.cmpi slt, %rem3A_77, %lt3A_80 : i32
      %lt3A_82 = arith.constant 0 : i32
      %lt3A_83 = arith.cmpi slt, %select_n3A_76, %lt3A_82 : i32
      %ne3A_84 = arith.xori %lt3A_81, %lt3A_83 : i1
      %and3A_85 = arith.andi %ne3A_84, %ne3A_79 : i1
      %add3A_86 = arith.addi %rem3A_77, %select_n3A_76 : i32
      %select_n3A_87 = arith.select %and3A_85, %add3A_86, %rem3A_77 : i32
      %mul3A_88 = arith.constant 30720 : i32
      %mul3A_89 = arith.muli %select_n3A_87, %mul3A_88 : i32
      %scan3A_90 = arith.constant 0 : i32
      %scan3A_91 = arith.constant 15 : i32
      %scan3A_92 = arith.addi %scan3A_90, %scan3A_91 : i32
      %scan3A_93 = arith.constant 1 : i32
      scf.for %scan3A_95 = %scan3A_90 to %scan3A_92 step %scan3A_93  : i32 {
        %mul3A_96 = arith.constant 240 : i32
        %mul3A_97 = arith.muli %scan3A_45, %mul3A_96 : i32
        %mul3A_98 = arith.constant 16 : i32
        %mul3A_99 = arith.muli %scan3A_95, %mul3A_98 : i32
        %add3A_100 = arith.addi %mul3A_97, %mul3A_99 : i32
        %mul3A_101 = arith.constant 16 : i32
        %mul3A_102 = arith.muli %scan3A_95, %mul3A_101 : i32
        %mul3A_103 = arith.constant 128 : i32
        %mul3A_104 = arith.muli %mul3A_102, %mul3A_103 : i32
        %add3A_105 = arith.addi %mul3A_89, %mul3A_104 : i32
        %broadcast_in_dim3A = arith.constant 0.000000e+00 : f32
        %broadcast_in_dim3A_106 = vector.broadcast %broadcast_in_dim3A : f32 to vector<16xf32>
        %add3A_107 = arith.constant 0 : i32
        %add3A_108 = arith.addi %add3A_105, %add3A_107 : i32
        %get3A_109 = arith.index_cast %add3A_108 : i32 to index
        %get3A_110 = tpu.vector_load %arg5[%get3A_109] {strides = array<i32>} : memref<92160xf32, #tpu.memory_space<vmem>>, vector<16xf32>,
        %mul3A_111 = arith.mulf %get3A_110, %get3A_14 : vector<16xf32>
        %add3A_112 = arith.constant 16 : i32
        %add3A_113 = arith.addi %add3A_108, %add3A_112 : i32
        %get3A_114 = arith.index_cast %add3A_113 : i32 to index
        %get3A_115 = tpu.vector_load %arg5[%get3A_114] {strides = array<i32>} : memref<92160xf32, #tpu.memory_space<vmem>>, vector<16xf32>,
        %mul3A_116 = arith.mulf %get3A_115, %get3A_16 : vector<16xf32>
        %add3A_117 = arith.addf %mul3A_111, %mul3A_116 : vector<16xf32>
        %add3A_118 = arith.constant 32 : i32
        %add3A_119 = arith.addi %add3A_108, %add3A_118 : i32
        %get3A_120 = arith.index_cast %add3A_119 : i32 to index
        %get3A_121 = tpu.vector_load %arg5[%get3A_120] {strides = array<i32>} : memref<92160xf32, #tpu.memory_space<vmem>>, vector<16xf32>,
        %mul3A_122 = arith.mulf %get3A_121, %get3A_18 : vector<16xf32>
        %add3A_123 = arith.addf %add3A_117, %mul3A_122 : vector<16xf32>
        %add3A_124 = arith.constant 48 : i32
        %add3A_125 = arith.addi %add3A_108, %add3A_124 : i32
        %get3A_126 = arith.index_cast %add3A_125 : i32 to index
        %get3A_127 = tpu.vector_load %arg5[%get3A_126] {strides = array<i32>} : memref<92160xf32, #tpu.memory_space<vmem>>, vector<16xf32>,
        %mul3A_128 = arith.mulf %get3A_127, %get3A_20 : vector<16xf32>
        %add3A_129 = arith.addf %add3A_123, %mul3A_128 : vector<16xf32>
        %add3A_130 = arith.constant 64 : i32
        %add3A_131 = arith.addi %add3A_108, %add3A_130 : i32
        %get3A_132 = arith.index_cast %add3A_131 : i32 to index
        %get3A_133 = tpu.vector_load %arg5[%get3A_132] {strides = array<i32>} : memref<92160xf32, #tpu.memory_space<vmem>>, vector<16xf32>,
        %mul3A_134 = arith.mulf %get3A_133, %get3A_22 : vector<16xf32>
        %add3A_135 = arith.addf %add3A_129, %mul3A_134 : vector<16xf32>
        %add3A_136 = arith.constant 80 : i32
        %add3A_137 = arith.addi %add3A_108, %add3A_136 : i32
        %get3A_138 = arith.index_cast %add3A_137 : i32 to index
        %get3A_139 = tpu.vector_load %arg5[%get3A_138] {strides = array<i32>} : memref<92160xf32, #tpu.memory_space<vmem>>, vector<16xf32>,
        %mul3A_140 = arith.mulf %get3A_139, %get3A_24 : vector<16xf32>
        %add3A_141 = arith.addf %add3A_135, %mul3A_140 : vector<16xf32>
        %add3A_142 = arith.constant 96 : i32
        %add3A_143 = arith.addi %add3A_108, %add3A_142 : i32
        %get3A_144 = arith.index_cast %add3A_143 : i32 to index
        %get3A_145 = tpu.vector_load %arg5[%get3A_144] {strides = array<i32>} : memref<92160xf32, #tpu.memory_space<vmem>>, vector<16xf32>,
        %mul3A_146 = arith.mulf %get3A_145, %get3A_26 : vector<16xf32>
        %add3A_147 = arith.addf %add3A_141, %mul3A_146 : vector<16xf32>
        %add3A_148 = arith.constant 112 : i32
        %add3A_149 = arith.addi %add3A_108, %add3A_148 : i32
        %get3A_150 = arith.index_cast %add3A_149 : i32 to index
        %get3A_151 = tpu.vector_load %arg5[%get3A_150] {strides = array<i32>} : memref<92160xf32, #tpu.memory_space<vmem>>, vector<16xf32>,
        %mul3A_152 = arith.mulf %get3A_151, %get3A_28 : vector<16xf32>
        %add3A_153 = arith.addf %add3A_147, %mul3A_152 : vector<16xf32>
        %rev3A = arith.constant 15 : i32
        %rev3A_154 = vector.broadcast %rev3A : i32 to vector<16xi32>
        %rev3A_155 = tpu.iota {dimensions = array<i32: 0>} : vector<16xi32>
        %rev3A_156 = arith.subi %rev3A_154, %rev3A_155 : vector<16xi32>
        %rev3A_157 = tpu.dynamic_gather %add3A_153[%rev3A_156] in [0] : vector<16xf32>, vector<16xi32> -> vector<16xf32>
        %add3A_158 = arith.addf %add3A_153, %rev3A_157 : vector<16xf32>
        %add3A_159 = arith.constant 128 : i32
        %add3A_160 = arith.addi %add3A_105, %add3A_159 : i32
        %get3A_161 = arith.index_cast %add3A_160 : i32 to index
        %get3A_162 = tpu.vector_load %arg5[%get3A_161] {strides = array<i32>} : memref<92160xf32, #tpu.memory_space<vmem>>, vector<16xf32>,
        %mul3A_163 = arith.mulf %get3A_162, %get3A_14 : vector<16xf32>
        %add3A_164 = arith.constant 16 : i32
        %add3A_165 = arith.addi %add3A_160, %add3A_164 : i32
        %get3A_166 = arith.index_cast %add3A_165 : i32 to index
        %get3A_167 = tpu.vector_load %arg5[%get3A_166] {strides = array<i32>} : memref<92160xf32, #tpu.memory_space<vmem>>, vector<16xf32>,
        %mul3A_168 = arith.mulf %get3A_167, %get3A_16 : vector<16xf32>
        %add3A_169 = arith.addf %mul3A_163, %mul3A_168 : vector<16xf32>
        %add3A_170 = arith.constant 32 : i32
        %add3A_171 = arith.addi %add3A_160, %add3A_170 : i32
        %get3A_172 = arith.index_cast %add3A_171 : i32 to index
        %get3A_173 = tpu.vector_load %arg5[%get3A_172] {strides = array<i32>} : memref<92160xf32, #tpu.memory_space<vmem>>, vector<16xf32>,
        %mul3A_174 = arith.mulf %get3A_173, %get3A_18 : vector<16xf32>
        %add3A_175 = arith.addf %add3A_169, %mul3A_174 : vector<16xf32>
        %add3A_176 = arith.constant 48 : i32
        %add3A_177 = arith.addi %add3A_160, %add3A_176 : i32
        %get3A_178 = arith.index_cast %add3A_177 : i32 to index
        %get3A_179 = tpu.vector_load %arg5[%get3A_178] {strides = array<i32>} : memref<92160xf32, #tpu.memory_space<vmem>>, vector<16xf32>,
        %mul3A_180 = arith.mulf %get3A_179, %get3A_20 : vector<16xf32>
        %add3A_181 = arith.addf %add3A_175, %mul3A_180 : vector<16xf32>
        %add3A_182 = arith.constant 64 : i32
        %add3A_183 = arith.addi %add3A_160, %add3A_182 : i32
        %get3A_184 = arith.index_cast %add3A_183 : i32 to index
        %get3A_185 = tpu.vector_load %arg5[%get3A_184] {strides = array<i32>} : memref<92160xf32, #tpu.memory_space<vmem>>, vector<16xf32>,
        %mul3A_186 = arith.mulf %get3A_185, %get3A_22 : vector<16xf32>
        %add3A_187 = arith.addf %add3A_181, %mul3A_186 : vector<16xf32>
        %add3A_188 = arith.constant 80 : i32
        %add3A_189 = arith.addi %add3A_160, %add3A_188 : i32
        %get3A_190 = arith.index_cast %add3A_189 : i32 to index
        %get3A_191 = tpu.vector_load %arg5[%get3A_190] {strides = array<i32>} : memref<92160xf32, #tpu.memory_space<vmem>>, vector<16xf32>,
        %mul3A_192 = arith.mulf %get3A_191, %get3A_24 : vector<16xf32>
        %add3A_193 = arith.addf %add3A_187, %mul3A_192 : vector<16xf32>
        %add3A_194 = arith.constant 96 : i32
        %add3A_195 = arith.addi %add3A_160, %add3A_194 : i32
        %get3A_196 = arith.index_cast %add3A_195 : i32 to index
        %get3A_197 = tpu.vector_load %arg5[%get3A_196] {strides = array<i32>} : memref<92160xf32, #tpu.memory_space<vmem>>, vector<16xf32>,
        %mul3A_198 = arith.mulf %get3A_197, %get3A_26 : vector<16xf32>
        %add3A_199 = arith.addf %add3A_193, %mul3A_198 : vector<16xf32>
        %add3A_200 = arith.constant 112 : i32
        %add3A_201 = arith.addi %add3A_160, %add3A_200 : i32
        %get3A_202 = arith.index_cast %add3A_201 : i32 to index
        %get3A_203 = tpu.vector_load %arg5[%get3A_202] {strides = array<i32>} : memref<92160xf32, #tpu.memory_space<vmem>>, vector<16xf32>,
        %mul3A_204 = arith.mulf %get3A_203, %get3A_28 : vector<16xf32>
        %add3A_205 = arith.addf %add3A_199, %mul3A_204 : vector<16xf32>
        %rev3A_206 = arith.constant 15 : i32
        %rev3A_207 = vector.broadcast %rev3A_206 : i32 to vector<16xi32>
        %rev3A_208 = tpu.iota {dimensions = array<i32: 0>} : vector<16xi32>
        %rev3A_209 = arith.subi %rev3A_207, %rev3A_208 : vector<16xi32>
        %rev3A_210 = tpu.dynamic_gather %add3A_205[%rev3A_209] in [0] : vector<16xf32>, vector<16xi32> -> vector<16xf32>
        %add3A_211 = arith.addf %add3A_205, %rev3A_210 : vector<16xf32>
        %select_n3A_212 = arith.select %lt3A_30, %add3A_158, %add3A_211 : vector<16xi1>, vector<16xf32>
        %broadcast_in_dim3A_213 = arith.constant true
        %broadcast_in_dim3A_214 = vector.broadcast %broadcast_in_dim3A_213 : i1 to vector<16xi1>
        %masked_cumsum3A = tpu.scan <sum>, %select_n3A_212 masked %broadcast_in_dim3A_214 : vector<16xf32>, vector<16xi1> -> vector<16xf32>
        %slice3A = vector.extract_strided_slice %masked_cumsum3A {offsets = [7], sizes = [1], strides = [1]} : vector<16xf32> to vector<1xf32>
        %squeeze3A = vector.extract %slice3A[0] : f32 from vector<1xf32>
        %slice3A_215 = vector.extract_strided_slice %masked_cumsum3A {offsets = [15], sizes = [1], strides = [1]} : vector<16xf32> to vector<1xf32>
        %squeeze3A_216 = vector.extract %slice3A_215[0] : f32 from vector<1xf32>
        %slice3A_217 = vector.extract_strided_slice %masked_cumsum3A {offsets = [7], sizes = [1], strides = [1]} : vector<16xf32> to vector<1xf32>
        %squeeze3A_218 = vector.extract %slice3A_217[0] : f32 from vector<1xf32>
        %sub3A = arith.subf %squeeze3A_216, %squeeze3A_218 : f32
        %eq3A_219 = arith.constant 0 : i32
        %eq3A_220 = vector.broadcast %eq3A_219 : i32 to vector<16xi32>
        %eq3A_221 = arith.cmpi eq, %iota3A, %eq3A_220 : vector<16xi32>
        %broadcast_in_dim3A_222 = vector.broadcast %squeeze3A : f32 to vector<16xf32>
        %select_n3A_223 = arith.select %eq3A_221, %broadcast_in_dim3A_222, %broadcast_in_dim3A_106 : vector<16xi1>, vector<16xf32>
        %eq3A_224 = arith.constant 1 : i32
        %eq3A_225 = vector.broadcast %eq3A_224 : i32 to vector<16xi32>
        %eq3A_226 = arith.cmpi eq, %iota3A, %eq3A_225 : vector<16xi32>
        %broadcast_in_dim3A_227 = vector.broadcast %sub3A : f32 to vector<16xf32>
        %select_n3A_228 = arith.select %eq3A_226, %broadcast_in_dim3A_227, %select_n3A_223 : vector<16xi1>, vector<16xf32>
        %add3A_229 = arith.constant 256 : i32
        %add3A_230 = arith.addi %add3A_105, %add3A_229 : i32
        %get3A_231 = arith.index_cast %add3A_230 : i32 to index
        %get3A_232 = tpu.vector_load %arg5[%get3A_231] {strides = array<i32>} : memref<92160xf32, #tpu.memory_space<vmem>>, vector<16xf32>,
        %mul3A_233 = arith.mulf %get3A_232, %get3A_14 : vector<16xf32>
        %add3A_234 = arith.constant 16 : i32
        %add3A_235 = arith.addi %add3A_230, %add3A_234 : i32
        %get3A_236 = arith.index_cast %add3A_235 : i32 to index
        %get3A_237 = tpu.vector_load %arg5[%get3A_236] {strides = array<i32>} : memref<92160xf32, #tpu.memory_space<vmem>>, vector<16xf32>,
        %mul3A_238 = arith.mulf %get3A_237, %get3A_16 : vector<16xf32>
        %add3A_239 = arith.addf %mul3A_233, %mul3A_238 : vector<16xf32>
        %add3A_240 = arith.constant 32 : i32
        %add3A_241 = arith.addi %add3A_230, %add3A_240 : i32
        %get3A_242 = arith.index_cast %add3A_241 : i32 to index
        %get3A_243 = tpu.vector_load %arg5[%get3A_242] {strides = array<i32>} : memref<92160xf32, #tpu.memory_space<vmem>>, vector<16xf32>,
        %mul3A_244 = arith.mulf %get3A_243, %get3A_18 : vector<16xf32>
        %add3A_245 = arith.addf %add3A_239, %mul3A_244 : vector<16xf32>
        %add3A_246 = arith.constant 48 : i32
        %add3A_247 = arith.addi %add3A_230, %add3A_246 : i32
        %get3A_248 = arith.index_cast %add3A_247 : i32 to index
        %get3A_249 = tpu.vector_load %arg5[%get3A_248] {strides = array<i32>} : memref<92160xf32, #tpu.memory_space<vmem>>, vector<16xf32>,
        %mul3A_250 = arith.mulf %get3A_249, %get3A_20 : vector<16xf32>
        %add3A_251 = arith.addf %add3A_245, %mul3A_250 : vector<16xf32>
        %add3A_252 = arith.constant 64 : i32
        %add3A_253 = arith.addi %add3A_230, %add3A_252 : i32
        %get3A_254 = arith.index_cast %add3A_253 : i32 to index
        %get3A_255 = tpu.vector_load %arg5[%get3A_254] {strides = array<i32>} : memref<92160xf32, #tpu.memory_space<vmem>>, vector<16xf32>,
        %mul3A_256 = arith.mulf %get3A_255, %get3A_22 : vector<16xf32>
        %add3A_257 = arith.addf %add3A_251, %mul3A_256 : vector<16xf32>
        %add3A_258 = arith.constant 80 : i32
        %add3A_259 = arith.addi %add3A_230, %add3A_258 : i32
        %get3A_260 = arith.index_cast %add3A_259 : i32 to index
        %get3A_261 = tpu.vector_load %arg5[%get3A_260] {strides = array<i32>} : memref<92160xf32, #tpu.memory_space<vmem>>, vector<16xf32>,
        %mul3A_262 = arith.mulf %get3A_261, %get3A_24 : vector<16xf32>
        %add3A_263 = arith.addf %add3A_257, %mul3A_262 : vector<16xf32>
        %add3A_264 = arith.constant 96 : i32
        %add3A_265 = arith.addi %add3A_230, %add3A_264 : i32
        %get3A_266 = arith.index_cast %add3A_265 : i32 to index
        %get3A_267 = tpu.vector_load %arg5[%get3A_266] {strides = array<i32>} : memref<92160xf32, #tpu.memory_space<vmem>>, vector<16xf32>,
        %mul3A_268 = arith.mulf %get3A_267, %get3A_26 : vector<16xf32>
        %add3A_269 = arith.addf %add3A_263, %mul3A_268 : vector<16xf32>
        %add3A_270 = arith.constant 112 : i32
        %add3A_271 = arith.addi %add3A_230, %add3A_270 : i32
        %get3A_272 = arith.index_cast %add3A_271 : i32 to index
        %get3A_273 = tpu.vector_load %arg5[%get3A_272] {strides = array<i32>} : memref<92160xf32, #tpu.memory_space<vmem>>, vector<16xf32>,
        %mul3A_274 = arith.mulf %get3A_273, %get3A_28 : vector<16xf32>
        %add3A_275 = arith.addf %add3A_269, %mul3A_274 : vector<16xf32>
        %rev3A_276 = arith.constant 15 : i32
        %rev3A_277 = vector.broadcast %rev3A_276 : i32 to vector<16xi32>
        %rev3A_278 = tpu.iota {dimensions = array<i32: 0>} : vector<16xi32>
        %rev3A_279 = arith.subi %rev3A_277, %rev3A_278 : vector<16xi32>
        %rev3A_280 = tpu.dynamic_gather %add3A_275[%rev3A_279] in [0] : vector<16xf32>, vector<16xi32> -> vector<16xf32>
        %add3A_281 = arith.addf %add3A_275, %rev3A_280 : vector<16xf32>
        %add3A_282 = arith.constant 384 : i32
        %add3A_283 = arith.addi %add3A_105, %add3A_282 : i32
        %get3A_284 = arith.index_cast %add3A_283 : i32 to index
        %get3A_285 = tpu.vector_load %arg5[%get3A_284] {strides = array<i32>} : memref<92160xf32, #tpu.memory_space<vmem>>, vector<16xf32>,
        %mul3A_286 = arith.mulf %get3A_285, %get3A_14 : vector<16xf32>
        %add3A_287 = arith.constant 16 : i32
        %add3A_288 = arith.addi %add3A_283, %add3A_287 : i32
        %get3A_289 = arith.index_cast %add3A_288 : i32 to index
        %get3A_290 = tpu.vector_load %arg5[%get3A_289] {strides = array<i32>} : memref<92160xf32, #tpu.memory_space<vmem>>, vector<16xf32>,
        %mul3A_291 = arith.mulf %get3A_290, %get3A_16 : vector<16xf32>
        %add3A_292 = arith.addf %mul3A_286, %mul3A_291 : vector<16xf32>
        %add3A_293 = arith.constant 32 : i32
        %add3A_294 = arith.addi %add3A_283, %add3A_293 : i32
        %get3A_295 = arith.index_cast %add3A_294 : i32 to index
        %get3A_296 = tpu.vector_load %arg5[%get3A_295] {strides = array<i32>} : memref<92160xf32, #tpu.memory_space<vmem>>, vector<16xf32>,
        %mul3A_297 = arith.mulf %get3A_296, %get3A_18 : vector<16xf32>
        %add3A_298 = arith.addf %add3A_292, %mul3A_297 : vector<16xf32>
        %add3A_299 = arith.constant 48 : i32
        %add3A_300 = arith.addi %add3A_283, %add3A_299 : i32
        %get3A_301 = arith.index_cast %add3A_300 : i32 to index
        %get3A_302 = tpu.vector_load %arg5[%get3A_301] {strides = array<i32>} : memref<92160xf32, #tpu.memory_space<vmem>>, vector<16xf32>,
        %mul3A_303 = arith.mulf %get3A_302, %get3A_20 : vector<16xf32>
        %add3A_304 = arith.addf %add3A_298, %mul3A_303 : vector<16xf32>
        %add3A_305 = arith.constant 64 : i32
        %add3A_306 = arith.addi %add3A_283, %add3A_305 : i32
        %get3A_307 = arith.index_cast %add3A_306 : i32 to index
        %get3A_308 = tpu.vector_load %arg5[%get3A_307] {strides = array<i32>} : memref<92160xf32, #tpu.memory_space<vmem>>, vector<16xf32>,
        %mul3A_309 = arith.mulf %get3A_308, %get3A_22 : vector<16xf32>
        %add3A_310 = arith.addf %add3A_304, %mul3A_309 : vector<16xf32>
        %add3A_311 = arith.constant 80 : i32
        %add3A_312 = arith.addi %add3A_283, %add3A_311 : i32
        %get3A_313 = arith.index_cast %add3A_312 : i32 to index
        %get3A_314 = tpu.vector_load %arg5[%get3A_313] {strides = array<i32>} : memref<92160xf32, #tpu.memory_space<vmem>>, vector<16xf32>,
        %mul3A_315 = arith.mulf %get3A_314, %get3A_24 : vector<16xf32>
        %add3A_316 = arith.addf %add3A_310, %mul3A_315 : vector<16xf32>
        %add3A_317 = arith.constant 96 : i32
        %add3A_318 = arith.addi %add3A_283, %add3A_317 : i32
        %get3A_319 = arith.index_cast %add3A_318 : i32 to index
        %get3A_320 = tpu.vector_load %arg5[%get3A_319] {strides = array<i32>} : memref<92160xf32, #tpu.memory_space<vmem>>, vector<16xf32>,
        %mul3A_321 = arith.mulf %get3A_320, %get3A_26 : vector<16xf32>
        %add3A_322 = arith.addf %add3A_316, %mul3A_321 : vector<16xf32>
        %add3A_323 = arith.constant 112 : i32
        %add3A_324 = arith.addi %add3A_283, %add3A_323 : i32
        %get3A_325 = arith.index_cast %add3A_324 : i32 to index
        %get3A_326 = tpu.vector_load %arg5[%get3A_325] {strides = array<i32>} : memref<92160xf32, #tpu.memory_space<vmem>>, vector<16xf32>,
        %mul3A_327 = arith.mulf %get3A_326, %get3A_28 : vector<16xf32>
        %add3A_328 = arith.addf %add3A_322, %mul3A_327 : vector<16xf32>
        %rev3A_329 = arith.constant 15 : i32
        %rev3A_330 = vector.broadcast %rev3A_329 : i32 to vector<16xi32>
        %rev3A_331 = tpu.iota {dimensions = array<i32: 0>} : vector<16xi32>
        %rev3A_332 = arith.subi %rev3A_330, %rev3A_331 : vector<16xi32>
        %rev3A_333 = tpu.dynamic_gather %add3A_328[%rev3A_332] in [0] : vector<16xf32>, vector<16xi32> -> vector<16xf32>
        %add3A_334 = arith.addf %add3A_328, %rev3A_333 : vector<16xf32>
        %select_n3A_335 = arith.select %lt3A_30, %add3A_281, %add3A_334 : vector<16xi1>, vector<16xf32>
        %broadcast_in_dim3A_336 = arith.constant true
        %broadcast_in_dim3A_337 = vector.broadcast %broadcast_in_dim3A_336 : i1 to vector<16xi1>
        %masked_cumsum3A_338 = tpu.scan <sum>, %select_n3A_335 masked %broadcast_in_dim3A_337 : vector<16xf32>, vector<16xi1> -> vector<16xf32>
        %slice3A_339 = vector.extract_strided_slice %masked_cumsum3A_338 {offsets = [7], sizes = [1], strides = [1]} : vector<16xf32> to vector<1xf32>
        %squeeze3A_340 = vector.extract %slice3A_339[0] : f32 from vector<1xf32>
        %slice3A_341 = vector.extract_strided_slice %masked_cumsum3A_338 {offsets = [15], sizes = [1], strides = [1]} : vector<16xf32> to vector<1xf32>
        %squeeze3A_342 = vector.extract %slice3A_341[0] : f32 from vector<1xf32>
        %slice3A_343 = vector.extract_strided_slice %masked_cumsum3A_338 {offsets = [7], sizes = [1], strides = [1]} : vector<16xf32> to vector<1xf32>
        %squeeze3A_344 = vector.extract %slice3A_343[0] : f32 from vector<1xf32>
        %sub3A_345 = arith.subf %squeeze3A_342, %squeeze3A_344 : f32
        %eq3A_346 = arith.constant 2 : i32
        %eq3A_347 = vector.broadcast %eq3A_346 : i32 to vector<16xi32>
        %eq3A_348 = arith.cmpi eq, %iota3A, %eq3A_347 : vector<16xi32>
        %broadcast_in_dim3A_349 = vector.broadcast %squeeze3A_340 : f32 to vector<16xf32>
        %select_n3A_350 = arith.select %eq3A_348, %broadcast_in_dim3A_349, %select_n3A_228 : vector<16xi1>, vector<16xf32>
        %eq3A_351 = arith.constant 3 : i32
        %eq3A_352 = vector.broadcast %eq3A_351 : i32 to vector<16xi32>
        %eq3A_353 = arith.cmpi eq, %iota3A, %eq3A_352 : vector<16xi32>
        %broadcast_in_dim3A_354 = vector.broadcast %sub3A_345 : f32 to vector<16xf32>
        %select_n3A_355 = arith.select %eq3A_353, %broadcast_in_dim3A_354, %select_n3A_350 : vector<16xi1>, vector<16xf32>
        %add3A_356 = arith.constant 512 : i32
        %add3A_357 = arith.addi %add3A_105, %add3A_356 : i32
        %get3A_358 = arith.index_cast %add3A_357 : i32 to index
        %get3A_359 = tpu.vector_load %arg5[%get3A_358] {strides = array<i32>} : memref<92160xf32, #tpu.memory_space<vmem>>, vector<16xf32>,
        %mul3A_360 = arith.mulf %get3A_359, %get3A_14 : vector<16xf32>
        %add3A_361 = arith.constant 16 : i32
        %add3A_362 = arith.addi %add3A_357, %add3A_361 : i32
        %get3A_363 = arith.index_cast %add3A_362 : i32 to index
        %get3A_364 = tpu.vector_load %arg5[%get3A_363] {strides = array<i32>} : memref<92160xf32, #tpu.memory_space<vmem>>, vector<16xf32>,
        %mul3A_365 = arith.mulf %get3A_364, %get3A_16 : vector<16xf32>
        %add3A_366 = arith.addf %mul3A_360, %mul3A_365 : vector<16xf32>
        %add3A_367 = arith.constant 32 : i32
        %add3A_368 = arith.addi %add3A_357, %add3A_367 : i32
        %get3A_369 = arith.index_cast %add3A_368 : i32 to index
        %get3A_370 = tpu.vector_load %arg5[%get3A_369] {strides = array<i32>} : memref<92160xf32, #tpu.memory_space<vmem>>, vector<16xf32>,
        %mul3A_371 = arith.mulf %get3A_370, %get3A_18 : vector<16xf32>
        %add3A_372 = arith.addf %add3A_366, %mul3A_371 : vector<16xf32>
        %add3A_373 = arith.constant 48 : i32
        %add3A_374 = arith.addi %add3A_357, %add3A_373 : i32
        %get3A_375 = arith.index_cast %add3A_374 : i32 to index
        %get3A_376 = tpu.vector_load %arg5[%get3A_375] {strides = array<i32>} : memref<92160xf32, #tpu.memory_space<vmem>>, vector<16xf32>,
        %mul3A_377 = arith.mulf %get3A_376, %get3A_20 : vector<16xf32>
        %add3A_378 = arith.addf %add3A_372, %mul3A_377 : vector<16xf32>
        %add3A_379 = arith.constant 64 : i32
        %add3A_380 = arith.addi %add3A_357, %add3A_379 : i32
        %get3A_381 = arith.index_cast %add3A_380 : i32 to index
        %get3A_382 = tpu.vector_load %arg5[%get3A_381] {strides = array<i32>} : memref<92160xf32, #tpu.memory_space<vmem>>, vector<16xf32>,
        %mul3A_383 = arith.mulf %get3A_382, %get3A_22 : vector<16xf32>
        %add3A_384 = arith.addf %add3A_378, %mul3A_383 : vector<16xf32>
        %add3A_385 = arith.constant 80 : i32
        %add3A_386 = arith.addi %add3A_357, %add3A_385 : i32
        %get3A_387 = arith.index_cast %add3A_386 : i32 to index
        %get3A_388 = tpu.vector_load %arg5[%get3A_387] {strides = array<i32>} : memref<92160xf32, #tpu.memory_space<vmem>>, vector<16xf32>,
        %mul3A_389 = arith.mulf %get3A_388, %get3A_24 : vector<16xf32>
        %add3A_390 = arith.addf %add3A_384, %mul3A_389 : vector<16xf32>
        %add3A_391 = arith.constant 96 : i32
        %add3A_392 = arith.addi %add3A_357, %add3A_391 : i32
        %get3A_393 = arith.index_cast %add3A_392 : i32 to index
        %get3A_394 = tpu.vector_load %arg5[%get3A_393] {strides = array<i32>} : memref<92160xf32, #tpu.memory_space<vmem>>, vector<16xf32>,
        %mul3A_395 = arith.mulf %get3A_394, %get3A_26 : vector<16xf32>
        %add3A_396 = arith.addf %add3A_390, %mul3A_395 : vector<16xf32>
        %add3A_397 = arith.constant 112 : i32
        %add3A_398 = arith.addi %add3A_357, %add3A_397 : i32
        %get3A_399 = arith.index_cast %add3A_398 : i32 to index
        %get3A_400 = tpu.vector_load %arg5[%get3A_399] {strides = array<i32>} : memref<92160xf32, #tpu.memory_space<vmem>>, vector<16xf32>,
        %mul3A_401 = arith.mulf %get3A_400, %get3A_28 : vector<16xf32>
        %add3A_402 = arith.addf %add3A_396, %mul3A_401 : vector<16xf32>
        %rev3A_403 = arith.constant 15 : i32
        %rev3A_404 = vector.broadcast %rev3A_403 : i32 to vector<16xi32>
        %rev3A_405 = tpu.iota {dimensions = array<i32: 0>} : vector<16xi32>
        %rev3A_406 = arith.subi %rev3A_404, %rev3A_405 : vector<16xi32>
        %rev3A_407 = tpu.dynamic_gather %add3A_402[%rev3A_406] in [0] : vector<16xf32>, vector<16xi32> -> vector<16xf32>
        %add3A_408 = arith.addf %add3A_402, %rev3A_407 : vector<16xf32>
        %add3A_409 = arith.constant 640 : i32
        %add3A_410 = arith.addi %add3A_105, %add3A_409 : i32
        %get3A_411 = arith.index_cast %add3A_410 : i32 to index
        %get3A_412 = tpu.vector_load %arg5[%get3A_411] {strides = array<i32>} : memref<92160xf32, #tpu.memory_space<vmem>>, vector<16xf32>,
        %mul3A_413 = arith.mulf %get3A_412, %get3A_14 : vector<16xf32>
        %add3A_414 = arith.constant 16 : i32
        %add3A_415 = arith.addi %add3A_410, %add3A_414 : i32
        %get3A_416 = arith.index_cast %add3A_415 : i32 to index
        %get3A_417 = tpu.vector_load %arg5[%get3A_416] {strides = array<i32>} : memref<92160xf32, #tpu.memory_space<vmem>>, vector<16xf32>,
        %mul3A_418 = arith.mulf %get3A_417, %get3A_16 : vector<16xf32>
        %add3A_419 = arith.addf %mul3A_413, %mul3A_418 : vector<16xf32>
        %add3A_420 = arith.constant 32 : i32
        %add3A_421 = arith.addi %add3A_410, %add3A_420 : i32
        %get3A_422 = arith.index_cast %add3A_421 : i32 to index
        %get3A_423 = tpu.vector_load %arg5[%get3A_422] {strides = array<i32>} : memref<92160xf32, #tpu.memory_space<vmem>>, vector<16xf32>,
        %mul3A_424 = arith.mulf %get3A_423, %get3A_18 : vector<16xf32>
        %add3A_425 = arith.addf %add3A_419, %mul3A_424 : vector<16xf32>
        %add3A_426 = arith.constant 48 : i32
        %add3A_427 = arith.addi %add3A_410, %add3A_426 : i32
        %get3A_428 = arith.index_cast %add3A_427 : i32 to index
        %get3A_429 = tpu.vector_load %arg5[%get3A_428] {strides = array<i32>} : memref<92160xf32, #tpu.memory_space<vmem>>, vector<16xf32>,
        %mul3A_430 = arith.mulf %get3A_429, %get3A_20 : vector<16xf32>
        %add3A_431 = arith.addf %add3A_425, %mul3A_430 : vector<16xf32>
        %add3A_432 = arith.constant 64 : i32
        %add3A_433 = arith.addi %add3A_410, %add3A_432 : i32
        %get3A_434 = arith.index_cast %add3A_433 : i32 to index
        %get3A_435 = tpu.vector_load %arg5[%get3A_434] {strides = array<i32>} : memref<92160xf32, #tpu.memory_space<vmem>>, vector<16xf32>,
        %mul3A_436 = arith.mulf %get3A_435, %get3A_22 : vector<16xf32>
        %add3A_437 = arith.addf %add3A_431, %mul3A_436 : vector<16xf32>
        %add3A_438 = arith.constant 80 : i32
        %add3A_439 = arith.addi %add3A_410, %add3A_438 : i32
        %get3A_440 = arith.index_cast %add3A_439 : i32 to index
        %get3A_441 = tpu.vector_load %arg5[%get3A_440] {strides = array<i32>} : memref<92160xf32, #tpu.memory_space<vmem>>, vector<16xf32>,
        %mul3A_442 = arith.mulf %get3A_441, %get3A_24 : vector<16xf32>
        %add3A_443 = arith.addf %add3A_437, %mul3A_442 : vector<16xf32>
        %add3A_444 = arith.constant 96 : i32
        %add3A_445 = arith.addi %add3A_410, %add3A_444 : i32
        %get3A_446 = arith.index_cast %add3A_445 : i32 to index
        %get3A_447 = tpu.vector_load %arg5[%get3A_446] {strides = array<i32>} : memref<92160xf32, #tpu.memory_space<vmem>>, vector<16xf32>,
        %mul3A_448 = arith.mulf %get3A_447, %get3A_26 : vector<16xf32>
        %add3A_449 = arith.addf %add3A_443, %mul3A_448 : vector<16xf32>
        %add3A_450 = arith.constant 112 : i32
        %add3A_451 = arith.addi %add3A_410, %add3A_450 : i32
        %get3A_452 = arith.index_cast %add3A_451 : i32 to index
        %get3A_453 = tpu.vector_load %arg5[%get3A_452] {strides = array<i32>} : memref<92160xf32, #tpu.memory_space<vmem>>, vector<16xf32>,
        %mul3A_454 = arith.mulf %get3A_453, %get3A_28 : vector<16xf32>
        %add3A_455 = arith.addf %add3A_449, %mul3A_454 : vector<16xf32>
        %rev3A_456 = arith.constant 15 : i32
        %rev3A_457 = vector.broadcast %rev3A_456 : i32 to vector<16xi32>
        %rev3A_458 = tpu.iota {dimensions = array<i32: 0>} : vector<16xi32>
        %rev3A_459 = arith.subi %rev3A_457, %rev3A_458 : vector<16xi32>
        %rev3A_460 = tpu.dynamic_gather %add3A_455[%rev3A_459] in [0] : vector<16xf32>, vector<16xi32> -> vector<16xf32>
        %add3A_461 = arith.addf %add3A_455, %rev3A_460 : vector<16xf32>
        %select_n3A_462 = arith.select %lt3A_30, %add3A_408, %add3A_461 : vector<16xi1>, vector<16xf32>
        %broadcast_in_dim3A_463 = arith.constant true
        %broadcast_in_dim3A_464 = vector.broadcast %broadcast_in_dim3A_463 : i1 to vector<16xi1>
        %masked_cumsum3A_465 = tpu.scan <sum>, %select_n3A_462 masked %broadcast_in_dim3A_464 : vector<16xf32>, vector<16xi1> -> vector<16xf32>
        %slice3A_466 = vector.extract_strided_slice %masked_cumsum3A_465 {offsets = [7], sizes = [1], strides = [1]} : vector<16xf32> to vector<1xf32>
        %squeeze3A_467 = vector.extract %slice3A_466[0] : f32 from vector<1xf32>
        %slice3A_468 = vector.extract_strided_slice %masked_cumsum3A_465 {offsets = [15], sizes = [1], strides = [1]} : vector<16xf32> to vector<1xf32>
        %squeeze3A_469 = vector.extract %slice3A_468[0] : f32 from vector<1xf32>
        %slice3A_470 = vector.extract_strided_slice %masked_cumsum3A_465 {offsets = [7], sizes = [1], strides = [1]} : vector<16xf32> to vector<1xf32>
        %squeeze3A_471 = vector.extract %slice3A_470[0] : f32 from vector<1xf32>
        %sub3A_472 = arith.subf %squeeze3A_469, %squeeze3A_471 : f32
        %eq3A_473 = arith.constant 4 : i32
        %eq3A_474 = vector.broadcast %eq3A_473 : i32 to vector<16xi32>
        %eq3A_475 = arith.cmpi eq, %iota3A, %eq3A_474 : vector<16xi32>
        %broadcast_in_dim3A_476 = vector.broadcast %squeeze3A_467 : f32 to vector<16xf32>
        %select_n3A_477 = arith.select %eq3A_475, %broadcast_in_dim3A_476, %select_n3A_355 : vector<16xi1>, vector<16xf32>
        %eq3A_478 = arith.constant 5 : i32
        %eq3A_479 = vector.broadcast %eq3A_478 : i32 to vector<16xi32>
        %eq3A_480 = arith.cmpi eq, %iota3A, %eq3A_479 : vector<16xi32>
        %broadcast_in_dim3A_481 = vector.broadcast %sub3A_472 : f32 to vector<16xf32>
        %select_n3A_482 = arith.select %eq3A_480, %broadcast_in_dim3A_481, %select_n3A_477 : vector<16xi1>, vector<16xf32>
        %add3A_483 = arith.constant 768 : i32
        %add3A_484 = arith.addi %add3A_105, %add3A_483 : i32
        %get3A_485 = arith.index_cast %add3A_484 : i32 to index
        %get3A_486 = tpu.vector_load %arg5[%get3A_485] {strides = array<i32>} : memref<92160xf32, #tpu.memory_space<vmem>>, vector<16xf32>,
        %mul3A_487 = arith.mulf %get3A_486, %get3A_14 : vector<16xf32>
        %add3A_488 = arith.constant 16 : i32
        %add3A_489 = arith.addi %add3A_484, %add3A_488 : i32
        %get3A_490 = arith.index_cast %add3A_489 : i32 to index
        %get3A_491 = tpu.vector_load %arg5[%get3A_490] {strides = array<i32>} : memref<92160xf32, #tpu.memory_space<vmem>>, vector<16xf32>,
        %mul3A_492 = arith.mulf %get3A_491, %get3A_16 : vector<16xf32>
        %add3A_493 = arith.addf %mul3A_487, %mul3A_492 : vector<16xf32>
        %add3A_494 = arith.constant 32 : i32
        %add3A_495 = arith.addi %add3A_484, %add3A_494 : i32
        %get3A_496 = arith.index_cast %add3A_495 : i32 to index
        %get3A_497 = tpu.vector_load %arg5[%get3A_496] {strides = array<i32>} : memref<92160xf32, #tpu.memory_space<vmem>>, vector<16xf32>,
        %mul3A_498 = arith.mulf %get3A_497, %get3A_18 : vector<16xf32>
        %add3A_499 = arith.addf %add3A_493, %mul3A_498 : vector<16xf32>
        %add3A_500 = arith.constant 48 : i32
        %add3A_501 = arith.addi %add3A_484, %add3A_500 : i32
        %get3A_502 = arith.index_cast %add3A_501 : i32 to index
        %get3A_503 = tpu.vector_load %arg5[%get3A_502] {strides = array<i32>} : memref<92160xf32, #tpu.memory_space<vmem>>, vector<16xf32>,
        %mul3A_504 = arith.mulf %get3A_503, %get3A_20 : vector<16xf32>
        %add3A_505 = arith.addf %add3A_499, %mul3A_504 : vector<16xf32>
        %add3A_506 = arith.constant 64 : i32
        %add3A_507 = arith.addi %add3A_484, %add3A_506 : i32
        %get3A_508 = arith.index_cast %add3A_507 : i32 to index
        %get3A_509 = tpu.vector_load %arg5[%get3A_508] {strides = array<i32>} : memref<92160xf32, #tpu.memory_space<vmem>>, vector<16xf32>,
        %mul3A_510 = arith.mulf %get3A_509, %get3A_22 : vector<16xf32>
        %add3A_511 = arith.addf %add3A_505, %mul3A_510 : vector<16xf32>
        %add3A_512 = arith.constant 80 : i32
        %add3A_513 = arith.addi %add3A_484, %add3A_512 : i32
        %get3A_514 = arith.index_cast %add3A_513 : i32 to index
        %get3A_515 = tpu.vector_load %arg5[%get3A_514] {strides = array<i32>} : memref<92160xf32, #tpu.memory_space<vmem>>, vector<16xf32>,
        %mul3A_516 = arith.mulf %get3A_515, %get3A_24 : vector<16xf32>
        %add3A_517 = arith.addf %add3A_511, %mul3A_516 : vector<16xf32>
        %add3A_518 = arith.constant 96 : i32
        %add3A_519 = arith.addi %add3A_484, %add3A_518 : i32
        %get3A_520 = arith.index_cast %add3A_519 : i32 to index
        %get3A_521 = tpu.vector_load %arg5[%get3A_520] {strides = array<i32>} : memref<92160xf32, #tpu.memory_space<vmem>>, vector<16xf32>,
        %mul3A_522 = arith.mulf %get3A_521, %get3A_26 : vector<16xf32>
        %add3A_523 = arith.addf %add3A_517, %mul3A_522 : vector<16xf32>
        %add3A_524 = arith.constant 112 : i32
        %add3A_525 = arith.addi %add3A_484, %add3A_524 : i32
        %get3A_526 = arith.index_cast %add3A_525 : i32 to index
        %get3A_527 = tpu.vector_load %arg5[%get3A_526] {strides = array<i32>} : memref<92160xf32, #tpu.memory_space<vmem>>, vector<16xf32>,
        %mul3A_528 = arith.mulf %get3A_527, %get3A_28 : vector<16xf32>
        %add3A_529 = arith.addf %add3A_523, %mul3A_528 : vector<16xf32>
        %rev3A_530 = arith.constant 15 : i32
        %rev3A_531 = vector.broadcast %rev3A_530 : i32 to vector<16xi32>
        %rev3A_532 = tpu.iota {dimensions = array<i32: 0>} : vector<16xi32>
        %rev3A_533 = arith.subi %rev3A_531, %rev3A_532 : vector<16xi32>
        %rev3A_534 = tpu.dynamic_gather %add3A_529[%rev3A_533] in [0] : vector<16xf32>, vector<16xi32> -> vector<16xf32>
        %add3A_535 = arith.addf %add3A_529, %rev3A_534 : vector<16xf32>
        %add3A_536 = arith.constant 896 : i32
        %add3A_537 = arith.addi %add3A_105, %add3A_536 : i32
        %get3A_538 = arith.index_cast %add3A_537 : i32 to index
        %get3A_539 = tpu.vector_load %arg5[%get3A_538] {strides = array<i32>} : memref<92160xf32, #tpu.memory_space<vmem>>, vector<16xf32>,
        %mul3A_540 = arith.mulf %get3A_539, %get3A_14 : vector<16xf32>
        %add3A_541 = arith.constant 16 : i32
        %add3A_542 = arith.addi %add3A_537, %add3A_541 : i32
        %get3A_543 = arith.index_cast %add3A_542 : i32 to index
        %get3A_544 = tpu.vector_load %arg5[%get3A_543] {strides = array<i32>} : memref<92160xf32, #tpu.memory_space<vmem>>, vector<16xf32>,
        %mul3A_545 = arith.mulf %get3A_544, %get3A_16 : vector<16xf32>
        %add3A_546 = arith.addf %mul3A_540, %mul3A_545 : vector<16xf32>
        %add3A_547 = arith.constant 32 : i32
        %add3A_548 = arith.addi %add3A_537, %add3A_547 : i32
        %get3A_549 = arith.index_cast %add3A_548 : i32 to index
        %get3A_550 = tpu.vector_load %arg5[%get3A_549] {strides = array<i32>} : memref<92160xf32, #tpu.memory_space<vmem>>, vector<16xf32>,
        %mul3A_551 = arith.mulf %get3A_550, %get3A_18 : vector<16xf32>
        %add3A_552 = arith.addf %add3A_546, %mul3A_551 : vector<16xf32>
        %add3A_553 = arith.constant 48 : i32
        %add3A_554 = arith.addi %add3A_537, %add3A_553 : i32
        %get3A_555 = arith.index_cast %add3A_554 : i32 to index
        %get3A_556 = tpu.vector_load %arg5[%get3A_555] {strides = array<i32>} : memref<92160xf32, #tpu.memory_space<vmem>>, vector<16xf32>,
        %mul3A_557 = arith.mulf %get3A_556, %get3A_20 : vector<16xf32>
        %add3A_558 = arith.addf %add3A_552, %mul3A_557 : vector<16xf32>
        %add3A_559 = arith.constant 64 : i32
        %add3A_560 = arith.addi %add3A_537, %add3A_559 : i32
        %get3A_561 = arith.index_cast %add3A_560 : i32 to index
        %get3A_562 = tpu.vector_load %arg5[%get3A_561] {strides = array<i32>} : memref<92160xf32, #tpu.memory_space<vmem>>, vector<16xf32>,
        %mul3A_563 = arith.mulf %get3A_562, %get3A_22 : vector<16xf32>
        %add3A_564 = arith.addf %add3A_558, %mul3A_563 : vector<16xf32>
        %add3A_565 = arith.constant 80 : i32
        %add3A_566 = arith.addi %add3A_537, %add3A_565 : i32
        %get3A_567 = arith.index_cast %add3A_566 : i32 to index
        %get3A_568 = tpu.vector_load %arg5[%get3A_567] {strides = array<i32>} : memref<92160xf32, #tpu.memory_space<vmem>>, vector<16xf32>,
        %mul3A_569 = arith.mulf %get3A_568, %get3A_24 : vector<16xf32>
        %add3A_570 = arith.addf %add3A_564, %mul3A_569 : vector<16xf32>
        %add3A_571 = arith.constant 96 : i32
        %add3A_572 = arith.addi %add3A_537, %add3A_571 : i32
        %get3A_573 = arith.index_cast %add3A_572 : i32 to index
        %get3A_574 = tpu.vector_load %arg5[%get3A_573] {strides = array<i32>} : memref<92160xf32, #tpu.memory_space<vmem>>, vector<16xf32>,
        %mul3A_575 = arith.mulf %get3A_574, %get3A_26 : vector<16xf32>
        %add3A_576 = arith.addf %add3A_570, %mul3A_575 : vector<16xf32>
        %add3A_577 = arith.constant 112 : i32
        %add3A_578 = arith.addi %add3A_537, %add3A_577 : i32
        %get3A_579 = arith.index_cast %add3A_578 : i32 to index
        %get3A_580 = tpu.vector_load %arg5[%get3A_579] {strides = array<i32>} : memref<92160xf32, #tpu.memory_space<vmem>>, vector<16xf32>,
        %mul3A_581 = arith.mulf %get3A_580, %get3A_28 : vector<16xf32>
        %add3A_582 = arith.addf %add3A_576, %mul3A_581 : vector<16xf32>
        %rev3A_583 = arith.constant 15 : i32
        %rev3A_584 = vector.broadcast %rev3A_583 : i32 to vector<16xi32>
        %rev3A_585 = tpu.iota {dimensions = array<i32: 0>} : vector<16xi32>
        %rev3A_586 = arith.subi %rev3A_584, %rev3A_585 : vector<16xi32>
        %rev3A_587 = tpu.dynamic_gather %add3A_582[%rev3A_586] in [0] : vector<16xf32>, vector<16xi32> -> vector<16xf32>
        %add3A_588 = arith.addf %add3A_582, %rev3A_587 : vector<16xf32>
        %select_n3A_589 = arith.select %lt3A_30, %add3A_535, %add3A_588 : vector<16xi1>, vector<16xf32>
        %broadcast_in_dim3A_590 = arith.constant true
        %broadcast_in_dim3A_591 = vector.broadcast %broadcast_in_dim3A_590 : i1 to vector<16xi1>
        %masked_cumsum3A_592 = tpu.scan <sum>, %select_n3A_589 masked %broadcast_in_dim3A_591 : vector<16xf32>, vector<16xi1> -> vector<16xf32>
        %slice3A_593 = vector.extract_strided_slice %masked_cumsum3A_592 {offsets = [7], sizes = [1], strides = [1]} : vector<16xf32> to vector<1xf32>
        %squeeze3A_594 = vector.extract %slice3A_593[0] : f32 from vector<1xf32>
        %slice3A_595 = vector.extract_strided_slice %masked_cumsum3A_592 {offsets = [15], sizes = [1], strides = [1]} : vector<16xf32> to vector<1xf32>
        %squeeze3A_596 = vector.extract %slice3A_595[0] : f32 from vector<1xf32>
        %slice3A_597 = vector.extract_strided_slice %masked_cumsum3A_592 {offsets = [7], sizes = [1], strides = [1]} : vector<16xf32> to vector<1xf32>
        %squeeze3A_598 = vector.extract %slice3A_597[0] : f32 from vector<1xf32>
        %sub3A_599 = arith.subf %squeeze3A_596, %squeeze3A_598 : f32
        %eq3A_600 = arith.constant 6 : i32
        %eq3A_601 = vector.broadcast %eq3A_600 : i32 to vector<16xi32>
        %eq3A_602 = arith.cmpi eq, %iota3A, %eq3A_601 : vector<16xi32>
        %broadcast_in_dim3A_603 = vector.broadcast %squeeze3A_594 : f32 to vector<16xf32>
        %select_n3A_604 = arith.select %eq3A_602, %broadcast_in_dim3A_603, %select_n3A_482 : vector<16xi1>, vector<16xf32>
        %eq3A_605 = arith.constant 7 : i32
        %eq3A_606 = vector.broadcast %eq3A_605 : i32 to vector<16xi32>
        %eq3A_607 = arith.cmpi eq, %iota3A, %eq3A_606 : vector<16xi32>
        %broadcast_in_dim3A_608 = vector.broadcast %sub3A_599 : f32 to vector<16xf32>
        %select_n3A_609 = arith.select %eq3A_607, %broadcast_in_dim3A_608, %select_n3A_604 : vector<16xi1>, vector<16xf32>
        %add3A_610 = arith.constant 1024 : i32
        %add3A_611 = arith.addi %add3A_105, %add3A_610 : i32
        %get3A_612 = arith.index_cast %add3A_611 : i32 to index
        %get3A_613 = tpu.vector_load %arg5[%get3A_612] {strides = array<i32>} : memref<92160xf32, #tpu.memory_space<vmem>>, vector<16xf32>,
        %mul3A_614 = arith.mulf %get3A_613, %get3A_14 : vector<16xf32>
        %add3A_615 = arith.constant 16 : i32
        %add3A_616 = arith.addi %add3A_611, %add3A_615 : i32
        %get3A_617 = arith.index_cast %add3A_616 : i32 to index
        %get3A_618 = tpu.vector_load %arg5[%get3A_617] {strides = array<i32>} : memref<92160xf32, #tpu.memory_space<vmem>>, vector<16xf32>,
        %mul3A_619 = arith.mulf %get3A_618, %get3A_16 : vector<16xf32>
        %add3A_620 = arith.addf %mul3A_614, %mul3A_619 : vector<16xf32>
        %add3A_621 = arith.constant 32 : i32
        %add3A_622 = arith.addi %add3A_611, %add3A_621 : i32
        %get3A_623 = arith.index_cast %add3A_622 : i32 to index
        %get3A_624 = tpu.vector_load %arg5[%get3A_623] {strides = array<i32>} : memref<92160xf32, #tpu.memory_space<vmem>>, vector<16xf32>,
        %mul3A_625 = arith.mulf %get3A_624, %get3A_18 : vector<16xf32>
        %add3A_626 = arith.addf %add3A_620, %mul3A_625 : vector<16xf32>
        %add3A_627 = arith.constant 48 : i32
        %add3A_628 = arith.addi %add3A_611, %add3A_627 : i32
        %get3A_629 = arith.index_cast %add3A_628 : i32 to index
        %get3A_630 = tpu.vector_load %arg5[%get3A_629] {strides = array<i32>} : memref<92160xf32, #tpu.memory_space<vmem>>, vector<16xf32>,
        %mul3A_631 = arith.mulf %get3A_630, %get3A_20 : vector<16xf32>
        %add3A_632 = arith.addf %add3A_626, %mul3A_631 : vector<16xf32>
        %add3A_633 = arith.constant 64 : i32
        %add3A_634 = arith.addi %add3A_611, %add3A_633 : i32
        %get3A_635 = arith.index_cast %add3A_634 : i32 to index
        %get3A_636 = tpu.vector_load %arg5[%get3A_635] {strides = array<i32>} : memref<92160xf32, #tpu.memory_space<vmem>>, vector<16xf32>,
        %mul3A_637 = arith.mulf %get3A_636, %get3A_22 : vector<16xf32>
        %add3A_638 = arith.addf %add3A_632, %mul3A_637 : vector<16xf32>
        %add3A_639 = arith.constant 80 : i32
        %add3A_640 = arith.addi %add3A_611, %add3A_639 : i32
        %get3A_641 = arith.index_cast %add3A_640 : i32 to index
        %get3A_642 = tpu.vector_load %arg5[%get3A_641] {strides = array<i32>} : memref<92160xf32, #tpu.memory_space<vmem>>, vector<16xf32>,
        %mul3A_643 = arith.mulf %get3A_642, %get3A_24 : vector<16xf32>
        %add3A_644 = arith.addf %add3A_638, %mul3A_643 : vector<16xf32>
        %add3A_645 = arith.constant 96 : i32
        %add3A_646 = arith.addi %add3A_611, %add3A_645 : i32
        %get3A_647 = arith.index_cast %add3A_646 : i32 to index
        %get3A_648 = tpu.vector_load %arg5[%get3A_647] {strides = array<i32>} : memref<92160xf32, #tpu.memory_space<vmem>>, vector<16xf32>,
        %mul3A_649 = arith.mulf %get3A_648, %get3A_26 : vector<16xf32>
        %add3A_650 = arith.addf %add3A_644, %mul3A_649 : vector<16xf32>
        %add3A_651 = arith.constant 112 : i32
        %add3A_652 = arith.addi %add3A_611, %add3A_651 : i32
        %get3A_653 = arith.index_cast %add3A_652 : i32 to index
        %get3A_654 = tpu.vector_load %arg5[%get3A_653] {strides = array<i32>} : memref<92160xf32, #tpu.memory_space<vmem>>, vector<16xf32>,
        %mul3A_655 = arith.mulf %get3A_654, %get3A_28 : vector<16xf32>
        %add3A_656 = arith.addf %add3A_650, %mul3A_655 : vector<16xf32>
        %rev3A_657 = arith.constant 15 : i32
        %rev3A_658 = vector.broadcast %rev3A_657 : i32 to vector<16xi32>
        %rev3A_659 = tpu.iota {dimensions = array<i32: 0>} : vector<16xi32>
        %rev3A_660 = arith.subi %rev3A_658, %rev3A_659 : vector<16xi32>
        %rev3A_661 = tpu.dynamic_gather %add3A_656[%rev3A_660] in [0] : vector<16xf32>, vector<16xi32> -> vector<16xf32>
        %add3A_662 = arith.addf %add3A_656, %rev3A_661 : vector<16xf32>
        %add3A_663 = arith.constant 1152 : i32
        %add3A_664 = arith.addi %add3A_105, %add3A_663 : i32
        %get3A_665 = arith.index_cast %add3A_664 : i32 to index
        %get3A_666 = tpu.vector_load %arg5[%get3A_665] {strides = array<i32>} : memref<92160xf32, #tpu.memory_space<vmem>>, vector<16xf32>,
        %mul3A_667 = arith.mulf %get3A_666, %get3A_14 : vector<16xf32>
        %add3A_668 = arith.constant 16 : i32
        %add3A_669 = arith.addi %add3A_664, %add3A_668 : i32
        %get3A_670 = arith.index_cast %add3A_669 : i32 to index
        %get3A_671 = tpu.vector_load %arg5[%get3A_670] {strides = array<i32>} : memref<92160xf32, #tpu.memory_space<vmem>>, vector<16xf32>,
        %mul3A_672 = arith.mulf %get3A_671, %get3A_16 : vector<16xf32>
        %add3A_673 = arith.addf %mul3A_667, %mul3A_672 : vector<16xf32>
        %add3A_674 = arith.constant 32 : i32
        %add3A_675 = arith.addi %add3A_664, %add3A_674 : i32
        %get3A_676 = arith.index_cast %add3A_675 : i32 to index
        %get3A_677 = tpu.vector_load %arg5[%get3A_676] {strides = array<i32>} : memref<92160xf32, #tpu.memory_space<vmem>>, vector<16xf32>,
        %mul3A_678 = arith.mulf %get3A_677, %get3A_18 : vector<16xf32>
        %add3A_679 = arith.addf %add3A_673, %mul3A_678 : vector<16xf32>
        %add3A_680 = arith.constant 48 : i32
        %add3A_681 = arith.addi %add3A_664, %add3A_680 : i32
        %get3A_682 = arith.index_cast %add3A_681 : i32 to index
        %get3A_683 = tpu.vector_load %arg5[%get3A_682] {strides = array<i32>} : memref<92160xf32, #tpu.memory_space<vmem>>, vector<16xf32>,
        %mul3A_684 = arith.mulf %get3A_683, %get3A_20 : vector<16xf32>
        %add3A_685 = arith.addf %add3A_679, %mul3A_684 : vector<16xf32>
        %add3A_686 = arith.constant 64 : i32
        %add3A_687 = arith.addi %add3A_664, %add3A_686 : i32
        %get3A_688 = arith.index_cast %add3A_687 : i32 to index
        %get3A_689 = tpu.vector_load %arg5[%get3A_688] {strides = array<i32>} : memref<92160xf32, #tpu.memory_space<vmem>>, vector<16xf32>,
        %mul3A_690 = arith.mulf %get3A_689, %get3A_22 : vector<16xf32>
        %add3A_691 = arith.addf %add3A_685, %mul3A_690 : vector<16xf32>
        %add3A_692 = arith.constant 80 : i32
        %add3A_693 = arith.addi %add3A_664, %add3A_692 : i32
        %get3A_694 = arith.index_cast %add3A_693 : i32 to index
        %get3A_695 = tpu.vector_load %arg5[%get3A_694] {strides = array<i32>} : memref<92160xf32, #tpu.memory_space<vmem>>, vector<16xf32>,
        %mul3A_696 = arith.mulf %get3A_695, %get3A_24 : vector<16xf32>
        %add3A_697 = arith.addf %add3A_691, %mul3A_696 : vector<16xf32>
        %add3A_698 = arith.constant 96 : i32
        %add3A_699 = arith.addi %add3A_664, %add3A_698 : i32
        %get3A_700 = arith.index_cast %add3A_699 : i32 to index
        %get3A_701 = tpu.vector_load %arg5[%get3A_700] {strides = array<i32>} : memref<92160xf32, #tpu.memory_space<vmem>>, vector<16xf32>,
        %mul3A_702 = arith.mulf %get3A_701, %get3A_26 : vector<16xf32>
        %add3A_703 = arith.addf %add3A_697, %mul3A_702 : vector<16xf32>
        %add3A_704 = arith.constant 112 : i32
        %add3A_705 = arith.addi %add3A_664, %add3A_704 : i32
        %get3A_706 = arith.index_cast %add3A_705 : i32 to index
        %get3A_707 = tpu.vector_load %arg5[%get3A_706] {strides = array<i32>} : memref<92160xf32, #tpu.memory_space<vmem>>, vector<16xf32>,
        %mul3A_708 = arith.mulf %get3A_707, %get3A_28 : vector<16xf32>
        %add3A_709 = arith.addf %add3A_703, %mul3A_708 : vector<16xf32>
        %rev3A_710 = arith.constant 15 : i32
        %rev3A_711 = vector.broadcast %rev3A_710 : i32 to vector<16xi32>
        %rev3A_712 = tpu.iota {dimensions = array<i32: 0>} : vector<16xi32>
        %rev3A_713 = arith.subi %rev3A_711, %rev3A_712 : vector<16xi32>
        %rev3A_714 = tpu.dynamic_gather %add3A_709[%rev3A_713] in [0] : vector<16xf32>, vector<16xi32> -> vector<16xf32>
        %add3A_715 = arith.addf %add3A_709, %rev3A_714 : vector<16xf32>
        %select_n3A_716 = arith.select %lt3A_30, %add3A_662, %add3A_715 : vector<16xi1>, vector<16xf32>
        %broadcast_in_dim3A_717 = arith.constant true
        %broadcast_in_dim3A_718 = vector.broadcast %broadcast_in_dim3A_717 : i1 to vector<16xi1>
        %masked_cumsum3A_719 = tpu.scan <sum>, %select_n3A_716 masked %broadcast_in_dim3A_718 : vector<16xf32>, vector<16xi1> -> vector<16xf32>
        %slice3A_720 = vector.extract_strided_slice %masked_cumsum3A_719 {offsets = [7], sizes = [1], strides = [1]} : vector<16xf32> to vector<1xf32>
        %squeeze3A_721 = vector.extract %slice3A_720[0] : f32 from vector<1xf32>
        %slice3A_722 = vector.extract_strided_slice %masked_cumsum3A_719 {offsets = [15], sizes = [1], strides = [1]} : vector<16xf32> to vector<1xf32>
        %squeeze3A_723 = vector.extract %slice3A_722[0] : f32 from vector<1xf32>
        %slice3A_724 = vector.extract_strided_slice %masked_cumsum3A_719 {offsets = [7], sizes = [1], strides = [1]} : vector<16xf32> to vector<1xf32>
        %squeeze3A_725 = vector.extract %slice3A_724[0] : f32 from vector<1xf32>
        %sub3A_726 = arith.subf %squeeze3A_723, %squeeze3A_725 : f32
        %eq3A_727 = arith.constant 8 : i32
        %eq3A_728 = vector.broadcast %eq3A_727 : i32 to vector<16xi32>
        %eq3A_729 = arith.cmpi eq, %iota3A, %eq3A_728 : vector<16xi32>
        %broadcast_in_dim3A_730 = vector.broadcast %squeeze3A_721 : f32 to vector<16xf32>
        %select_n3A_731 = arith.select %eq3A_729, %broadcast_in_dim3A_730, %select_n3A_609 : vector<16xi1>, vector<16xf32>
        %eq3A_732 = arith.constant 9 : i32
        %eq3A_733 = vector.broadcast %eq3A_732 : i32 to vector<16xi32>
        %eq3A_734 = arith.cmpi eq, %iota3A, %eq3A_733 : vector<16xi32>
        %broadcast_in_dim3A_735 = vector.broadcast %sub3A_726 : f32 to vector<16xf32>
        %select_n3A_736 = arith.select %eq3A_734, %broadcast_in_dim3A_735, %select_n3A_731 : vector<16xi1>, vector<16xf32>
        %add3A_737 = arith.constant 1280 : i32
        %add3A_738 = arith.addi %add3A_105, %add3A_737 : i32
        %get3A_739 = arith.index_cast %add3A_738 : i32 to index
        %get3A_740 = tpu.vector_load %arg5[%get3A_739] {strides = array<i32>} : memref<92160xf32, #tpu.memory_space<vmem>>, vector<16xf32>,
        %mul3A_741 = arith.mulf %get3A_740, %get3A_14 : vector<16xf32>
        %add3A_742 = arith.constant 16 : i32
        %add3A_743 = arith.addi %add3A_738, %add3A_742 : i32
        %get3A_744 = arith.index_cast %add3A_743 : i32 to index
        %get3A_745 = tpu.vector_load %arg5[%get3A_744] {strides = array<i32>} : memref<92160xf32, #tpu.memory_space<vmem>>, vector<16xf32>,
        %mul3A_746 = arith.mulf %get3A_745, %get3A_16 : vector<16xf32>
        %add3A_747 = arith.addf %mul3A_741, %mul3A_746 : vector<16xf32>
        %add3A_748 = arith.constant 32 : i32
        %add3A_749 = arith.addi %add3A_738, %add3A_748 : i32
        %get3A_750 = arith.index_cast %add3A_749 : i32 to index
        %get3A_751 = tpu.vector_load %arg5[%get3A_750] {strides = array<i32>} : memref<92160xf32, #tpu.memory_space<vmem>>, vector<16xf32>,
        %mul3A_752 = arith.mulf %get3A_751, %get3A_18 : vector<16xf32>
        %add3A_753 = arith.addf %add3A_747, %mul3A_752 : vector<16xf32>
        %add3A_754 = arith.constant 48 : i32
        %add3A_755 = arith.addi %add3A_738, %add3A_754 : i32
        %get3A_756 = arith.index_cast %add3A_755 : i32 to index
        %get3A_757 = tpu.vector_load %arg5[%get3A_756] {strides = array<i32>} : memref<92160xf32, #tpu.memory_space<vmem>>, vector<16xf32>,
        %mul3A_758 = arith.mulf %get3A_757, %get3A_20 : vector<16xf32>
        %add3A_759 = arith.addf %add3A_753, %mul3A_758 : vector<16xf32>
        %add3A_760 = arith.constant 64 : i32
        %add3A_761 = arith.addi %add3A_738, %add3A_760 : i32
        %get3A_762 = arith.index_cast %add3A_761 : i32 to index
        %get3A_763 = tpu.vector_load %arg5[%get3A_762] {strides = array<i32>} : memref<92160xf32, #tpu.memory_space<vmem>>, vector<16xf32>,
        %mul3A_764 = arith.mulf %get3A_763, %get3A_22 : vector<16xf32>
        %add3A_765 = arith.addf %add3A_759, %mul3A_764 : vector<16xf32>
        %add3A_766 = arith.constant 80 : i32
        %add3A_767 = arith.addi %add3A_738, %add3A_766 : i32
        %get3A_768 = arith.index_cast %add3A_767 : i32 to index
        %get3A_769 = tpu.vector_load %arg5[%get3A_768] {strides = array<i32>} : memref<92160xf32, #tpu.memory_space<vmem>>, vector<16xf32>,
        %mul3A_770 = arith.mulf %get3A_769, %get3A_24 : vector<16xf32>
        %add3A_771 = arith.addf %add3A_765, %mul3A_770 : vector<16xf32>
        %add3A_772 = arith.constant 96 : i32
        %add3A_773 = arith.addi %add3A_738, %add3A_772 : i32
        %get3A_774 = arith.index_cast %add3A_773 : i32 to index
        %get3A_775 = tpu.vector_load %arg5[%get3A_774] {strides = array<i32>} : memref<92160xf32, #tpu.memory_space<vmem>>, vector<16xf32>,
        %mul3A_776 = arith.mulf %get3A_775, %get3A_26 : vector<16xf32>
        %add3A_777 = arith.addf %add3A_771, %mul3A_776 : vector<16xf32>
        %add3A_778 = arith.constant 112 : i32
        %add3A_779 = arith.addi %add3A_738, %add3A_778 : i32
        %get3A_780 = arith.index_cast %add3A_779 : i32 to index
        %get3A_781 = tpu.vector_load %arg5[%get3A_780] {strides = array<i32>} : memref<92160xf32, #tpu.memory_space<vmem>>, vector<16xf32>,
        %mul3A_782 = arith.mulf %get3A_781, %get3A_28 : vector<16xf32>
        %add3A_783 = arith.addf %add3A_777, %mul3A_782 : vector<16xf32>
        %rev3A_784 = arith.constant 15 : i32
        %rev3A_785 = vector.broadcast %rev3A_784 : i32 to vector<16xi32>
        %rev3A_786 = tpu.iota {dimensions = array<i32: 0>} : vector<16xi32>
        %rev3A_787 = arith.subi %rev3A_785, %rev3A_786 : vector<16xi32>
        %rev3A_788 = tpu.dynamic_gather %add3A_783[%rev3A_787] in [0] : vector<16xf32>, vector<16xi32> -> vector<16xf32>
        %add3A_789 = arith.addf %add3A_783, %rev3A_788 : vector<16xf32>
        %add3A_790 = arith.constant 1408 : i32
        %add3A_791 = arith.addi %add3A_105, %add3A_790 : i32
        %get3A_792 = arith.index_cast %add3A_791 : i32 to index
        %get3A_793 = tpu.vector_load %arg5[%get3A_792] {strides = array<i32>} : memref<92160xf32, #tpu.memory_space<vmem>>, vector<16xf32>,
        %mul3A_794 = arith.mulf %get3A_793, %get3A_14 : vector<16xf32>
        %add3A_795 = arith.constant 16 : i32
        %add3A_796 = arith.addi %add3A_791, %add3A_795 : i32
        %get3A_797 = arith.index_cast %add3A_796 : i32 to index
        %get3A_798 = tpu.vector_load %arg5[%get3A_797] {strides = array<i32>} : memref<92160xf32, #tpu.memory_space<vmem>>, vector<16xf32>,
        %mul3A_799 = arith.mulf %get3A_798, %get3A_16 : vector<16xf32>
        %add3A_800 = arith.addf %mul3A_794, %mul3A_799 : vector<16xf32>
        %add3A_801 = arith.constant 32 : i32
        %add3A_802 = arith.addi %add3A_791, %add3A_801 : i32
        %get3A_803 = arith.index_cast %add3A_802 : i32 to index
        %get3A_804 = tpu.vector_load %arg5[%get3A_803] {strides = array<i32>} : memref<92160xf32, #tpu.memory_space<vmem>>, vector<16xf32>,
        %mul3A_805 = arith.mulf %get3A_804, %get3A_18 : vector<16xf32>
        %add3A_806 = arith.addf %add3A_800, %mul3A_805 : vector<16xf32>
        %add3A_807 = arith.constant 48 : i32
        %add3A_808 = arith.addi %add3A_791, %add3A_807 : i32
        %get3A_809 = arith.index_cast %add3A_808 : i32 to index
        %get3A_810 = tpu.vector_load %arg5[%get3A_809] {strides = array<i32>} : memref<92160xf32, #tpu.memory_space<vmem>>, vector<16xf32>,
        %mul3A_811 = arith.mulf %get3A_810, %get3A_20 : vector<16xf32>
        %add3A_812 = arith.addf %add3A_806, %mul3A_811 : vector<16xf32>
        %add3A_813 = arith.constant 64 : i32
        %add3A_814 = arith.addi %add3A_791, %add3A_813 : i32
        %get3A_815 = arith.index_cast %add3A_814 : i32 to index
        %get3A_816 = tpu.vector_load %arg5[%get3A_815] {strides = array<i32>} : memref<92160xf32, #tpu.memory_space<vmem>>, vector<16xf32>,
        %mul3A_817 = arith.mulf %get3A_816, %get3A_22 : vector<16xf32>
        %add3A_818 = arith.addf %add3A_812, %mul3A_817 : vector<16xf32>
        %add3A_819 = arith.constant 80 : i32
        %add3A_820 = arith.addi %add3A_791, %add3A_819 : i32
        %get3A_821 = arith.index_cast %add3A_820 : i32 to index
        %get3A_822 = tpu.vector_load %arg5[%get3A_821] {strides = array<i32>} : memref<92160xf32, #tpu.memory_space<vmem>>, vector<16xf32>,
        %mul3A_823 = arith.mulf %get3A_822, %get3A_24 : vector<16xf32>
        %add3A_824 = arith.addf %add3A_818, %mul3A_823 : vector<16xf32>
        %add3A_825 = arith.constant 96 : i32
        %add3A_826 = arith.addi %add3A_791, %add3A_825 : i32
        %get3A_827 = arith.index_cast %add3A_826 : i32 to index
        %get3A_828 = tpu.vector_load %arg5[%get3A_827] {strides = array<i32>} : memref<92160xf32, #tpu.memory_space<vmem>>, vector<16xf32>,
        %mul3A_829 = arith.mulf %get3A_828, %get3A_26 : vector<16xf32>
        %add3A_830 = arith.addf %add3A_824, %mul3A_829 : vector<16xf32>
        %add3A_831 = arith.constant 112 : i32
        %add3A_832 = arith.addi %add3A_791, %add3A_831 : i32
        %get3A_833 = arith.index_cast %add3A_832 : i32 to index
        %get3A_834 = tpu.vector_load %arg5[%get3A_833] {strides = array<i32>} : memref<92160xf32, #tpu.memory_space<vmem>>, vector<16xf32>,
        %mul3A_835 = arith.mulf %get3A_834, %get3A_28 : vector<16xf32>
        %add3A_836 = arith.addf %add3A_830, %mul3A_835 : vector<16xf32>
        %rev3A_837 = arith.constant 15 : i32
        %rev3A_838 = vector.broadcast %rev3A_837 : i32 to vector<16xi32>
        %rev3A_839 = tpu.iota {dimensions = array<i32: 0>} : vector<16xi32>
        %rev3A_840 = arith.subi %rev3A_838, %rev3A_839 : vector<16xi32>
        %rev3A_841 = tpu.dynamic_gather %add3A_836[%rev3A_840] in [0] : vector<16xf32>, vector<16xi32> -> vector<16xf32>
        %add3A_842 = arith.addf %add3A_836, %rev3A_841 : vector<16xf32>
        %select_n3A_843 = arith.select %lt3A_30, %add3A_789, %add3A_842 : vector<16xi1>, vector<16xf32>
        %broadcast_in_dim3A_844 = arith.constant true
        %broadcast_in_dim3A_845 = vector.broadcast %broadcast_in_dim3A_844 : i1 to vector<16xi1>
        %masked_cumsum3A_846 = tpu.scan <sum>, %select_n3A_843 masked %broadcast_in_dim3A_845 : vector<16xf32>, vector<16xi1> -> vector<16xf32>
        %slice3A_847 = vector.extract_strided_slice %masked_cumsum3A_846 {offsets = [7], sizes = [1], strides = [1]} : vector<16xf32> to vector<1xf32>
        %squeeze3A_848 = vector.extract %slice3A_847[0] : f32 from vector<1xf32>
        %slice3A_849 = vector.extract_strided_slice %masked_cumsum3A_846 {offsets = [15], sizes = [1], strides = [1]} : vector<16xf32> to vector<1xf32>
        %squeeze3A_850 = vector.extract %slice3A_849[0] : f32 from vector<1xf32>
        %slice3A_851 = vector.extract_strided_slice %masked_cumsum3A_846 {offsets = [7], sizes = [1], strides = [1]} : vector<16xf32> to vector<1xf32>
        %squeeze3A_852 = vector.extract %slice3A_851[0] : f32 from vector<1xf32>
        %sub3A_853 = arith.subf %squeeze3A_850, %squeeze3A_852 : f32
        %eq3A_854 = arith.constant 10 : i32
        %eq3A_855 = vector.broadcast %eq3A_854 : i32 to vector<16xi32>
        %eq3A_856 = arith.cmpi eq, %iota3A, %eq3A_855 : vector<16xi32>
        %broadcast_in_dim3A_857 = vector.broadcast %squeeze3A_848 : f32 to vector<16xf32>
        %select_n3A_858 = arith.select %eq3A_856, %broadcast_in_dim3A_857, %select_n3A_736 : vector<16xi1>, vector<16xf32>
        %eq3A_859 = arith.constant 11 : i32
        %eq3A_860 = vector.broadcast %eq3A_859 : i32 to vector<16xi32>
        %eq3A_861 = arith.cmpi eq, %iota3A, %eq3A_860 : vector<16xi32>
        %broadcast_in_dim3A_862 = vector.broadcast %sub3A_853 : f32 to vector<16xf32>
        %select_n3A_863 = arith.select %eq3A_861, %broadcast_in_dim3A_862, %select_n3A_858 : vector<16xi1>, vector<16xf32>
        %add3A_864 = arith.constant 1536 : i32
        %add3A_865 = arith.addi %add3A_105, %add3A_864 : i32
        %get3A_866 = arith.index_cast %add3A_865 : i32 to index
        %get3A_867 = tpu.vector_load %arg5[%get3A_866] {strides = array<i32>} : memref<92160xf32, #tpu.memory_space<vmem>>, vector<16xf32>,
        %mul3A_868 = arith.mulf %get3A_867, %get3A_14 : vector<16xf32>
        %add3A_869 = arith.constant 16 : i32
        %add3A_870 = arith.addi %add3A_865, %add3A_869 : i32
        %get3A_871 = arith.index_cast %add3A_870 : i32 to index
        %get3A_872 = tpu.vector_load %arg5[%get3A_871] {strides = array<i32>} : memref<92160xf32, #tpu.memory_space<vmem>>, vector<16xf32>,
        %mul3A_873 = arith.mulf %get3A_872, %get3A_16 : vector<16xf32>
        %add3A_874 = arith.addf %mul3A_868, %mul3A_873 : vector<16xf32>
        %add3A_875 = arith.constant 32 : i32
        %add3A_876 = arith.addi %add3A_865, %add3A_875 : i32
        %get3A_877 = arith.index_cast %add3A_876 : i32 to index
        %get3A_878 = tpu.vector_load %arg5[%get3A_877] {strides = array<i32>} : memref<92160xf32, #tpu.memory_space<vmem>>, vector<16xf32>,
        %mul3A_879 = arith.mulf %get3A_878, %get3A_18 : vector<16xf32>
        %add3A_880 = arith.addf %add3A_874, %mul3A_879 : vector<16xf32>
        %add3A_881 = arith.constant 48 : i32
        %add3A_882 = arith.addi %add3A_865, %add3A_881 : i32
        %get3A_883 = arith.index_cast %add3A_882 : i32 to index
        %get3A_884 = tpu.vector_load %arg5[%get3A_883] {strides = array<i32>} : memref<92160xf32, #tpu.memory_space<vmem>>, vector<16xf32>,
        %mul3A_885 = arith.mulf %get3A_884, %get3A_20 : vector<16xf32>
        %add3A_886 = arith.addf %add3A_880, %mul3A_885 : vector<16xf32>
        %add3A_887 = arith.constant 64 : i32
        %add3A_888 = arith.addi %add3A_865, %add3A_887 : i32
        %get3A_889 = arith.index_cast %add3A_888 : i32 to index
        %get3A_890 = tpu.vector_load %arg5[%get3A_889] {strides = array<i32>} : memref<92160xf32, #tpu.memory_space<vmem>>, vector<16xf32>,
        %mul3A_891 = arith.mulf %get3A_890, %get3A_22 : vector<16xf32>
        %add3A_892 = arith.addf %add3A_886, %mul3A_891 : vector<16xf32>
        %add3A_893 = arith.constant 80 : i32
        %add3A_894 = arith.addi %add3A_865, %add3A_893 : i32
        %get3A_895 = arith.index_cast %add3A_894 : i32 to index
        %get3A_896 = tpu.vector_load %arg5[%get3A_895] {strides = array<i32>} : memref<92160xf32, #tpu.memory_space<vmem>>, vector<16xf32>,
        %mul3A_897 = arith.mulf %get3A_896, %get3A_24 : vector<16xf32>
        %add3A_898 = arith.addf %add3A_892, %mul3A_897 : vector<16xf32>
        %add3A_899 = arith.constant 96 : i32
        %add3A_900 = arith.addi %add3A_865, %add3A_899 : i32
        %get3A_901 = arith.index_cast %add3A_900 : i32 to index
        %get3A_902 = tpu.vector_load %arg5[%get3A_901] {strides = array<i32>} : memref<92160xf32, #tpu.memory_space<vmem>>, vector<16xf32>,
        %mul3A_903 = arith.mulf %get3A_902, %get3A_26 : vector<16xf32>
        %add3A_904 = arith.addf %add3A_898, %mul3A_903 : vector<16xf32>
        %add3A_905 = arith.constant 112 : i32
        %add3A_906 = arith.addi %add3A_865, %add3A_905 : i32
        %get3A_907 = arith.index_cast %add3A_906 : i32 to index
        %get3A_908 = tpu.vector_load %arg5[%get3A_907] {strides = array<i32>} : memref<92160xf32, #tpu.memory_space<vmem>>, vector<16xf32>,
        %mul3A_909 = arith.mulf %get3A_908, %get3A_28 : vector<16xf32>
        %add3A_910 = arith.addf %add3A_904, %mul3A_909 : vector<16xf32>
        %rev3A_911 = arith.constant 15 : i32
        %rev3A_912 = vector.broadcast %rev3A_911 : i32 to vector<16xi32>
        %rev3A_913 = tpu.iota {dimensions = array<i32: 0>} : vector<16xi32>
        %rev3A_914 = arith.subi %rev3A_912, %rev3A_913 : vector<16xi32>
        %rev3A_915 = tpu.dynamic_gather %add3A_910[%rev3A_914] in [0] : vector<16xf32>, vector<16xi32> -> vector<16xf32>
        %add3A_916 = arith.addf %add3A_910, %rev3A_915 : vector<16xf32>
        %add3A_917 = arith.constant 1664 : i32
        %add3A_918 = arith.addi %add3A_105, %add3A_917 : i32
        %get3A_919 = arith.index_cast %add3A_918 : i32 to index
        %get3A_920 = tpu.vector_load %arg5[%get3A_919] {strides = array<i32>} : memref<92160xf32, #tpu.memory_space<vmem>>, vector<16xf32>,
        %mul3A_921 = arith.mulf %get3A_920, %get3A_14 : vector<16xf32>
        %add3A_922 = arith.constant 16 : i32
        %add3A_923 = arith.addi %add3A_918, %add3A_922 : i32
        %get3A_924 = arith.index_cast %add3A_923 : i32 to index
        %get3A_925 = tpu.vector_load %arg5[%get3A_924] {strides = array<i32>} : memref<92160xf32, #tpu.memory_space<vmem>>, vector<16xf32>,
        %mul3A_926 = arith.mulf %get3A_925, %get3A_16 : vector<16xf32>
        %add3A_927 = arith.addf %mul3A_921, %mul3A_926 : vector<16xf32>
        %add3A_928 = arith.constant 32 : i32
        %add3A_929 = arith.addi %add3A_918, %add3A_928 : i32
        %get3A_930 = arith.index_cast %add3A_929 : i32 to index
        %get3A_931 = tpu.vector_load %arg5[%get3A_930] {strides = array<i32>} : memref<92160xf32, #tpu.memory_space<vmem>>, vector<16xf32>,
        %mul3A_932 = arith.mulf %get3A_931, %get3A_18 : vector<16xf32>
        %add3A_933 = arith.addf %add3A_927, %mul3A_932 : vector<16xf32>
        %add3A_934 = arith.constant 48 : i32
        %add3A_935 = arith.addi %add3A_918, %add3A_934 : i32
        %get3A_936 = arith.index_cast %add3A_935 : i32 to index
        %get3A_937 = tpu.vector_load %arg5[%get3A_936] {strides = array<i32>} : memref<92160xf32, #tpu.memory_space<vmem>>, vector<16xf32>,
        %mul3A_938 = arith.mulf %get3A_937, %get3A_20 : vector<16xf32>
        %add3A_939 = arith.addf %add3A_933, %mul3A_938 : vector<16xf32>
        %add3A_940 = arith.constant 64 : i32
        %add3A_941 = arith.addi %add3A_918, %add3A_940 : i32
        %get3A_942 = arith.index_cast %add3A_941 : i32 to index
        %get3A_943 = tpu.vector_load %arg5[%get3A_942] {strides = array<i32>} : memref<92160xf32, #tpu.memory_space<vmem>>, vector<16xf32>,
        %mul3A_944 = arith.mulf %get3A_943, %get3A_22 : vector<16xf32>
        %add3A_945 = arith.addf %add3A_939, %mul3A_944 : vector<16xf32>
        %add3A_946 = arith.constant 80 : i32
        %add3A_947 = arith.addi %add3A_918, %add3A_946 : i32
        %get3A_948 = arith.index_cast %add3A_947 : i32 to index
        %get3A_949 = tpu.vector_load %arg5[%get3A_948] {strides = array<i32>} : memref<92160xf32, #tpu.memory_space<vmem>>, vector<16xf32>,
        %mul3A_950 = arith.mulf %get3A_949, %get3A_24 : vector<16xf32>
        %add3A_951 = arith.addf %add3A_945, %mul3A_950 : vector<16xf32>
        %add3A_952 = arith.constant 96 : i32
        %add3A_953 = arith.addi %add3A_918, %add3A_952 : i32
        %get3A_954 = arith.index_cast %add3A_953 : i32 to index
        %get3A_955 = tpu.vector_load %arg5[%get3A_954] {strides = array<i32>} : memref<92160xf32, #tpu.memory_space<vmem>>, vector<16xf32>,
        %mul3A_956 = arith.mulf %get3A_955, %get3A_26 : vector<16xf32>
        %add3A_957 = arith.addf %add3A_951, %mul3A_956 : vector<16xf32>
        %add3A_958 = arith.constant 112 : i32
        %add3A_959 = arith.addi %add3A_918, %add3A_958 : i32
        %get3A_960 = arith.index_cast %add3A_959 : i32 to index
        %get3A_961 = tpu.vector_load %arg5[%get3A_960] {strides = array<i32>} : memref<92160xf32, #tpu.memory_space<vmem>>, vector<16xf32>,
        %mul3A_962 = arith.mulf %get3A_961, %get3A_28 : vector<16xf32>
        %add3A_963 = arith.addf %add3A_957, %mul3A_962 : vector<16xf32>
        %rev3A_964 = arith.constant 15 : i32
        %rev3A_965 = vector.broadcast %rev3A_964 : i32 to vector<16xi32>
        %rev3A_966 = tpu.iota {dimensions = array<i32: 0>} : vector<16xi32>
        %rev3A_967 = arith.subi %rev3A_965, %rev3A_966 : vector<16xi32>
        %rev3A_968 = tpu.dynamic_gather %add3A_963[%rev3A_967] in [0] : vector<16xf32>, vector<16xi32> -> vector<16xf32>
        %add3A_969 = arith.addf %add3A_963, %rev3A_968 : vector<16xf32>
        %select_n3A_970 = arith.select %lt3A_30, %add3A_916, %add3A_969 : vector<16xi1>, vector<16xf32>
        %broadcast_in_dim3A_971 = arith.constant true
        %broadcast_in_dim3A_972 = vector.broadcast %broadcast_in_dim3A_971 : i1 to vector<16xi1>
        %masked_cumsum3A_973 = tpu.scan <sum>, %select_n3A_970 masked %broadcast_in_dim3A_972 : vector<16xf32>, vector<16xi1> -> vector<16xf32>
        %slice3A_974 = vector.extract_strided_slice %masked_cumsum3A_973 {offsets = [7], sizes = [1], strides = [1]} : vector<16xf32> to vector<1xf32>
        %squeeze3A_975 = vector.extract %slice3A_974[0] : f32 from vector<1xf32>
        %slice3A_976 = vector.extract_strided_slice %masked_cumsum3A_973 {offsets = [15], sizes = [1], strides = [1]} : vector<16xf32> to vector<1xf32>
        %squeeze3A_977 = vector.extract %slice3A_976[0] : f32 from vector<1xf32>
        %slice3A_978 = vector.extract_strided_slice %masked_cumsum3A_973 {offsets = [7], sizes = [1], strides = [1]} : vector<16xf32> to vector<1xf32>
        %squeeze3A_979 = vector.extract %slice3A_978[0] : f32 from vector<1xf32>
        %sub3A_980 = arith.subf %squeeze3A_977, %squeeze3A_979 : f32
        %eq3A_981 = arith.constant 12 : i32
        %eq3A_982 = vector.broadcast %eq3A_981 : i32 to vector<16xi32>
        %eq3A_983 = arith.cmpi eq, %iota3A, %eq3A_982 : vector<16xi32>
        %broadcast_in_dim3A_984 = vector.broadcast %squeeze3A_975 : f32 to vector<16xf32>
        %select_n3A_985 = arith.select %eq3A_983, %broadcast_in_dim3A_984, %select_n3A_863 : vector<16xi1>, vector<16xf32>
        %eq3A_986 = arith.constant 13 : i32
        %eq3A_987 = vector.broadcast %eq3A_986 : i32 to vector<16xi32>
        %eq3A_988 = arith.cmpi eq, %iota3A, %eq3A_987 : vector<16xi32>
        %broadcast_in_dim3A_989 = vector.broadcast %sub3A_980 : f32 to vector<16xf32>
        %select_n3A_990 = arith.select %eq3A_988, %broadcast_in_dim3A_989, %select_n3A_985 : vector<16xi1>, vector<16xf32>
        %add3A_991 = arith.constant 1792 : i32
        %add3A_992 = arith.addi %add3A_105, %add3A_991 : i32
        %get3A_993 = arith.index_cast %add3A_992 : i32 to index
        %get3A_994 = tpu.vector_load %arg5[%get3A_993] {strides = array<i32>} : memref<92160xf32, #tpu.memory_space<vmem>>, vector<16xf32>,
        %mul3A_995 = arith.mulf %get3A_994, %get3A_14 : vector<16xf32>
        %add3A_996 = arith.constant 16 : i32
        %add3A_997 = arith.addi %add3A_992, %add3A_996 : i32
        %get3A_998 = arith.index_cast %add3A_997 : i32 to index
        %get3A_999 = tpu.vector_load %arg5[%get3A_998] {strides = array<i32>} : memref<92160xf32, #tpu.memory_space<vmem>>, vector<16xf32>,
        %mul3A_1000 = arith.mulf %get3A_999, %get3A_16 : vector<16xf32>
        %add3A_1001 = arith.addf %mul3A_995, %mul3A_1000 : vector<16xf32>
        %add3A_1002 = arith.constant 32 : i32
        %add3A_1003 = arith.addi %add3A_992, %add3A_1002 : i32
        %get3A_1004 = arith.index_cast %add3A_1003 : i32 to index
        %get3A_1005 = tpu.vector_load %arg5[%get3A_1004] {strides = array<i32>} : memref<92160xf32, #tpu.memory_space<vmem>>, vector<16xf32>,
        %mul3A_1006 = arith.mulf %get3A_1005, %get3A_18 : vector<16xf32>
        %add3A_1007 = arith.addf %add3A_1001, %mul3A_1006 : vector<16xf32>
        %add3A_1008 = arith.constant 48 : i32
        %add3A_1009 = arith.addi %add3A_992, %add3A_1008 : i32
        %get3A_1010 = arith.index_cast %add3A_1009 : i32 to index
        %get3A_1011 = tpu.vector_load %arg5[%get3A_1010] {strides = array<i32>} : memref<92160xf32, #tpu.memory_space<vmem>>, vector<16xf32>,
        %mul3A_1012 = arith.mulf %get3A_1011, %get3A_20 : vector<16xf32>
        %add3A_1013 = arith.addf %add3A_1007, %mul3A_1012 : vector<16xf32>
        %add3A_1014 = arith.constant 64 : i32
        %add3A_1015 = arith.addi %add3A_992, %add3A_1014 : i32
        %get3A_1016 = arith.index_cast %add3A_1015 : i32 to index
        %get3A_1017 = tpu.vector_load %arg5[%get3A_1016] {strides = array<i32>} : memref<92160xf32, #tpu.memory_space<vmem>>, vector<16xf32>,
        %mul3A_1018 = arith.mulf %get3A_1017, %get3A_22 : vector<16xf32>
        %add3A_1019 = arith.addf %add3A_1013, %mul3A_1018 : vector<16xf32>
        %add3A_1020 = arith.constant 80 : i32
        %add3A_1021 = arith.addi %add3A_992, %add3A_1020 : i32
        %get3A_1022 = arith.index_cast %add3A_1021 : i32 to index
        %get3A_1023 = tpu.vector_load %arg5[%get3A_1022] {strides = array<i32>} : memref<92160xf32, #tpu.memory_space<vmem>>, vector<16xf32>,
        %mul3A_1024 = arith.mulf %get3A_1023, %get3A_24 : vector<16xf32>
        %add3A_1025 = arith.addf %add3A_1019, %mul3A_1024 : vector<16xf32>
        %add3A_1026 = arith.constant 96 : i32
        %add3A_1027 = arith.addi %add3A_992, %add3A_1026 : i32
        %get3A_1028 = arith.index_cast %add3A_1027 : i32 to index
        %get3A_1029 = tpu.vector_load %arg5[%get3A_1028] {strides = array<i32>} : memref<92160xf32, #tpu.memory_space<vmem>>, vector<16xf32>,
        %mul3A_1030 = arith.mulf %get3A_1029, %get3A_26 : vector<16xf32>
        %add3A_1031 = arith.addf %add3A_1025, %mul3A_1030 : vector<16xf32>
        %add3A_1032 = arith.constant 112 : i32
        %add3A_1033 = arith.addi %add3A_992, %add3A_1032 : i32
        %get3A_1034 = arith.index_cast %add3A_1033 : i32 to index
        %get3A_1035 = tpu.vector_load %arg5[%get3A_1034] {strides = array<i32>} : memref<92160xf32, #tpu.memory_space<vmem>>, vector<16xf32>,
        %mul3A_1036 = arith.mulf %get3A_1035, %get3A_28 : vector<16xf32>
        %add3A_1037 = arith.addf %add3A_1031, %mul3A_1036 : vector<16xf32>
        %rev3A_1038 = arith.constant 15 : i32
        %rev3A_1039 = vector.broadcast %rev3A_1038 : i32 to vector<16xi32>
        %rev3A_1040 = tpu.iota {dimensions = array<i32: 0>} : vector<16xi32>
        %rev3A_1041 = arith.subi %rev3A_1039, %rev3A_1040 : vector<16xi32>
        %rev3A_1042 = tpu.dynamic_gather %add3A_1037[%rev3A_1041] in [0] : vector<16xf32>, vector<16xi32> -> vector<16xf32>
        %add3A_1043 = arith.addf %add3A_1037, %rev3A_1042 : vector<16xf32>
        %add3A_1044 = arith.constant 1920 : i32
        %add3A_1045 = arith.addi %add3A_105, %add3A_1044 : i32
        %get3A_1046 = arith.index_cast %add3A_1045 : i32 to index
        %get3A_1047 = tpu.vector_load %arg5[%get3A_1046] {strides = array<i32>} : memref<92160xf32, #tpu.memory_space<vmem>>, vector<16xf32>,
        %mul3A_1048 = arith.mulf %get3A_1047, %get3A_14 : vector<16xf32>
        %add3A_1049 = arith.constant 16 : i32
        %add3A_1050 = arith.addi %add3A_1045, %add3A_1049 : i32
        %get3A_1051 = arith.index_cast %add3A_1050 : i32 to index
        %get3A_1052 = tpu.vector_load %arg5[%get3A_1051] {strides = array<i32>} : memref<92160xf32, #tpu.memory_space<vmem>>, vector<16xf32>,
        %mul3A_1053 = arith.mulf %get3A_1052, %get3A_16 : vector<16xf32>
        %add3A_1054 = arith.addf %mul3A_1048, %mul3A_1053 : vector<16xf32>
        %add3A_1055 = arith.constant 32 : i32
        %add3A_1056 = arith.addi %add3A_1045, %add3A_1055 : i32
        %get3A_1057 = arith.index_cast %add3A_1056 : i32 to index
        %get3A_1058 = tpu.vector_load %arg5[%get3A_1057] {strides = array<i32>} : memref<92160xf32, #tpu.memory_space<vmem>>, vector<16xf32>,
        %mul3A_1059 = arith.mulf %get3A_1058, %get3A_18 : vector<16xf32>
        %add3A_1060 = arith.addf %add3A_1054, %mul3A_1059 : vector<16xf32>
        %add3A_1061 = arith.constant 48 : i32
        %add3A_1062 = arith.addi %add3A_1045, %add3A_1061 : i32
        %get3A_1063 = arith.index_cast %add3A_1062 : i32 to index
        %get3A_1064 = tpu.vector_load %arg5[%get3A_1063] {strides = array<i32>} : memref<92160xf32, #tpu.memory_space<vmem>>, vector<16xf32>,
        %mul3A_1065 = arith.mulf %get3A_1064, %get3A_20 : vector<16xf32>
        %add3A_1066 = arith.addf %add3A_1060, %mul3A_1065 : vector<16xf32>
        %add3A_1067 = arith.constant 64 : i32
        %add3A_1068 = arith.addi %add3A_1045, %add3A_1067 : i32
        %get3A_1069 = arith.index_cast %add3A_1068 : i32 to index
        %get3A_1070 = tpu.vector_load %arg5[%get3A_1069] {strides = array<i32>} : memref<92160xf32, #tpu.memory_space<vmem>>, vector<16xf32>,
        %mul3A_1071 = arith.mulf %get3A_1070, %get3A_22 : vector<16xf32>
        %add3A_1072 = arith.addf %add3A_1066, %mul3A_1071 : vector<16xf32>
        %add3A_1073 = arith.constant 80 : i32
        %add3A_1074 = arith.addi %add3A_1045, %add3A_1073 : i32
        %get3A_1075 = arith.index_cast %add3A_1074 : i32 to index
        %get3A_1076 = tpu.vector_load %arg5[%get3A_1075] {strides = array<i32>} : memref<92160xf32, #tpu.memory_space<vmem>>, vector<16xf32>,
        %mul3A_1077 = arith.mulf %get3A_1076, %get3A_24 : vector<16xf32>
        %add3A_1078 = arith.addf %add3A_1072, %mul3A_1077 : vector<16xf32>
        %add3A_1079 = arith.constant 96 : i32
        %add3A_1080 = arith.addi %add3A_1045, %add3A_1079 : i32
        %get3A_1081 = arith.index_cast %add3A_1080 : i32 to index
        %get3A_1082 = tpu.vector_load %arg5[%get3A_1081] {strides = array<i32>} : memref<92160xf32, #tpu.memory_space<vmem>>, vector<16xf32>,
        %mul3A_1083 = arith.mulf %get3A_1082, %get3A_26 : vector<16xf32>
        %add3A_1084 = arith.addf %add3A_1078, %mul3A_1083 : vector<16xf32>
        %add3A_1085 = arith.constant 112 : i32
        %add3A_1086 = arith.addi %add3A_1045, %add3A_1085 : i32
        %get3A_1087 = arith.index_cast %add3A_1086 : i32 to index
        %get3A_1088 = tpu.vector_load %arg5[%get3A_1087] {strides = array<i32>} : memref<92160xf32, #tpu.memory_space<vmem>>, vector<16xf32>,
        %mul3A_1089 = arith.mulf %get3A_1088, %get3A_28 : vector<16xf32>
        %add3A_1090 = arith.addf %add3A_1084, %mul3A_1089 : vector<16xf32>
        %rev3A_1091 = arith.constant 15 : i32
        %rev3A_1092 = vector.broadcast %rev3A_1091 : i32 to vector<16xi32>
        %rev3A_1093 = tpu.iota {dimensions = array<i32: 0>} : vector<16xi32>
        %rev3A_1094 = arith.subi %rev3A_1092, %rev3A_1093 : vector<16xi32>
        %rev3A_1095 = tpu.dynamic_gather %add3A_1090[%rev3A_1094] in [0] : vector<16xf32>, vector<16xi32> -> vector<16xf32>
        %add3A_1096 = arith.addf %add3A_1090, %rev3A_1095 : vector<16xf32>
        %select_n3A_1097 = arith.select %lt3A_30, %add3A_1043, %add3A_1096 : vector<16xi1>, vector<16xf32>
        %broadcast_in_dim3A_1098 = arith.constant true
        %broadcast_in_dim3A_1099 = vector.broadcast %broadcast_in_dim3A_1098 : i1 to vector<16xi1>
        %masked_cumsum3A_1100 = tpu.scan <sum>, %select_n3A_1097 masked %broadcast_in_dim3A_1099 : vector<16xf32>, vector<16xi1> -> vector<16xf32>
        %slice3A_1101 = vector.extract_strided_slice %masked_cumsum3A_1100 {offsets = [7], sizes = [1], strides = [1]} : vector<16xf32> to vector<1xf32>
        %squeeze3A_1102 = vector.extract %slice3A_1101[0] : f32 from vector<1xf32>
        %slice3A_1103 = vector.extract_strided_slice %masked_cumsum3A_1100 {offsets = [15], sizes = [1], strides = [1]} : vector<16xf32> to vector<1xf32>
        %squeeze3A_1104 = vector.extract %slice3A_1103[0] : f32 from vector<1xf32>
        %slice3A_1105 = vector.extract_strided_slice %masked_cumsum3A_1100 {offsets = [7], sizes = [1], strides = [1]} : vector<16xf32> to vector<1xf32>
        %squeeze3A_1106 = vector.extract %slice3A_1105[0] : f32 from vector<1xf32>
        %sub3A_1107 = arith.subf %squeeze3A_1104, %squeeze3A_1106 : f32
        %eq3A_1108 = arith.constant 14 : i32
        %eq3A_1109 = vector.broadcast %eq3A_1108 : i32 to vector<16xi32>
        %eq3A_1110 = arith.cmpi eq, %iota3A, %eq3A_1109 : vector<16xi32>
        %broadcast_in_dim3A_1111 = vector.broadcast %squeeze3A_1102 : f32 to vector<16xf32>
        %select_n3A_1112 = arith.select %eq3A_1110, %broadcast_in_dim3A_1111, %select_n3A_990 : vector<16xi1>, vector<16xf32>
        %eq3A_1113 = arith.constant 15 : i32
        %eq3A_1114 = vector.broadcast %eq3A_1113 : i32 to vector<16xi32>
        %eq3A_1115 = arith.cmpi eq, %iota3A, %eq3A_1114 : vector<16xi32>
        %broadcast_in_dim3A_1116 = vector.broadcast %sub3A_1107 : f32 to vector<16xf32>
        %select_n3A_1117 = arith.select %eq3A_1115, %broadcast_in_dim3A_1116, %select_n3A_1112 : vector<16xi1>, vector<16xf32>
        %swap3A = arith.index_cast %add3A_100 : i32 to index
        %swap3A_1118 = tpu.vector_load %arg7[%swap3A] {strides = array<i32>} : memref<3136xf32, #tpu.memory_space<vmem>>, vector<16xf32>,
        tpu.vector_store %arg7[%swap3A], %select_n3A_1117 {strides = array<i32>} : memref<3136xf32, #tpu.memory_space<vmem>>, vector<16xf32>,
      }
      %scan3A_94 = arith.constant 15 : i32
    }
    %scan3A_36 = arith.constant 13 : i32
    %lt3A_37 = arith.constant 10 : i32
    %lt3A_38 = arith.cmpi slt, %add3A, %lt3A_37 : i32
    %convert_element_type3A = arith.extui %lt3A_38 : i1 to i32
    %cond3A = arith.constant 0 : i32
    %cond3A_39 = arith.cmpi ne, %convert_element_type3A, %cond3A : i32
    scf.if %cond3A_39 {
      %add3A_45 = arith.constant 3120 : i32
      %add3A_46 = arith.addi %add3A_8, %add3A_45 : i32
      %mul3A_47 = arith.constant 128 : i32
      %mul3A_48 = arith.muli %add3A_46, %mul3A_47 : i32
      "tpu.region"() ({
        %run_scoped3A = tpu.sem_alloc : memref<!tpu.dma_semaphore, #tpu.memory_space<semaphore_mem>>
        %dma_start3A = arith.constant 0 : i32
        %dma_start3A_804 = tpu.memref_slice %arg5[%dma_start3A] : memref<92160xf32, #tpu.memory_space<vmem>> -> memref<2048xf32, #tpu.memory_space<vmem>>
        %dma_start3A_805 = tpu.memref_slice %arg2[%mul3A_48] : memref<12800000xf32, #tpu.memory_space<hbm>> -> memref<2048xf32, #tpu.memory_space<hbm>>
        %dma_start3A_806 = arith.constant 0 : i32
        %dma_start3A_807 = tpu.memref_slice %arg5[%dma_start3A_806] : memref<92160xf32, #tpu.memory_space<vmem>> -> memref<2048xf32, #tpu.memory_space<vmem>>
        %dma_start3A_808 = tpu.memref_slice %arg2[%mul3A_48] : memref<12800000xf32, #tpu.memory_space<hbm>> -> memref<2048xf32, #tpu.memory_space<hbm>>
        tpu.enqueue_dma source(%dma_start3A_808 : memref<2048xf32, #tpu.memory_space<hbm>>) target(%dma_start3A_807 : memref<2048xf32, #tpu.memory_space<vmem>>) target_semaphore(%run_scoped3A : memref<!tpu.dma_semaphore, #tpu.memory_space<semaphore_mem>>)
        %dma_wait3A = arith.constant 0 : i32
        %dma_wait3A_809 = tpu.memref_slice %arg5[%dma_wait3A] : memref<92160xf32, #tpu.memory_space<vmem>> -> memref<2048xf32, #tpu.memory_space<vmem>>
        %dma_wait3A_810 = tpu.memref_slice %arg2[%mul3A_48] : memref<12800000xf32, #tpu.memory_space<hbm>> -> memref<2048xf32, #tpu.memory_space<hbm>>
        %dma_wait3A_811 = arith.constant 0 : i32
        %dma_wait3A_812 = tpu.memref_slice %arg5[%dma_wait3A_811] : memref<92160xf32, #tpu.memory_space<vmem>> -> memref<2048xf32, #tpu.memory_space<vmem>>
        %dma_wait3A_813 = tpu.memref_slice %arg2[%mul3A_48] : memref<12800000xf32, #tpu.memory_space<hbm>> -> memref<2048xf32, #tpu.memory_space<hbm>>
        tpu.wait_dma2 semaphore(%run_scoped3A : memref<!tpu.dma_semaphore, #tpu.memory_space<semaphore_mem>>) src(%dma_wait3A_813 : memref<2048xf32, #tpu.memory_space<hbm>>) dst(%dma_wait3A_812 : memref<2048xf32, #tpu.memory_space<vmem>>)
        tpu.yield
      }) : () -> ()
      %broadcast_in_dim3A = arith.constant 0.000000e+00 : f32
      %broadcast_in_dim3A_49 = vector.broadcast %broadcast_in_dim3A : f32 to vector<16xf32>
      %get3A_50 = arith.constant 0 : index
      %get3A_51 = tpu.vector_load %arg5[%get3A_50] {strides = array<i32>} : memref<92160xf32, #tpu.memory_space<vmem>>, vector<16xf32>,
      %mul3A_52 = arith.mulf %get3A_51, %get3A_14 : vector<16xf32>
      %get3A_53 = arith.constant 16 : index
      %get3A_54 = tpu.vector_load %arg5[%get3A_53] {strides = array<i32>} : memref<92160xf32, #tpu.memory_space<vmem>>, vector<16xf32>,
      %mul3A_55 = arith.mulf %get3A_54, %get3A_16 : vector<16xf32>
      %add3A_56 = arith.addf %mul3A_52, %mul3A_55 : vector<16xf32>
      %get3A_57 = arith.constant 32 : index
      %get3A_58 = tpu.vector_load %arg5[%get3A_57] {strides = array<i32>} : memref<92160xf32, #tpu.memory_space<vmem>>, vector<16xf32>,
      %mul3A_59 = arith.mulf %get3A_58, %get3A_18 : vector<16xf32>
      %add3A_60 = arith.addf %add3A_56, %mul3A_59 : vector<16xf32>
      %get3A_61 = arith.constant 48 : index
      %get3A_62 = tpu.vector_load %arg5[%get3A_61] {strides = array<i32>} : memref<92160xf32, #tpu.memory_space<vmem>>, vector<16xf32>,
      %mul3A_63 = arith.mulf %get3A_62, %get3A_20 : vector<16xf32>
      %add3A_64 = arith.addf %add3A_60, %mul3A_63 : vector<16xf32>
      %get3A_65 = arith.constant 64 : index
      %get3A_66 = tpu.vector_load %arg5[%get3A_65] {strides = array<i32>} : memref<92160xf32, #tpu.memory_space<vmem>>, vector<16xf32>,
      %mul3A_67 = arith.mulf %get3A_66, %get3A_22 : vector<16xf32>
      %add3A_68 = arith.addf %add3A_64, %mul3A_67 : vector<16xf32>
      %get3A_69 = arith.constant 80 : index
      %get3A_70 = tpu.vector_load %arg5[%get3A_69] {strides = array<i32>} : memref<92160xf32, #tpu.memory_space<vmem>>, vector<16xf32>,
      %mul3A_71 = arith.mulf %get3A_70, %get3A_24 : vector<16xf32>
      %add3A_72 = arith.addf %add3A_68, %mul3A_71 : vector<16xf32>
      %get3A_73 = arith.constant 96 : index
      %get3A_74 = tpu.vector_load %arg5[%get3A_73] {strides = array<i32>} : memref<92160xf32, #tpu.memory_space<vmem>>, vector<16xf32>,
      %mul3A_75 = arith.mulf %get3A_74, %get3A_26 : vector<16xf32>
      %add3A_76 = arith.addf %add3A_72, %mul3A_75 : vector<16xf32>
      %get3A_77 = arith.constant 112 : index
      %get3A_78 = tpu.vector_load %arg5[%get3A_77] {strides = array<i32>} : memref<92160xf32, #tpu.memory_space<vmem>>, vector<16xf32>,
      %mul3A_79 = arith.mulf %get3A_78, %get3A_28 : vector<16xf32>
      %add3A_80 = arith.addf %add3A_76, %mul3A_79 : vector<16xf32>
      %rev3A = arith.constant 15 : i32
      %rev3A_81 = vector.broadcast %rev3A : i32 to vector<16xi32>
      %rev3A_82 = tpu.iota {dimensions = array<i32: 0>} : vector<16xi32>
      %rev3A_83 = arith.subi %rev3A_81, %rev3A_82 : vector<16xi32>
      %rev3A_84 = tpu.dynamic_gather %add3A_80[%rev3A_83] in [0] : vector<16xf32>, vector<16xi32> -> vector<16xf32>
      %add3A_85 = arith.addf %add3A_80, %rev3A_84 : vector<16xf32>
      %get3A_86 = arith.constant 128 : index
      %get3A_87 = tpu.vector_load %arg5[%get3A_86] {strides = array<i32>} : memref<92160xf32, #tpu.memory_space<vmem>>, vector<16xf32>,
      %mul3A_88 = arith.mulf %get3A_87, %get3A_14 : vector<16xf32>
      %get3A_89 = arith.constant 144 : index
      %get3A_90 = tpu.vector_load %arg5[%get3A_89] {strides = array<i32>} : memref<92160xf32, #tpu.memory_space<vmem>>, vector<16xf32>,
      %mul3A_91 = arith.mulf %get3A_90, %get3A_16 : vector<16xf32>
      %add3A_92 = arith.addf %mul3A_88, %mul3A_91 : vector<16xf32>
      %get3A_93 = arith.constant 160 : index
      %get3A_94 = tpu.vector_load %arg5[%get3A_93] {strides = array<i32>} : memref<92160xf32, #tpu.memory_space<vmem>>, vector<16xf32>,
      %mul3A_95 = arith.mulf %get3A_94, %get3A_18 : vector<16xf32>
      %add3A_96 = arith.addf %add3A_92, %mul3A_95 : vector<16xf32>
      %get3A_97 = arith.constant 176 : index
      %get3A_98 = tpu.vector_load %arg5[%get3A_97] {strides = array<i32>} : memref<92160xf32, #tpu.memory_space<vmem>>, vector<16xf32>,
      %mul3A_99 = arith.mulf %get3A_98, %get3A_20 : vector<16xf32>
      %add3A_100 = arith.addf %add3A_96, %mul3A_99 : vector<16xf32>
      %get3A_101 = arith.constant 192 : index
      %get3A_102 = tpu.vector_load %arg5[%get3A_101] {strides = array<i32>} : memref<92160xf32, #tpu.memory_space<vmem>>, vector<16xf32>,
      %mul3A_103 = arith.mulf %get3A_102, %get3A_22 : vector<16xf32>
      %add3A_104 = arith.addf %add3A_100, %mul3A_103 : vector<16xf32>
      %get3A_105 = arith.constant 208 : index
      %get3A_106 = tpu.vector_load %arg5[%get3A_105] {strides = array<i32>} : memref<92160xf32, #tpu.memory_space<vmem>>, vector<16xf32>,
      %mul3A_107 = arith.mulf %get3A_106, %get3A_24 : vector<16xf32>
      %add3A_108 = arith.addf %add3A_104, %mul3A_107 : vector<16xf32>
      %get3A_109 = arith.constant 224 : index
      %get3A_110 = tpu.vector_load %arg5[%get3A_109] {strides = array<i32>} : memref<92160xf32, #tpu.memory_space<vmem>>, vector<16xf32>,
      %mul3A_111 = arith.mulf %get3A_110, %get3A_26 : vector<16xf32>
      %add3A_112 = arith.addf %add3A_108, %mul3A_111 : vector<16xf32>
      %get3A_113 = arith.constant 240 : index
      %get3A_114 = tpu.vector_load %arg5[%get3A_113] {strides = array<i32>} : memref<92160xf32, #tpu.memory_space<vmem>>, vector<16xf32>,
      %mul3A_115 = arith.mulf %get3A_114, %get3A_28 : vector<16xf32>
      %add3A_116 = arith.addf %add3A_112, %mul3A_115 : vector<16xf32>
      %rev3A_117 = arith.constant 15 : i32
      %rev3A_118 = vector.broadcast %rev3A_117 : i32 to vector<16xi32>
      %rev3A_119 = tpu.iota {dimensions = array<i32: 0>} : vector<16xi32>
      %rev3A_120 = arith.subi %rev3A_118, %rev3A_119 : vector<16xi32>
      %rev3A_121 = tpu.dynamic_gather %add3A_116[%rev3A_120] in [0] : vector<16xf32>, vector<16xi32> -> vector<16xf32>
      %add3A_122 = arith.addf %add3A_116, %rev3A_121 : vector<16xf32>
      %select_n3A = arith.select %lt3A_30, %add3A_85, %add3A_122 : vector<16xi1>, vector<16xf32>
      %broadcast_in_dim3A_123 = arith.constant true
      %broadcast_in_dim3A_124 = vector.broadcast %broadcast_in_dim3A_123 : i1 to vector<16xi1>
      %masked_cumsum3A = tpu.scan <sum>, %select_n3A masked %broadcast_in_dim3A_124 : vector<16xf32>, vector<16xi1> -> vector<16xf32>
      %slice3A = vector.extract_strided_slice %masked_cumsum3A {offsets = [7], sizes = [1], strides = [1]} : vector<16xf32> to vector<1xf32>
      %squeeze3A = vector.extract %slice3A[0] : f32 from vector<1xf32>
      %slice3A_125 = vector.extract_strided_slice %masked_cumsum3A {offsets = [15], sizes = [1], strides = [1]} : vector<16xf32> to vector<1xf32>
      %squeeze3A_126 = vector.extract %slice3A_125[0] : f32 from vector<1xf32>
      %slice3A_127 = vector.extract_strided_slice %masked_cumsum3A {offsets = [7], sizes = [1], strides = [1]} : vector<16xf32> to vector<1xf32>
      %squeeze3A_128 = vector.extract %slice3A_127[0] : f32 from vector<1xf32>
      %sub3A = arith.subf %squeeze3A_126, %squeeze3A_128 : f32
      %eq3A = arith.constant 0 : i32
      %eq3A_129 = vector.broadcast %eq3A : i32 to vector<16xi32>
      %eq3A_130 = arith.cmpi eq, %iota3A, %eq3A_129 : vector<16xi32>
      %broadcast_in_dim3A_131 = vector.broadcast %squeeze3A : f32 to vector<16xf32>
      %select_n3A_132 = arith.select %eq3A_130, %broadcast_in_dim3A_131, %broadcast_in_dim3A_49 : vector<16xi1>, vector<16xf32>
      %eq3A_133 = arith.constant 1 : i32
      %eq3A_134 = vector.broadcast %eq3A_133 : i32 to vector<16xi32>
      %eq3A_135 = arith.cmpi eq, %iota3A, %eq3A_134 : vector<16xi32>
      %broadcast_in_dim3A_136 = vector.broadcast %sub3A : f32 to vector<16xf32>
      %select_n3A_137 = arith.select %eq3A_135, %broadcast_in_dim3A_136, %select_n3A_132 : vector<16xi1>, vector<16xf32>
      %get3A_138 = arith.constant 256 : index
      %get3A_139 = tpu.vector_load %arg5[%get3A_138] {strides = array<i32>} : memref<92160xf32, #tpu.memory_space<vmem>>, vector<16xf32>,
      %mul3A_140 = arith.mulf %get3A_139, %get3A_14 : vector<16xf32>
      %get3A_141 = arith.constant 272 : index
      %get3A_142 = tpu.vector_load %arg5[%get3A_141] {strides = array<i32>} : memref<92160xf32, #tpu.memory_space<vmem>>, vector<16xf32>,
      %mul3A_143 = arith.mulf %get3A_142, %get3A_16 : vector<16xf32>
      %add3A_144 = arith.addf %mul3A_140, %mul3A_143 : vector<16xf32>
      %get3A_145 = arith.constant 288 : index
      %get3A_146 = tpu.vector_load %arg5[%get3A_145] {strides = array<i32>} : memref<92160xf32, #tpu.memory_space<vmem>>, vector<16xf32>,
      %mul3A_147 = arith.mulf %get3A_146, %get3A_18 : vector<16xf32>
      %add3A_148 = arith.addf %add3A_144, %mul3A_147 : vector<16xf32>
      %get3A_149 = arith.constant 304 : index
      %get3A_150 = tpu.vector_load %arg5[%get3A_149] {strides = array<i32>} : memref<92160xf32, #tpu.memory_space<vmem>>, vector<16xf32>,
      %mul3A_151 = arith.mulf %get3A_150, %get3A_20 : vector<16xf32>
      %add3A_152 = arith.addf %add3A_148, %mul3A_151 : vector<16xf32>
      %get3A_153 = arith.constant 320 : index
      %get3A_154 = tpu.vector_load %arg5[%get3A_153] {strides = array<i32>} : memref<92160xf32, #tpu.memory_space<vmem>>, vector<16xf32>,
      %mul3A_155 = arith.mulf %get3A_154, %get3A_22 : vector<16xf32>
      %add3A_156 = arith.addf %add3A_152, %mul3A_155 : vector<16xf32>
      %get3A_157 = arith.constant 336 : index
      %get3A_158 = tpu.vector_load %arg5[%get3A_157] {strides = array<i32>} : memref<92160xf32, #tpu.memory_space<vmem>>, vector<16xf32>,
      %mul3A_159 = arith.mulf %get3A_158, %get3A_24 : vector<16xf32>
      %add3A_160 = arith.addf %add3A_156, %mul3A_159 : vector<16xf32>
      %get3A_161 = arith.constant 352 : index
      %get3A_162 = tpu.vector_load %arg5[%get3A_161] {strides = array<i32>} : memref<92160xf32, #tpu.memory_space<vmem>>, vector<16xf32>,
      %mul3A_163 = arith.mulf %get3A_162, %get3A_26 : vector<16xf32>
      %add3A_164 = arith.addf %add3A_160, %mul3A_163 : vector<16xf32>
      %get3A_165 = arith.constant 368 : index
      %get3A_166 = tpu.vector_load %arg5[%get3A_165] {strides = array<i32>} : memref<92160xf32, #tpu.memory_space<vmem>>, vector<16xf32>,
      %mul3A_167 = arith.mulf %get3A_166, %get3A_28 : vector<16xf32>
      %add3A_168 = arith.addf %add3A_164, %mul3A_167 : vector<16xf32>
      %rev3A_169 = arith.constant 15 : i32
      %rev3A_170 = vector.broadcast %rev3A_169 : i32 to vector<16xi32>
      %rev3A_171 = tpu.iota {dimensions = array<i32: 0>} : vector<16xi32>
      %rev3A_172 = arith.subi %rev3A_170, %rev3A_171 : vector<16xi32>
      %rev3A_173 = tpu.dynamic_gather %add3A_168[%rev3A_172] in [0] : vector<16xf32>, vector<16xi32> -> vector<16xf32>
      %add3A_174 = arith.addf %add3A_168, %rev3A_173 : vector<16xf32>
      %get3A_175 = arith.constant 384 : index
      %get3A_176 = tpu.vector_load %arg5[%get3A_175] {strides = array<i32>} : memref<92160xf32, #tpu.memory_space<vmem>>, vector<16xf32>,
      %mul3A_177 = arith.mulf %get3A_176, %get3A_14 : vector<16xf32>
      %get3A_178 = arith.constant 400 : index
      %get3A_179 = tpu.vector_load %arg5[%get3A_178] {strides = array<i32>} : memref<92160xf32, #tpu.memory_space<vmem>>, vector<16xf32>,
      %mul3A_180 = arith.mulf %get3A_179, %get3A_16 : vector<16xf32>
      %add3A_181 = arith.addf %mul3A_177, %mul3A_180 : vector<16xf32>
      %get3A_182 = arith.constant 416 : index
      %get3A_183 = tpu.vector_load %arg5[%get3A_182] {strides = array<i32>} : memref<92160xf32, #tpu.memory_space<vmem>>, vector<16xf32>,
      %mul3A_184 = arith.mulf %get3A_183, %get3A_18 : vector<16xf32>
      %add3A_185 = arith.addf %add3A_181, %mul3A_184 : vector<16xf32>
      %get3A_186 = arith.constant 432 : index
      %get3A_187 = tpu.vector_load %arg5[%get3A_186] {strides = array<i32>} : memref<92160xf32, #tpu.memory_space<vmem>>, vector<16xf32>,
      %mul3A_188 = arith.mulf %get3A_187, %get3A_20 : vector<16xf32>
      %add3A_189 = arith.addf %add3A_185, %mul3A_188 : vector<16xf32>
      %get3A_190 = arith.constant 448 : index
      %get3A_191 = tpu.vector_load %arg5[%get3A_190] {strides = array<i32>} : memref<92160xf32, #tpu.memory_space<vmem>>, vector<16xf32>,
      %mul3A_192 = arith.mulf %get3A_191, %get3A_22 : vector<16xf32>
      %add3A_193 = arith.addf %add3A_189, %mul3A_192 : vector<16xf32>
      %get3A_194 = arith.constant 464 : index
      %get3A_195 = tpu.vector_load %arg5[%get3A_194] {strides = array<i32>} : memref<92160xf32, #tpu.memory_space<vmem>>, vector<16xf32>,
      %mul3A_196 = arith.mulf %get3A_195, %get3A_24 : vector<16xf32>
      %add3A_197 = arith.addf %add3A_193, %mul3A_196 : vector<16xf32>
      %get3A_198 = arith.constant 480 : index
      %get3A_199 = tpu.vector_load %arg5[%get3A_198] {strides = array<i32>} : memref<92160xf32, #tpu.memory_space<vmem>>, vector<16xf32>,
      %mul3A_200 = arith.mulf %get3A_199, %get3A_26 : vector<16xf32>
      %add3A_201 = arith.addf %add3A_197, %mul3A_200 : vector<16xf32>
      %get3A_202 = arith.constant 496 : index
      %get3A_203 = tpu.vector_load %arg5[%get3A_202] {strides = array<i32>} : memref<92160xf32, #tpu.memory_space<vmem>>, vector<16xf32>,
      %mul3A_204 = arith.mulf %get3A_203, %get3A_28 : vector<16xf32>
      %add3A_205 = arith.addf %add3A_201, %mul3A_204 : vector<16xf32>
      %rev3A_206 = arith.constant 15 : i32
      %rev3A_207 = vector.broadcast %rev3A_206 : i32 to vector<16xi32>
      %rev3A_208 = tpu.iota {dimensions = array<i32: 0>} : vector<16xi32>
      %rev3A_209 = arith.subi %rev3A_207, %rev3A_208 : vector<16xi32>
      %rev3A_210 = tpu.dynamic_gather %add3A_205[%rev3A_209] in [0] : vector<16xf32>, vector<16xi32> -> vector<16xf32>
      %add3A_211 = arith.addf %add3A_205, %rev3A_210 : vector<16xf32>
      %select_n3A_212 = arith.select %lt3A_30, %add3A_174, %add3A_211 : vector<16xi1>, vector<16xf32>
      %broadcast_in_dim3A_213 = arith.constant true
      %broadcast_in_dim3A_214 = vector.broadcast %broadcast_in_dim3A_213 : i1 to vector<16xi1>
      %masked_cumsum3A_215 = tpu.scan <sum>, %select_n3A_212 masked %broadcast_in_dim3A_214 : vector<16xf32>, vector<16xi1> -> vector<16xf32>
      %slice3A_216 = vector.extract_strided_slice %masked_cumsum3A_215 {offsets = [7], sizes = [1], strides = [1]} : vector<16xf32> to vector<1xf32>
      %squeeze3A_217 = vector.extract %slice3A_216[0] : f32 from vector<1xf32>
      %slice3A_218 = vector.extract_strided_slice %masked_cumsum3A_215 {offsets = [15], sizes = [1], strides = [1]} : vector<16xf32> to vector<1xf32>
      %squeeze3A_219 = vector.extract %slice3A_218[0] : f32 from vector<1xf32>
      %slice3A_220 = vector.extract_strided_slice %masked_cumsum3A_215 {offsets = [7], sizes = [1], strides = [1]} : vector<16xf32> to vector<1xf32>
      %squeeze3A_221 = vector.extract %slice3A_220[0] : f32 from vector<1xf32>
      %sub3A_222 = arith.subf %squeeze3A_219, %squeeze3A_221 : f32
      %eq3A_223 = arith.constant 2 : i32
      %eq3A_224 = vector.broadcast %eq3A_223 : i32 to vector<16xi32>
      %eq3A_225 = arith.cmpi eq, %iota3A, %eq3A_224 : vector<16xi32>
      %broadcast_in_dim3A_226 = vector.broadcast %squeeze3A_217 : f32 to vector<16xf32>
      %select_n3A_227 = arith.select %eq3A_225, %broadcast_in_dim3A_226, %select_n3A_137 : vector<16xi1>, vector<16xf32>
      %eq3A_228 = arith.constant 3 : i32
      %eq3A_229 = vector.broadcast %eq3A_228 : i32 to vector<16xi32>
      %eq3A_230 = arith.cmpi eq, %iota3A, %eq3A_229 : vector<16xi32>
      %broadcast_in_dim3A_231 = vector.broadcast %sub3A_222 : f32 to vector<16xf32>
      %select_n3A_232 = arith.select %eq3A_230, %broadcast_in_dim3A_231, %select_n3A_227 : vector<16xi1>, vector<16xf32>
      %get3A_233 = arith.constant 512 : index
      %get3A_234 = tpu.vector_load %arg5[%get3A_233] {strides = array<i32>} : memref<92160xf32, #tpu.memory_space<vmem>>, vector<16xf32>,
      %mul3A_235 = arith.mulf %get3A_234, %get3A_14 : vector<16xf32>
      %get3A_236 = arith.constant 528 : index
      %get3A_237 = tpu.vector_load %arg5[%get3A_236] {strides = array<i32>} : memref<92160xf32, #tpu.memory_space<vmem>>, vector<16xf32>,
      %mul3A_238 = arith.mulf %get3A_237, %get3A_16 : vector<16xf32>
      %add3A_239 = arith.addf %mul3A_235, %mul3A_238 : vector<16xf32>
      %get3A_240 = arith.constant 544 : index
      %get3A_241 = tpu.vector_load %arg5[%get3A_240] {strides = array<i32>} : memref<92160xf32, #tpu.memory_space<vmem>>, vector<16xf32>,
      %mul3A_242 = arith.mulf %get3A_241, %get3A_18 : vector<16xf32>
      %add3A_243 = arith.addf %add3A_239, %mul3A_242 : vector<16xf32>
      %get3A_244 = arith.constant 560 : index
      %get3A_245 = tpu.vector_load %arg5[%get3A_244] {strides = array<i32>} : memref<92160xf32, #tpu.memory_space<vmem>>, vector<16xf32>,
      %mul3A_246 = arith.mulf %get3A_245, %get3A_20 : vector<16xf32>
      %add3A_247 = arith.addf %add3A_243, %mul3A_246 : vector<16xf32>
      %get3A_248 = arith.constant 576 : index
      %get3A_249 = tpu.vector_load %arg5[%get3A_248] {strides = array<i32>} : memref<92160xf32, #tpu.memory_space<vmem>>, vector<16xf32>,
      %mul3A_250 = arith.mulf %get3A_249, %get3A_22 : vector<16xf32>
      %add3A_251 = arith.addf %add3A_247, %mul3A_250 : vector<16xf32>
      %get3A_252 = arith.constant 592 : index
      %get3A_253 = tpu.vector_load %arg5[%get3A_252] {strides = array<i32>} : memref<92160xf32, #tpu.memory_space<vmem>>, vector<16xf32>,
      %mul3A_254 = arith.mulf %get3A_253, %get3A_24 : vector<16xf32>
      %add3A_255 = arith.addf %add3A_251, %mul3A_254 : vector<16xf32>
      %get3A_256 = arith.constant 608 : index
      %get3A_257 = tpu.vector_load %arg5[%get3A_256] {strides = array<i32>} : memref<92160xf32, #tpu.memory_space<vmem>>, vector<16xf32>,
      %mul3A_258 = arith.mulf %get3A_257, %get3A_26 : vector<16xf32>
      %add3A_259 = arith.addf %add3A_255, %mul3A_258 : vector<16xf32>
      %get3A_260 = arith.constant 624 : index
      %get3A_261 = tpu.vector_load %arg5[%get3A_260] {strides = array<i32>} : memref<92160xf32, #tpu.memory_space<vmem>>, vector<16xf32>,
      %mul3A_262 = arith.mulf %get3A_261, %get3A_28 : vector<16xf32>
      %add3A_263 = arith.addf %add3A_259, %mul3A_262 : vector<16xf32>
      %rev3A_264 = arith.constant 15 : i32
      %rev3A_265 = vector.broadcast %rev3A_264 : i32 to vector<16xi32>
      %rev3A_266 = tpu.iota {dimensions = array<i32: 0>} : vector<16xi32>
      %rev3A_267 = arith.subi %rev3A_265, %rev3A_266 : vector<16xi32>
      %rev3A_268 = tpu.dynamic_gather %add3A_263[%rev3A_267] in [0] : vector<16xf32>, vector<16xi32> -> vector<16xf32>
      %add3A_269 = arith.addf %add3A_263, %rev3A_268 : vector<16xf32>
      %get3A_270 = arith.constant 640 : index
      %get3A_271 = tpu.vector_load %arg5[%get3A_270] {strides = array<i32>} : memref<92160xf32, #tpu.memory_space<vmem>>, vector<16xf32>,
      %mul3A_272 = arith.mulf %get3A_271, %get3A_14 : vector<16xf32>
      %get3A_273 = arith.constant 656 : index
      %get3A_274 = tpu.vector_load %arg5[%get3A_273] {strides = array<i32>} : memref<92160xf32, #tpu.memory_space<vmem>>, vector<16xf32>,
      %mul3A_275 = arith.mulf %get3A_274, %get3A_16 : vector<16xf32>
      %add3A_276 = arith.addf %mul3A_272, %mul3A_275 : vector<16xf32>
      %get3A_277 = arith.constant 672 : index
      %get3A_278 = tpu.vector_load %arg5[%get3A_277] {strides = array<i32>} : memref<92160xf32, #tpu.memory_space<vmem>>, vector<16xf32>,
      %mul3A_279 = arith.mulf %get3A_278, %get3A_18 : vector<16xf32>
      %add3A_280 = arith.addf %add3A_276, %mul3A_279 : vector<16xf32>
      %get3A_281 = arith.constant 688 : index
      %get3A_282 = tpu.vector_load %arg5[%get3A_281] {strides = array<i32>} : memref<92160xf32, #tpu.memory_space<vmem>>, vector<16xf32>,
      %mul3A_283 = arith.mulf %get3A_282, %get3A_20 : vector<16xf32>
      %add3A_284 = arith.addf %add3A_280, %mul3A_283 : vector<16xf32>
      %get3A_285 = arith.constant 704 : index
      %get3A_286 = tpu.vector_load %arg5[%get3A_285] {strides = array<i32>} : memref<92160xf32, #tpu.memory_space<vmem>>, vector<16xf32>,
      %mul3A_287 = arith.mulf %get3A_286, %get3A_22 : vector<16xf32>
      %add3A_288 = arith.addf %add3A_284, %mul3A_287 : vector<16xf32>
      %get3A_289 = arith.constant 720 : index
      %get3A_290 = tpu.vector_load %arg5[%get3A_289] {strides = array<i32>} : memref<92160xf32, #tpu.memory_space<vmem>>, vector<16xf32>,
      %mul3A_291 = arith.mulf %get3A_290, %get3A_24 : vector<16xf32>
      %add3A_292 = arith.addf %add3A_288, %mul3A_291 : vector<16xf32>
      %get3A_293 = arith.constant 736 : index
      %get3A_294 = tpu.vector_load %arg5[%get3A_293] {strides = array<i32>} : memref<92160xf32, #tpu.memory_space<vmem>>, vector<16xf32>,
      %mul3A_295 = arith.mulf %get3A_294, %get3A_26 : vector<16xf32>
      %add3A_296 = arith.addf %add3A_292, %mul3A_295 : vector<16xf32>
      %get3A_297 = arith.constant 752 : index
      %get3A_298 = tpu.vector_load %arg5[%get3A_297] {strides = array<i32>} : memref<92160xf32, #tpu.memory_space<vmem>>, vector<16xf32>,
      %mul3A_299 = arith.mulf %get3A_298, %get3A_28 : vector<16xf32>
      %add3A_300 = arith.addf %add3A_296, %mul3A_299 : vector<16xf32>
      %rev3A_301 = arith.constant 15 : i32
      %rev3A_302 = vector.broadcast %rev3A_301 : i32 to vector<16xi32>
      %rev3A_303 = tpu.iota {dimensions = array<i32: 0>} : vector<16xi32>
      %rev3A_304 = arith.subi %rev3A_302, %rev3A_303 : vector<16xi32>
      %rev3A_305 = tpu.dynamic_gather %add3A_300[%rev3A_304] in [0] : vector<16xf32>, vector<16xi32> -> vector<16xf32>
      %add3A_306 = arith.addf %add3A_300, %rev3A_305 : vector<16xf32>
      %select_n3A_307 = arith.select %lt3A_30, %add3A_269, %add3A_306 : vector<16xi1>, vector<16xf32>
      %broadcast_in_dim3A_308 = arith.constant true
      %broadcast_in_dim3A_309 = vector.broadcast %broadcast_in_dim3A_308 : i1 to vector<16xi1>
      %masked_cumsum3A_310 = tpu.scan <sum>, %select_n3A_307 masked %broadcast_in_dim3A_309 : vector<16xf32>, vector<16xi1> -> vector<16xf32>
      %slice3A_311 = vector.extract_strided_slice %masked_cumsum3A_310 {offsets = [7], sizes = [1], strides = [1]} : vector<16xf32> to vector<1xf32>
      %squeeze3A_312 = vector.extract %slice3A_311[0] : f32 from vector<1xf32>
      %slice3A_313 = vector.extract_strided_slice %masked_cumsum3A_310 {offsets = [15], sizes = [1], strides = [1]} : vector<16xf32> to vector<1xf32>
      %squeeze3A_314 = vector.extract %slice3A_313[0] : f32 from vector<1xf32>
      %slice3A_315 = vector.extract_strided_slice %masked_cumsum3A_310 {offsets = [7], sizes = [1], strides = [1]} : vector<16xf32> to vector<1xf32>
      %squeeze3A_316 = vector.extract %slice3A_315[0] : f32 from vector<1xf32>
      %sub3A_317 = arith.subf %squeeze3A_314, %squeeze3A_316 : f32
      %eq3A_318 = arith.constant 4 : i32
      %eq3A_319 = vector.broadcast %eq3A_318 : i32 to vector<16xi32>
      %eq3A_320 = arith.cmpi eq, %iota3A, %eq3A_319 : vector<16xi32>
      %broadcast_in_dim3A_321 = vector.broadcast %squeeze3A_312 : f32 to vector<16xf32>
      %select_n3A_322 = arith.select %eq3A_320, %broadcast_in_dim3A_321, %select_n3A_232 : vector<16xi1>, vector<16xf32>
      %eq3A_323 = arith.constant 5 : i32
      %eq3A_324 = vector.broadcast %eq3A_323 : i32 to vector<16xi32>
      %eq3A_325 = arith.cmpi eq, %iota3A, %eq3A_324 : vector<16xi32>
      %broadcast_in_dim3A_326 = vector.broadcast %sub3A_317 : f32 to vector<16xf32>
      %select_n3A_327 = arith.select %eq3A_325, %broadcast_in_dim3A_326, %select_n3A_322 : vector<16xi1>, vector<16xf32>
      %get3A_328 = arith.constant 768 : index
      %get3A_329 = tpu.vector_load %arg5[%get3A_328] {strides = array<i32>} : memref<92160xf32, #tpu.memory_space<vmem>>, vector<16xf32>,
      %mul3A_330 = arith.mulf %get3A_329, %get3A_14 : vector<16xf32>
      %get3A_331 = arith.constant 784 : index
      %get3A_332 = tpu.vector_load %arg5[%get3A_331] {strides = array<i32>} : memref<92160xf32, #tpu.memory_space<vmem>>, vector<16xf32>,
      %mul3A_333 = arith.mulf %get3A_332, %get3A_16 : vector<16xf32>
      %add3A_334 = arith.addf %mul3A_330, %mul3A_333 : vector<16xf32>
      %get3A_335 = arith.constant 800 : index
      %get3A_336 = tpu.vector_load %arg5[%get3A_335] {strides = array<i32>} : memref<92160xf32, #tpu.memory_space<vmem>>, vector<16xf32>,
      %mul3A_337 = arith.mulf %get3A_336, %get3A_18 : vector<16xf32>
      %add3A_338 = arith.addf %add3A_334, %mul3A_337 : vector<16xf32>
      %get3A_339 = arith.constant 816 : index
      %get3A_340 = tpu.vector_load %arg5[%get3A_339] {strides = array<i32>} : memref<92160xf32, #tpu.memory_space<vmem>>, vector<16xf32>,
      %mul3A_341 = arith.mulf %get3A_340, %get3A_20 : vector<16xf32>
      %add3A_342 = arith.addf %add3A_338, %mul3A_341 : vector<16xf32>
      %get3A_343 = arith.constant 832 : index
      %get3A_344 = tpu.vector_load %arg5[%get3A_343] {strides = array<i32>} : memref<92160xf32, #tpu.memory_space<vmem>>, vector<16xf32>,
      %mul3A_345 = arith.mulf %get3A_344, %get3A_22 : vector<16xf32>
      %add3A_346 = arith.addf %add3A_342, %mul3A_345 : vector<16xf32>
      %get3A_347 = arith.constant 848 : index
      %get3A_348 = tpu.vector_load %arg5[%get3A_347] {strides = array<i32>} : memref<92160xf32, #tpu.memory_space<vmem>>, vector<16xf32>,
      %mul3A_349 = arith.mulf %get3A_348, %get3A_24 : vector<16xf32>
      %add3A_350 = arith.addf %add3A_346, %mul3A_349 : vector<16xf32>
      %get3A_351 = arith.constant 864 : index
      %get3A_352 = tpu.vector_load %arg5[%get3A_351] {strides = array<i32>} : memref<92160xf32, #tpu.memory_space<vmem>>, vector<16xf32>,
      %mul3A_353 = arith.mulf %get3A_352, %get3A_26 : vector<16xf32>
      %add3A_354 = arith.addf %add3A_350, %mul3A_353 : vector<16xf32>
      %get3A_355 = arith.constant 880 : index
      %get3A_356 = tpu.vector_load %arg5[%get3A_355] {strides = array<i32>} : memref<92160xf32, #tpu.memory_space<vmem>>, vector<16xf32>,
      %mul3A_357 = arith.mulf %get3A_356, %get3A_28 : vector<16xf32>
      %add3A_358 = arith.addf %add3A_354, %mul3A_357 : vector<16xf32>
      %rev3A_359 = arith.constant 15 : i32
      %rev3A_360 = vector.broadcast %rev3A_359 : i32 to vector<16xi32>
      %rev3A_361 = tpu.iota {dimensions = array<i32: 0>} : vector<16xi32>
      %rev3A_362 = arith.subi %rev3A_360, %rev3A_361 : vector<16xi32>
      %rev3A_363 = tpu.dynamic_gather %add3A_358[%rev3A_362] in [0] : vector<16xf32>, vector<16xi32> -> vector<16xf32>
      %add3A_364 = arith.addf %add3A_358, %rev3A_363 : vector<16xf32>
      %get3A_365 = arith.constant 896 : index
      %get3A_366 = tpu.vector_load %arg5[%get3A_365] {strides = array<i32>} : memref<92160xf32, #tpu.memory_space<vmem>>, vector<16xf32>,
      %mul3A_367 = arith.mulf %get3A_366, %get3A_14 : vector<16xf32>
      %get3A_368 = arith.constant 912 : index
      %get3A_369 = tpu.vector_load %arg5[%get3A_368] {strides = array<i32>} : memref<92160xf32, #tpu.memory_space<vmem>>, vector<16xf32>,
      %mul3A_370 = arith.mulf %get3A_369, %get3A_16 : vector<16xf32>
      %add3A_371 = arith.addf %mul3A_367, %mul3A_370 : vector<16xf32>
      %get3A_372 = arith.constant 928 : index
      %get3A_373 = tpu.vector_load %arg5[%get3A_372] {strides = array<i32>} : memref<92160xf32, #tpu.memory_space<vmem>>, vector<16xf32>,
      %mul3A_374 = arith.mulf %get3A_373, %get3A_18 : vector<16xf32>
      %add3A_375 = arith.addf %add3A_371, %mul3A_374 : vector<16xf32>
      %get3A_376 = arith.constant 944 : index
      %get3A_377 = tpu.vector_load %arg5[%get3A_376] {strides = array<i32>} : memref<92160xf32, #tpu.memory_space<vmem>>, vector<16xf32>,
      %mul3A_378 = arith.mulf %get3A_377, %get3A_20 : vector<16xf32>
      %add3A_379 = arith.addf %add3A_375, %mul3A_378 : vector<16xf32>
      %get3A_380 = arith.constant 960 : index
      %get3A_381 = tpu.vector_load %arg5[%get3A_380] {strides = array<i32>} : memref<92160xf32, #tpu.memory_space<vmem>>, vector<16xf32>,
      %mul3A_382 = arith.mulf %get3A_381, %get3A_22 : vector<16xf32>
      %add3A_383 = arith.addf %add3A_379, %mul3A_382 : vector<16xf32>
      %get3A_384 = arith.constant 976 : index
      %get3A_385 = tpu.vector_load %arg5[%get3A_384] {strides = array<i32>} : memref<92160xf32, #tpu.memory_space<vmem>>, vector<16xf32>,
      %mul3A_386 = arith.mulf %get3A_385, %get3A_24 : vector<16xf32>
      %add3A_387 = arith.addf %add3A_383, %mul3A_386 : vector<16xf32>
      %get3A_388 = arith.constant 992 : index
      %get3A_389 = tpu.vector_load %arg5[%get3A_388] {strides = array<i32>} : memref<92160xf32, #tpu.memory_space<vmem>>, vector<16xf32>,
      %mul3A_390 = arith.mulf %get3A_389, %get3A_26 : vector<16xf32>
      %add3A_391 = arith.addf %add3A_387, %mul3A_390 : vector<16xf32>
      %get3A_392 = arith.constant 1008 : index
      %get3A_393 = tpu.vector_load %arg5[%get3A_392] {strides = array<i32>} : memref<92160xf32, #tpu.memory_space<vmem>>, vector<16xf32>,
      %mul3A_394 = arith.mulf %get3A_393, %get3A_28 : vector<16xf32>
      %add3A_395 = arith.addf %add3A_391, %mul3A_394 : vector<16xf32>
      %rev3A_396 = arith.constant 15 : i32
      %rev3A_397 = vector.broadcast %rev3A_396 : i32 to vector<16xi32>
      %rev3A_398 = tpu.iota {dimensions = array<i32: 0>} : vector<16xi32>
      %rev3A_399 = arith.subi %rev3A_397, %rev3A_398 : vector<16xi32>
      %rev3A_400 = tpu.dynamic_gather %add3A_395[%rev3A_399] in [0] : vector<16xf32>, vector<16xi32> -> vector<16xf32>
      %add3A_401 = arith.addf %add3A_395, %rev3A_400 : vector<16xf32>
      %select_n3A_402 = arith.select %lt3A_30, %add3A_364, %add3A_401 : vector<16xi1>, vector<16xf32>
      %broadcast_in_dim3A_403 = arith.constant true
      %broadcast_in_dim3A_404 = vector.broadcast %broadcast_in_dim3A_403 : i1 to vector<16xi1>
      %masked_cumsum3A_405 = tpu.scan <sum>, %select_n3A_402 masked %broadcast_in_dim3A_404 : vector<16xf32>, vector<16xi1> -> vector<16xf32>
      %slice3A_406 = vector.extract_strided_slice %masked_cumsum3A_405 {offsets = [7], sizes = [1], strides = [1]} : vector<16xf32> to vector<1xf32>
      %squeeze3A_407 = vector.extract %slice3A_406[0] : f32 from vector<1xf32>
      %slice3A_408 = vector.extract_strided_slice %masked_cumsum3A_405 {offsets = [15], sizes = [1], strides = [1]} : vector<16xf32> to vector<1xf32>
      %squeeze3A_409 = vector.extract %slice3A_408[0] : f32 from vector<1xf32>
      %slice3A_410 = vector.extract_strided_slice %masked_cumsum3A_405 {offsets = [7], sizes = [1], strides = [1]} : vector<16xf32> to vector<1xf32>
      %squeeze3A_411 = vector.extract %slice3A_410[0] : f32 from vector<1xf32>
      %sub3A_412 = arith.subf %squeeze3A_409, %squeeze3A_411 : f32
      %eq3A_413 = arith.constant 6 : i32
      %eq3A_414 = vector.broadcast %eq3A_413 : i32 to vector<16xi32>
      %eq3A_415 = arith.cmpi eq, %iota3A, %eq3A_414 : vector<16xi32>
      %broadcast_in_dim3A_416 = vector.broadcast %squeeze3A_407 : f32 to vector<16xf32>
      %select_n3A_417 = arith.select %eq3A_415, %broadcast_in_dim3A_416, %select_n3A_327 : vector<16xi1>, vector<16xf32>
      %eq3A_418 = arith.constant 7 : i32
      %eq3A_419 = vector.broadcast %eq3A_418 : i32 to vector<16xi32>
      %eq3A_420 = arith.cmpi eq, %iota3A, %eq3A_419 : vector<16xi32>
      %broadcast_in_dim3A_421 = vector.broadcast %sub3A_412 : f32 to vector<16xf32>
      %select_n3A_422 = arith.select %eq3A_420, %broadcast_in_dim3A_421, %select_n3A_417 : vector<16xi1>, vector<16xf32>
      %get3A_423 = arith.constant 1024 : index
      %get3A_424 = tpu.vector_load %arg5[%get3A_423] {strides = array<i32>} : memref<92160xf32, #tpu.memory_space<vmem>>, vector<16xf32>,
      %mul3A_425 = arith.mulf %get3A_424, %get3A_14 : vector<16xf32>
      %get3A_426 = arith.constant 1040 : index
      %get3A_427 = tpu.vector_load %arg5[%get3A_426] {strides = array<i32>} : memref<92160xf32, #tpu.memory_space<vmem>>, vector<16xf32>,
      %mul3A_428 = arith.mulf %get3A_427, %get3A_16 : vector<16xf32>
      %add3A_429 = arith.addf %mul3A_425, %mul3A_428 : vector<16xf32>
      %get3A_430 = arith.constant 1056 : index
      %get3A_431 = tpu.vector_load %arg5[%get3A_430] {strides = array<i32>} : memref<92160xf32, #tpu.memory_space<vmem>>, vector<16xf32>,
      %mul3A_432 = arith.mulf %get3A_431, %get3A_18 : vector<16xf32>
      %add3A_433 = arith.addf %add3A_429, %mul3A_432 : vector<16xf32>
      %get3A_434 = arith.constant 1072 : index
      %get3A_435 = tpu.vector_load %arg5[%get3A_434] {strides = array<i32>} : memref<92160xf32, #tpu.memory_space<vmem>>, vector<16xf32>,
      %mul3A_436 = arith.mulf %get3A_435, %get3A_20 : vector<16xf32>
      %add3A_437 = arith.addf %add3A_433, %mul3A_436 : vector<16xf32>
      %get3A_438 = arith.constant 1088 : index
      %get3A_439 = tpu.vector_load %arg5[%get3A_438] {strides = array<i32>} : memref<92160xf32, #tpu.memory_space<vmem>>, vector<16xf32>,
      %mul3A_440 = arith.mulf %get3A_439, %get3A_22 : vector<16xf32>
      %add3A_441 = arith.addf %add3A_437, %mul3A_440 : vector<16xf32>
      %get3A_442 = arith.constant 1104 : index
      %get3A_443 = tpu.vector_load %arg5[%get3A_442] {strides = array<i32>} : memref<92160xf32, #tpu.memory_space<vmem>>, vector<16xf32>,
      %mul3A_444 = arith.mulf %get3A_443, %get3A_24 : vector<16xf32>
      %add3A_445 = arith.addf %add3A_441, %mul3A_444 : vector<16xf32>
      %get3A_446 = arith.constant 1120 : index
      %get3A_447 = tpu.vector_load %arg5[%get3A_446] {strides = array<i32>} : memref<92160xf32, #tpu.memory_space<vmem>>, vector<16xf32>,
      %mul3A_448 = arith.mulf %get3A_447, %get3A_26 : vector<16xf32>
      %add3A_449 = arith.addf %add3A_445, %mul3A_448 : vector<16xf32>
      %get3A_450 = arith.constant 1136 : index
      %get3A_451 = tpu.vector_load %arg5[%get3A_450] {strides = array<i32>} : memref<92160xf32, #tpu.memory_space<vmem>>, vector<16xf32>,
      %mul3A_452 = arith.mulf %get3A_451, %get3A_28 : vector<16xf32>
      %add3A_453 = arith.addf %add3A_449, %mul3A_452 : vector<16xf32>
      %rev3A_454 = arith.constant 15 : i32
      %rev3A_455 = vector.broadcast %rev3A_454 : i32 to vector<16xi32>
      %rev3A_456 = tpu.iota {dimensions = array<i32: 0>} : vector<16xi32>
      %rev3A_457 = arith.subi %rev3A_455, %rev3A_456 : vector<16xi32>
      %rev3A_458 = tpu.dynamic_gather %add3A_453[%rev3A_457] in [0] : vector<16xf32>, vector<16xi32> -> vector<16xf32>
      %add3A_459 = arith.addf %add3A_453, %rev3A_458 : vector<16xf32>
      %get3A_460 = arith.constant 1152 : index
      %get3A_461 = tpu.vector_load %arg5[%get3A_460] {strides = array<i32>} : memref<92160xf32, #tpu.memory_space<vmem>>, vector<16xf32>,
      %mul3A_462 = arith.mulf %get3A_461, %get3A_14 : vector<16xf32>
      %get3A_463 = arith.constant 1168 : index
      %get3A_464 = tpu.vector_load %arg5[%get3A_463] {strides = array<i32>} : memref<92160xf32, #tpu.memory_space<vmem>>, vector<16xf32>,
      %mul3A_465 = arith.mulf %get3A_464, %get3A_16 : vector<16xf32>
      %add3A_466 = arith.addf %mul3A_462, %mul3A_465 : vector<16xf32>
      %get3A_467 = arith.constant 1184 : index
      %get3A_468 = tpu.vector_load %arg5[%get3A_467] {strides = array<i32>} : memref<92160xf32, #tpu.memory_space<vmem>>, vector<16xf32>,
      %mul3A_469 = arith.mulf %get3A_468, %get3A_18 : vector<16xf32>
      %add3A_470 = arith.addf %add3A_466, %mul3A_469 : vector<16xf32>
      %get3A_471 = arith.constant 1200 : index
      %get3A_472 = tpu.vector_load %arg5[%get3A_471] {strides = array<i32>} : memref<92160xf32, #tpu.memory_space<vmem>>, vector<16xf32>,
      %mul3A_473 = arith.mulf %get3A_472, %get3A_20 : vector<16xf32>
      %add3A_474 = arith.addf %add3A_470, %mul3A_473 : vector<16xf32>
      %get3A_475 = arith.constant 1216 : index
      %get3A_476 = tpu.vector_load %arg5[%get3A_475] {strides = array<i32>} : memref<92160xf32, #tpu.memory_space<vmem>>, vector<16xf32>,
      %mul3A_477 = arith.mulf %get3A_476, %get3A_22 : vector<16xf32>
      %add3A_478 = arith.addf %add3A_474, %mul3A_477 : vector<16xf32>
      %get3A_479 = arith.constant 1232 : index
      %get3A_480 = tpu.vector_load %arg5[%get3A_479] {strides = array<i32>} : memref<92160xf32, #tpu.memory_space<vmem>>, vector<16xf32>,
      %mul3A_481 = arith.mulf %get3A_480, %get3A_24 : vector<16xf32>
      %add3A_482 = arith.addf %add3A_478, %mul3A_481 : vector<16xf32>
      %get3A_483 = arith.constant 1248 : index
      %get3A_484 = tpu.vector_load %arg5[%get3A_483] {strides = array<i32>} : memref<92160xf32, #tpu.memory_space<vmem>>, vector<16xf32>,
      %mul3A_485 = arith.mulf %get3A_484, %get3A_26 : vector<16xf32>
      %add3A_486 = arith.addf %add3A_482, %mul3A_485 : vector<16xf32>
      %get3A_487 = arith.constant 1264 : index
      %get3A_488 = tpu.vector_load %arg5[%get3A_487] {strides = array<i32>} : memref<92160xf32, #tpu.memory_space<vmem>>, vector<16xf32>,
      %mul3A_489 = arith.mulf %get3A_488, %get3A_28 : vector<16xf32>
      %add3A_490 = arith.addf %add3A_486, %mul3A_489 : vector<16xf32>
      %rev3A_491 = arith.constant 15 : i32
      %rev3A_492 = vector.broadcast %rev3A_491 : i32 to vector<16xi32>
      %rev3A_493 = tpu.iota {dimensions = array<i32: 0>} : vector<16xi32>
      %rev3A_494 = arith.subi %rev3A_492, %rev3A_493 : vector<16xi32>
      %rev3A_495 = tpu.dynamic_gather %add3A_490[%rev3A_494] in [0] : vector<16xf32>, vector<16xi32> -> vector<16xf32>
      %add3A_496 = arith.addf %add3A_490, %rev3A_495 : vector<16xf32>
      %select_n3A_497 = arith.select %lt3A_30, %add3A_459, %add3A_496 : vector<16xi1>, vector<16xf32>
      %broadcast_in_dim3A_498 = arith.constant true
      %broadcast_in_dim3A_499 = vector.broadcast %broadcast_in_dim3A_498 : i1 to vector<16xi1>
      %masked_cumsum3A_500 = tpu.scan <sum>, %select_n3A_497 masked %broadcast_in_dim3A_499 : vector<16xf32>, vector<16xi1> -> vector<16xf32>
      %slice3A_501 = vector.extract_strided_slice %masked_cumsum3A_500 {offsets = [7], sizes = [1], strides = [1]} : vector<16xf32> to vector<1xf32>
      %squeeze3A_502 = vector.extract %slice3A_501[0] : f32 from vector<1xf32>
      %slice3A_503 = vector.extract_strided_slice %masked_cumsum3A_500 {offsets = [15], sizes = [1], strides = [1]} : vector<16xf32> to vector<1xf32>
      %squeeze3A_504 = vector.extract %slice3A_503[0] : f32 from vector<1xf32>
      %slice3A_505 = vector.extract_strided_slice %masked_cumsum3A_500 {offsets = [7], sizes = [1], strides = [1]} : vector<16xf32> to vector<1xf32>
      %squeeze3A_506 = vector.extract %slice3A_505[0] : f32 from vector<1xf32>
      %sub3A_507 = arith.subf %squeeze3A_504, %squeeze3A_506 : f32
      %eq3A_508 = arith.constant 8 : i32
      %eq3A_509 = vector.broadcast %eq3A_508 : i32 to vector<16xi32>
      %eq3A_510 = arith.cmpi eq, %iota3A, %eq3A_509 : vector<16xi32>
      %broadcast_in_dim3A_511 = vector.broadcast %squeeze3A_502 : f32 to vector<16xf32>
      %select_n3A_512 = arith.select %eq3A_510, %broadcast_in_dim3A_511, %select_n3A_422 : vector<16xi1>, vector<16xf32>
      %eq3A_513 = arith.constant 9 : i32
      %eq3A_514 = vector.broadcast %eq3A_513 : i32 to vector<16xi32>
      %eq3A_515 = arith.cmpi eq, %iota3A, %eq3A_514 : vector<16xi32>
      %broadcast_in_dim3A_516 = vector.broadcast %sub3A_507 : f32 to vector<16xf32>
      %select_n3A_517 = arith.select %eq3A_515, %broadcast_in_dim3A_516, %select_n3A_512 : vector<16xi1>, vector<16xf32>
      %get3A_518 = arith.constant 1280 : index
      %get3A_519 = tpu.vector_load %arg5[%get3A_518] {strides = array<i32>} : memref<92160xf32, #tpu.memory_space<vmem>>, vector<16xf32>,
      %mul3A_520 = arith.mulf %get3A_519, %get3A_14 : vector<16xf32>
      %get3A_521 = arith.constant 1296 : index
      %get3A_522 = tpu.vector_load %arg5[%get3A_521] {strides = array<i32>} : memref<92160xf32, #tpu.memory_space<vmem>>, vector<16xf32>,
      %mul3A_523 = arith.mulf %get3A_522, %get3A_16 : vector<16xf32>
      %add3A_524 = arith.addf %mul3A_520, %mul3A_523 : vector<16xf32>
      %get3A_525 = arith.constant 1312 : index
      %get3A_526 = tpu.vector_load %arg5[%get3A_525] {strides = array<i32>} : memref<92160xf32, #tpu.memory_space<vmem>>, vector<16xf32>,
      %mul3A_527 = arith.mulf %get3A_526, %get3A_18 : vector<16xf32>
      %add3A_528 = arith.addf %add3A_524, %mul3A_527 : vector<16xf32>
      %get3A_529 = arith.constant 1328 : index
      %get3A_530 = tpu.vector_load %arg5[%get3A_529] {strides = array<i32>} : memref<92160xf32, #tpu.memory_space<vmem>>, vector<16xf32>,
      %mul3A_531 = arith.mulf %get3A_530, %get3A_20 : vector<16xf32>
      %add3A_532 = arith.addf %add3A_528, %mul3A_531 : vector<16xf32>
      %get3A_533 = arith.constant 1344 : index
      %get3A_534 = tpu.vector_load %arg5[%get3A_533] {strides = array<i32>} : memref<92160xf32, #tpu.memory_space<vmem>>, vector<16xf32>,
      %mul3A_535 = arith.mulf %get3A_534, %get3A_22 : vector<16xf32>
      %add3A_536 = arith.addf %add3A_532, %mul3A_535 : vector<16xf32>
      %get3A_537 = arith.constant 1360 : index
      %get3A_538 = tpu.vector_load %arg5[%get3A_537] {strides = array<i32>} : memref<92160xf32, #tpu.memory_space<vmem>>, vector<16xf32>,
      %mul3A_539 = arith.mulf %get3A_538, %get3A_24 : vector<16xf32>
      %add3A_540 = arith.addf %add3A_536, %mul3A_539 : vector<16xf32>
      %get3A_541 = arith.constant 1376 : index
      %get3A_542 = tpu.vector_load %arg5[%get3A_541] {strides = array<i32>} : memref<92160xf32, #tpu.memory_space<vmem>>, vector<16xf32>,
      %mul3A_543 = arith.mulf %get3A_542, %get3A_26 : vector<16xf32>
      %add3A_544 = arith.addf %add3A_540, %mul3A_543 : vector<16xf32>
      %get3A_545 = arith.constant 1392 : index
      %get3A_546 = tpu.vector_load %arg5[%get3A_545] {strides = array<i32>} : memref<92160xf32, #tpu.memory_space<vmem>>, vector<16xf32>,
      %mul3A_547 = arith.mulf %get3A_546, %get3A_28 : vector<16xf32>
      %add3A_548 = arith.addf %add3A_544, %mul3A_547 : vector<16xf32>
      %rev3A_549 = arith.constant 15 : i32
      %rev3A_550 = vector.broadcast %rev3A_549 : i32 to vector<16xi32>
      %rev3A_551 = tpu.iota {dimensions = array<i32: 0>} : vector<16xi32>
      %rev3A_552 = arith.subi %rev3A_550, %rev3A_551 : vector<16xi32>
      %rev3A_553 = tpu.dynamic_gather %add3A_548[%rev3A_552] in [0] : vector<16xf32>, vector<16xi32> -> vector<16xf32>
      %add3A_554 = arith.addf %add3A_548, %rev3A_553 : vector<16xf32>
      %get3A_555 = arith.constant 1408 : index
      %get3A_556 = tpu.vector_load %arg5[%get3A_555] {strides = array<i32>} : memref<92160xf32, #tpu.memory_space<vmem>>, vector<16xf32>,
      %mul3A_557 = arith.mulf %get3A_556, %get3A_14 : vector<16xf32>
      %get3A_558 = arith.constant 1424 : index
      %get3A_559 = tpu.vector_load %arg5[%get3A_558] {strides = array<i32>} : memref<92160xf32, #tpu.memory_space<vmem>>, vector<16xf32>,
      %mul3A_560 = arith.mulf %get3A_559, %get3A_16 : vector<16xf32>
      %add3A_561 = arith.addf %mul3A_557, %mul3A_560 : vector<16xf32>
      %get3A_562 = arith.constant 1440 : index
      %get3A_563 = tpu.vector_load %arg5[%get3A_562] {strides = array<i32>} : memref<92160xf32, #tpu.memory_space<vmem>>, vector<16xf32>,
      %mul3A_564 = arith.mulf %get3A_563, %get3A_18 : vector<16xf32>
      %add3A_565 = arith.addf %add3A_561, %mul3A_564 : vector<16xf32>
      %get3A_566 = arith.constant 1456 : index
      %get3A_567 = tpu.vector_load %arg5[%get3A_566] {strides = array<i32>} : memref<92160xf32, #tpu.memory_space<vmem>>, vector<16xf32>,
      %mul3A_568 = arith.mulf %get3A_567, %get3A_20 : vector<16xf32>
      %add3A_569 = arith.addf %add3A_565, %mul3A_568 : vector<16xf32>
      %get3A_570 = arith.constant 1472 : index
      %get3A_571 = tpu.vector_load %arg5[%get3A_570] {strides = array<i32>} : memref<92160xf32, #tpu.memory_space<vmem>>, vector<16xf32>,
      %mul3A_572 = arith.mulf %get3A_571, %get3A_22 : vector<16xf32>
      %add3A_573 = arith.addf %add3A_569, %mul3A_572 : vector<16xf32>
      %get3A_574 = arith.constant 1488 : index
      %get3A_575 = tpu.vector_load %arg5[%get3A_574] {strides = array<i32>} : memref<92160xf32, #tpu.memory_space<vmem>>, vector<16xf32>,
      %mul3A_576 = arith.mulf %get3A_575, %get3A_24 : vector<16xf32>
      %add3A_577 = arith.addf %add3A_573, %mul3A_576 : vector<16xf32>
      %get3A_578 = arith.constant 1504 : index
      %get3A_579 = tpu.vector_load %arg5[%get3A_578] {strides = array<i32>} : memref<92160xf32, #tpu.memory_space<vmem>>, vector<16xf32>,
      %mul3A_580 = arith.mulf %get3A_579, %get3A_26 : vector<16xf32>
      %add3A_581 = arith.addf %add3A_577, %mul3A_580 : vector<16xf32>
      %get3A_582 = arith.constant 1520 : index
      %get3A_583 = tpu.vector_load %arg5[%get3A_582] {strides = array<i32>} : memref<92160xf32, #tpu.memory_space<vmem>>, vector<16xf32>,
      %mul3A_584 = arith.mulf %get3A_583, %get3A_28 : vector<16xf32>
      %add3A_585 = arith.addf %add3A_581, %mul3A_584 : vector<16xf32>
      %rev3A_586 = arith.constant 15 : i32
      %rev3A_587 = vector.broadcast %rev3A_586 : i32 to vector<16xi32>
      %rev3A_588 = tpu.iota {dimensions = array<i32: 0>} : vector<16xi32>
      %rev3A_589 = arith.subi %rev3A_587, %rev3A_588 : vector<16xi32>
      %rev3A_590 = tpu.dynamic_gather %add3A_585[%rev3A_589] in [0] : vector<16xf32>, vector<16xi32> -> vector<16xf32>
      %add3A_591 = arith.addf %add3A_585, %rev3A_590 : vector<16xf32>
      %select_n3A_592 = arith.select %lt3A_30, %add3A_554, %add3A_591 : vector<16xi1>, vector<16xf32>
      %broadcast_in_dim3A_593 = arith.constant true
      %broadcast_in_dim3A_594 = vector.broadcast %broadcast_in_dim3A_593 : i1 to vector<16xi1>
      %masked_cumsum3A_595 = tpu.scan <sum>, %select_n3A_592 masked %broadcast_in_dim3A_594 : vector<16xf32>, vector<16xi1> -> vector<16xf32>
      %slice3A_596 = vector.extract_strided_slice %masked_cumsum3A_595 {offsets = [7], sizes = [1], strides = [1]} : vector<16xf32> to vector<1xf32>
      %squeeze3A_597 = vector.extract %slice3A_596[0] : f32 from vector<1xf32>
      %slice3A_598 = vector.extract_strided_slice %masked_cumsum3A_595 {offsets = [15], sizes = [1], strides = [1]} : vector<16xf32> to vector<1xf32>
      %squeeze3A_599 = vector.extract %slice3A_598[0] : f32 from vector<1xf32>
      %slice3A_600 = vector.extract_strided_slice %masked_cumsum3A_595 {offsets = [7], sizes = [1], strides = [1]} : vector<16xf32> to vector<1xf32>
      %squeeze3A_601 = vector.extract %slice3A_600[0] : f32 from vector<1xf32>
      %sub3A_602 = arith.subf %squeeze3A_599, %squeeze3A_601 : f32
      %eq3A_603 = arith.constant 10 : i32
      %eq3A_604 = vector.broadcast %eq3A_603 : i32 to vector<16xi32>
      %eq3A_605 = arith.cmpi eq, %iota3A, %eq3A_604 : vector<16xi32>
      %broadcast_in_dim3A_606 = vector.broadcast %squeeze3A_597 : f32 to vector<16xf32>
      %select_n3A_607 = arith.select %eq3A_605, %broadcast_in_dim3A_606, %select_n3A_517 : vector<16xi1>, vector<16xf32>
      %eq3A_608 = arith.constant 11 : i32
      %eq3A_609 = vector.broadcast %eq3A_608 : i32 to vector<16xi32>
      %eq3A_610 = arith.cmpi eq, %iota3A, %eq3A_609 : vector<16xi32>
      %broadcast_in_dim3A_611 = vector.broadcast %sub3A_602 : f32 to vector<16xf32>
      %select_n3A_612 = arith.select %eq3A_610, %broadcast_in_dim3A_611, %select_n3A_607 : vector<16xi1>, vector<16xf32>
      %get3A_613 = arith.constant 1536 : index
      %get3A_614 = tpu.vector_load %arg5[%get3A_613] {strides = array<i32>} : memref<92160xf32, #tpu.memory_space<vmem>>, vector<16xf32>,
      %mul3A_615 = arith.mulf %get3A_614, %get3A_14 : vector<16xf32>
      %get3A_616 = arith.constant 1552 : index
      %get3A_617 = tpu.vector_load %arg5[%get3A_616] {strides = array<i32>} : memref<92160xf32, #tpu.memory_space<vmem>>, vector<16xf32>,
      %mul3A_618 = arith.mulf %get3A_617, %get3A_16 : vector<16xf32>
      %add3A_619 = arith.addf %mul3A_615, %mul3A_618 : vector<16xf32>
      %get3A_620 = arith.constant 1568 : index
      %get3A_621 = tpu.vector_load %arg5[%get3A_620] {strides = array<i32>} : memref<92160xf32, #tpu.memory_space<vmem>>, vector<16xf32>,
      %mul3A_622 = arith.mulf %get3A_621, %get3A_18 : vector<16xf32>
      %add3A_623 = arith.addf %add3A_619, %mul3A_622 : vector<16xf32>
      %get3A_624 = arith.constant 1584 : index
      %get3A_625 = tpu.vector_load %arg5[%get3A_624] {strides = array<i32>} : memref<92160xf32, #tpu.memory_space<vmem>>, vector<16xf32>,
      %mul3A_626 = arith.mulf %get3A_625, %get3A_20 : vector<16xf32>
      %add3A_627 = arith.addf %add3A_623, %mul3A_626 : vector<16xf32>
      %get3A_628 = arith.constant 1600 : index
      %get3A_629 = tpu.vector_load %arg5[%get3A_628] {strides = array<i32>} : memref<92160xf32, #tpu.memory_space<vmem>>, vector<16xf32>,
      %mul3A_630 = arith.mulf %get3A_629, %get3A_22 : vector<16xf32>
      %add3A_631 = arith.addf %add3A_627, %mul3A_630 : vector<16xf32>
      %get3A_632 = arith.constant 1616 : index
      %get3A_633 = tpu.vector_load %arg5[%get3A_632] {strides = array<i32>} : memref<92160xf32, #tpu.memory_space<vmem>>, vector<16xf32>,
      %mul3A_634 = arith.mulf %get3A_633, %get3A_24 : vector<16xf32>
      %add3A_635 = arith.addf %add3A_631, %mul3A_634 : vector<16xf32>
      %get3A_636 = arith.constant 1632 : index
      %get3A_637 = tpu.vector_load %arg5[%get3A_636] {strides = array<i32>} : memref<92160xf32, #tpu.memory_space<vmem>>, vector<16xf32>,
      %mul3A_638 = arith.mulf %get3A_637, %get3A_26 : vector<16xf32>
      %add3A_639 = arith.addf %add3A_635, %mul3A_638 : vector<16xf32>
      %get3A_640 = arith.constant 1648 : index
      %get3A_641 = tpu.vector_load %arg5[%get3A_640] {strides = array<i32>} : memref<92160xf32, #tpu.memory_space<vmem>>, vector<16xf32>,
      %mul3A_642 = arith.mulf %get3A_641, %get3A_28 : vector<16xf32>
      %add3A_643 = arith.addf %add3A_639, %mul3A_642 : vector<16xf32>
      %rev3A_644 = arith.constant 15 : i32
      %rev3A_645 = vector.broadcast %rev3A_644 : i32 to vector<16xi32>
      %rev3A_646 = tpu.iota {dimensions = array<i32: 0>} : vector<16xi32>
      %rev3A_647 = arith.subi %rev3A_645, %rev3A_646 : vector<16xi32>
      %rev3A_648 = tpu.dynamic_gather %add3A_643[%rev3A_647] in [0] : vector<16xf32>, vector<16xi32> -> vector<16xf32>
      %add3A_649 = arith.addf %add3A_643, %rev3A_648 : vector<16xf32>
      %get3A_650 = arith.constant 1664 : index
      %get3A_651 = tpu.vector_load %arg5[%get3A_650] {strides = array<i32>} : memref<92160xf32, #tpu.memory_space<vmem>>, vector<16xf32>,
      %mul3A_652 = arith.mulf %get3A_651, %get3A_14 : vector<16xf32>
      %get3A_653 = arith.constant 1680 : index
      %get3A_654 = tpu.vector_load %arg5[%get3A_653] {strides = array<i32>} : memref<92160xf32, #tpu.memory_space<vmem>>, vector<16xf32>,
      %mul3A_655 = arith.mulf %get3A_654, %get3A_16 : vector<16xf32>
      %add3A_656 = arith.addf %mul3A_652, %mul3A_655 : vector<16xf32>
      %get3A_657 = arith.constant 1696 : index
      %get3A_658 = tpu.vector_load %arg5[%get3A_657] {strides = array<i32>} : memref<92160xf32, #tpu.memory_space<vmem>>, vector<16xf32>,
      %mul3A_659 = arith.mulf %get3A_658, %get3A_18 : vector<16xf32>
      %add3A_660 = arith.addf %add3A_656, %mul3A_659 : vector<16xf32>
      %get3A_661 = arith.constant 1712 : index
      %get3A_662 = tpu.vector_load %arg5[%get3A_661] {strides = array<i32>} : memref<92160xf32, #tpu.memory_space<vmem>>, vector<16xf32>,
      %mul3A_663 = arith.mulf %get3A_662, %get3A_20 : vector<16xf32>
      %add3A_664 = arith.addf %add3A_660, %mul3A_663 : vector<16xf32>
      %get3A_665 = arith.constant 1728 : index
      %get3A_666 = tpu.vector_load %arg5[%get3A_665] {strides = array<i32>} : memref<92160xf32, #tpu.memory_space<vmem>>, vector<16xf32>,
      %mul3A_667 = arith.mulf %get3A_666, %get3A_22 : vector<16xf32>
      %add3A_668 = arith.addf %add3A_664, %mul3A_667 : vector<16xf32>
      %get3A_669 = arith.constant 1744 : index
      %get3A_670 = tpu.vector_load %arg5[%get3A_669] {strides = array<i32>} : memref<92160xf32, #tpu.memory_space<vmem>>, vector<16xf32>,
      %mul3A_671 = arith.mulf %get3A_670, %get3A_24 : vector<16xf32>
      %add3A_672 = arith.addf %add3A_668, %mul3A_671 : vector<16xf32>
      %get3A_673 = arith.constant 1760 : index
      %get3A_674 = tpu.vector_load %arg5[%get3A_673] {strides = array<i32>} : memref<92160xf32, #tpu.memory_space<vmem>>, vector<16xf32>,
      %mul3A_675 = arith.mulf %get3A_674, %get3A_26 : vector<16xf32>
      %add3A_676 = arith.addf %add3A_672, %mul3A_675 : vector<16xf32>
      %get3A_677 = arith.constant 1776 : index
      %get3A_678 = tpu.vector_load %arg5[%get3A_677] {strides = array<i32>} : memref<92160xf32, #tpu.memory_space<vmem>>, vector<16xf32>,
      %mul3A_679 = arith.mulf %get3A_678, %get3A_28 : vector<16xf32>
      %add3A_680 = arith.addf %add3A_676, %mul3A_679 : vector<16xf32>
      %rev3A_681 = arith.constant 15 : i32
      %rev3A_682 = vector.broadcast %rev3A_681 : i32 to vector<16xi32>
      %rev3A_683 = tpu.iota {dimensions = array<i32: 0>} : vector<16xi32>
      %rev3A_684 = arith.subi %rev3A_682, %rev3A_683 : vector<16xi32>
      %rev3A_685 = tpu.dynamic_gather %add3A_680[%rev3A_684] in [0] : vector<16xf32>, vector<16xi32> -> vector<16xf32>
      %add3A_686 = arith.addf %add3A_680, %rev3A_685 : vector<16xf32>
      %select_n3A_687 = arith.select %lt3A_30, %add3A_649, %add3A_686 : vector<16xi1>, vector<16xf32>
      %broadcast_in_dim3A_688 = arith.constant true
      %broadcast_in_dim3A_689 = vector.broadcast %broadcast_in_dim3A_688 : i1 to vector<16xi1>
      %masked_cumsum3A_690 = tpu.scan <sum>, %select_n3A_687 masked %broadcast_in_dim3A_689 : vector<16xf32>, vector<16xi1> -> vector<16xf32>
      %slice3A_691 = vector.extract_strided_slice %masked_cumsum3A_690 {offsets = [7], sizes = [1], strides = [1]} : vector<16xf32> to vector<1xf32>
      %squeeze3A_692 = vector.extract %slice3A_691[0] : f32 from vector<1xf32>
      %slice3A_693 = vector.extract_strided_slice %masked_cumsum3A_690 {offsets = [15], sizes = [1], strides = [1]} : vector<16xf32> to vector<1xf32>
      %squeeze3A_694 = vector.extract %slice3A_693[0] : f32 from vector<1xf32>
      %slice3A_695 = vector.extract_strided_slice %masked_cumsum3A_690 {offsets = [7], sizes = [1], strides = [1]} : vector<16xf32> to vector<1xf32>
      %squeeze3A_696 = vector.extract %slice3A_695[0] : f32 from vector<1xf32>
      %sub3A_697 = arith.subf %squeeze3A_694, %squeeze3A_696 : f32
      %eq3A_698 = arith.constant 12 : i32
      %eq3A_699 = vector.broadcast %eq3A_698 : i32 to vector<16xi32>
      %eq3A_700 = arith.cmpi eq, %iota3A, %eq3A_699 : vector<16xi32>
      %broadcast_in_dim3A_701 = vector.broadcast %squeeze3A_692 : f32 to vector<16xf32>
      %select_n3A_702 = arith.select %eq3A_700, %broadcast_in_dim3A_701, %select_n3A_612 : vector<16xi1>, vector<16xf32>
      %eq3A_703 = arith.constant 13 : i32
      %eq3A_704 = vector.broadcast %eq3A_703 : i32 to vector<16xi32>
      %eq3A_705 = arith.cmpi eq, %iota3A, %eq3A_704 : vector<16xi32>
      %broadcast_in_dim3A_706 = vector.broadcast %sub3A_697 : f32 to vector<16xf32>
      %select_n3A_707 = arith.select %eq3A_705, %broadcast_in_dim3A_706, %select_n3A_702 : vector<16xi1>, vector<16xf32>
      %get3A_708 = arith.constant 1792 : index
      %get3A_709 = tpu.vector_load %arg5[%get3A_708] {strides = array<i32>} : memref<92160xf32, #tpu.memory_space<vmem>>, vector<16xf32>,
      %mul3A_710 = arith.mulf %get3A_709, %get3A_14 : vector<16xf32>
      %get3A_711 = arith.constant 1808 : index
      %get3A_712 = tpu.vector_load %arg5[%get3A_711] {strides = array<i32>} : memref<92160xf32, #tpu.memory_space<vmem>>, vector<16xf32>,
      %mul3A_713 = arith.mulf %get3A_712, %get3A_16 : vector<16xf32>
      %add3A_714 = arith.addf %mul3A_710, %mul3A_713 : vector<16xf32>
      %get3A_715 = arith.constant 1824 : index
      %get3A_716 = tpu.vector_load %arg5[%get3A_715] {strides = array<i32>} : memref<92160xf32, #tpu.memory_space<vmem>>, vector<16xf32>,
      %mul3A_717 = arith.mulf %get3A_716, %get3A_18 : vector<16xf32>
      %add3A_718 = arith.addf %add3A_714, %mul3A_717 : vector<16xf32>
      %get3A_719 = arith.constant 1840 : index
      %get3A_720 = tpu.vector_load %arg5[%get3A_719] {strides = array<i32>} : memref<92160xf32, #tpu.memory_space<vmem>>, vector<16xf32>,
      %mul3A_721 = arith.mulf %get3A_720, %get3A_20 : vector<16xf32>
      %add3A_722 = arith.addf %add3A_718, %mul3A_721 : vector<16xf32>
      %get3A_723 = arith.constant 1856 : index
      %get3A_724 = tpu.vector_load %arg5[%get3A_723] {strides = array<i32>} : memref<92160xf32, #tpu.memory_space<vmem>>, vector<16xf32>,
      %mul3A_725 = arith.mulf %get3A_724, %get3A_22 : vector<16xf32>
      %add3A_726 = arith.addf %add3A_722, %mul3A_725 : vector<16xf32>
      %get3A_727 = arith.constant 1872 : index
      %get3A_728 = tpu.vector_load %arg5[%get3A_727] {strides = array<i32>} : memref<92160xf32, #tpu.memory_space<vmem>>, vector<16xf32>,
      %mul3A_729 = arith.mulf %get3A_728, %get3A_24 : vector<16xf32>
      %add3A_730 = arith.addf %add3A_726, %mul3A_729 : vector<16xf32>
      %get3A_731 = arith.constant 1888 : index
      %get3A_732 = tpu.vector_load %arg5[%get3A_731] {strides = array<i32>} : memref<92160xf32, #tpu.memory_space<vmem>>, vector<16xf32>,
      %mul3A_733 = arith.mulf %get3A_732, %get3A_26 : vector<16xf32>
      %add3A_734 = arith.addf %add3A_730, %mul3A_733 : vector<16xf32>
      %get3A_735 = arith.constant 1904 : index
      %get3A_736 = tpu.vector_load %arg5[%get3A_735] {strides = array<i32>} : memref<92160xf32, #tpu.memory_space<vmem>>, vector<16xf32>,
      %mul3A_737 = arith.mulf %get3A_736, %get3A_28 : vector<16xf32>
      %add3A_738 = arith.addf %add3A_734, %mul3A_737 : vector<16xf32>
      %rev3A_739 = arith.constant 15 : i32
      %rev3A_740 = vector.broadcast %rev3A_739 : i32 to vector<16xi32>
      %rev3A_741 = tpu.iota {dimensions = array<i32: 0>} : vector<16xi32>
      %rev3A_742 = arith.subi %rev3A_740, %rev3A_741 : vector<16xi32>
      %rev3A_743 = tpu.dynamic_gather %add3A_738[%rev3A_742] in [0] : vector<16xf32>, vector<16xi32> -> vector<16xf32>
      %add3A_744 = arith.addf %add3A_738, %rev3A_743 : vector<16xf32>
      %get3A_745 = arith.constant 1920 : index
      %get3A_746 = tpu.vector_load %arg5[%get3A_745] {strides = array<i32>} : memref<92160xf32, #tpu.memory_space<vmem>>, vector<16xf32>,
      %mul3A_747 = arith.mulf %get3A_746, %get3A_14 : vector<16xf32>
      %get3A_748 = arith.constant 1936 : index
      %get3A_749 = tpu.vector_load %arg5[%get3A_748] {strides = array<i32>} : memref<92160xf32, #tpu.memory_space<vmem>>, vector<16xf32>,
      %mul3A_750 = arith.mulf %get3A_749, %get3A_16 : vector<16xf32>
      %add3A_751 = arith.addf %mul3A_747, %mul3A_750 : vector<16xf32>
      %get3A_752 = arith.constant 1952 : index
      %get3A_753 = tpu.vector_load %arg5[%get3A_752] {strides = array<i32>} : memref<92160xf32, #tpu.memory_space<vmem>>, vector<16xf32>,
      %mul3A_754 = arith.mulf %get3A_753, %get3A_18 : vector<16xf32>
      %add3A_755 = arith.addf %add3A_751, %mul3A_754 : vector<16xf32>
      %get3A_756 = arith.constant 1968 : index
      %get3A_757 = tpu.vector_load %arg5[%get3A_756] {strides = array<i32>} : memref<92160xf32, #tpu.memory_space<vmem>>, vector<16xf32>,
      %mul3A_758 = arith.mulf %get3A_757, %get3A_20 : vector<16xf32>
      %add3A_759 = arith.addf %add3A_755, %mul3A_758 : vector<16xf32>
      %get3A_760 = arith.constant 1984 : index
      %get3A_761 = tpu.vector_load %arg5[%get3A_760] {strides = array<i32>} : memref<92160xf32, #tpu.memory_space<vmem>>, vector<16xf32>,
      %mul3A_762 = arith.mulf %get3A_761, %get3A_22 : vector<16xf32>
      %add3A_763 = arith.addf %add3A_759, %mul3A_762 : vector<16xf32>
      %get3A_764 = arith.constant 2000 : index
      %get3A_765 = tpu.vector_load %arg5[%get3A_764] {strides = array<i32>} : memref<92160xf32, #tpu.memory_space<vmem>>, vector<16xf32>,
      %mul3A_766 = arith.mulf %get3A_765, %get3A_24 : vector<16xf32>
      %add3A_767 = arith.addf %add3A_763, %mul3A_766 : vector<16xf32>
      %get3A_768 = arith.constant 2016 : index
      %get3A_769 = tpu.vector_load %arg5[%get3A_768] {strides = array<i32>} : memref<92160xf32, #tpu.memory_space<vmem>>, vector<16xf32>,
      %mul3A_770 = arith.mulf %get3A_769, %get3A_26 : vector<16xf32>
      %add3A_771 = arith.addf %add3A_767, %mul3A_770 : vector<16xf32>
      %get3A_772 = arith.constant 2032 : index
      %get3A_773 = tpu.vector_load %arg5[%get3A_772] {strides = array<i32>} : memref<92160xf32, #tpu.memory_space<vmem>>, vector<16xf32>,
      %mul3A_774 = arith.mulf %get3A_773, %get3A_28 : vector<16xf32>
      %add3A_775 = arith.addf %add3A_771, %mul3A_774 : vector<16xf32>
      %rev3A_776 = arith.constant 15 : i32
      %rev3A_777 = vector.broadcast %rev3A_776 : i32 to vector<16xi32>
      %rev3A_778 = tpu.iota {dimensions = array<i32: 0>} : vector<16xi32>
      %rev3A_779 = arith.subi %rev3A_777, %rev3A_778 : vector<16xi32>
      %rev3A_780 = tpu.dynamic_gather %add3A_775[%rev3A_779] in [0] : vector<16xf32>, vector<16xi32> -> vector<16xf32>
      %add3A_781 = arith.addf %add3A_775, %rev3A_780 : vector<16xf32>
      %select_n3A_782 = arith.select %lt3A_30, %add3A_744, %add3A_781 : vector<16xi1>, vector<16xf32>
      %broadcast_in_dim3A_783 = arith.constant true
      %broadcast_in_dim3A_784 = vector.broadcast %broadcast_in_dim3A_783 : i1 to vector<16xi1>
      %masked_cumsum3A_785 = tpu.scan <sum>, %select_n3A_782 masked %broadcast_in_dim3A_784 : vector<16xf32>, vector<16xi1> -> vector<16xf32>
      %slice3A_786 = vector.extract_strided_slice %masked_cumsum3A_785 {offsets = [7], sizes = [1], strides = [1]} : vector<16xf32> to vector<1xf32>
      %squeeze3A_787 = vector.extract %slice3A_786[0] : f32 from vector<1xf32>
      %slice3A_788 = vector.extract_strided_slice %masked_cumsum3A_785 {offsets = [15], sizes = [1], strides = [1]} : vector<16xf32> to vector<1xf32>
      %squeeze3A_789 = vector.extract %slice3A_788[0] : f32 from vector<1xf32>
      %slice3A_790 = vector.extract_strided_slice %masked_cumsum3A_785 {offsets = [7], sizes = [1], strides = [1]} : vector<16xf32> to vector<1xf32>
      %squeeze3A_791 = vector.extract %slice3A_790[0] : f32 from vector<1xf32>
      %sub3A_792 = arith.subf %squeeze3A_789, %squeeze3A_791 : f32
      %eq3A_793 = arith.constant 14 : i32
      %eq3A_794 = vector.broadcast %eq3A_793 : i32 to vector<16xi32>
      %eq3A_795 = arith.cmpi eq, %iota3A, %eq3A_794 : vector<16xi32>
      %broadcast_in_dim3A_796 = vector.broadcast %squeeze3A_787 : f32 to vector<16xf32>
      %select_n3A_797 = arith.select %eq3A_795, %broadcast_in_dim3A_796, %select_n3A_707 : vector<16xi1>, vector<16xf32>
      %eq3A_798 = arith.constant 15 : i32
      %eq3A_799 = vector.broadcast %eq3A_798 : i32 to vector<16xi32>
      %eq3A_800 = arith.cmpi eq, %iota3A, %eq3A_799 : vector<16xi32>
      %broadcast_in_dim3A_801 = vector.broadcast %sub3A_792 : f32 to vector<16xf32>
      %select_n3A_802 = arith.select %eq3A_800, %broadcast_in_dim3A_801, %select_n3A_797 : vector<16xi1>, vector<16xf32>
      %swap3A = arith.constant 3120 : index
      %swap3A_803 = tpu.vector_load %arg7[%swap3A] {strides = array<i32>} : memref<3136xf32, #tpu.memory_space<vmem>>, vector<16xf32>,
      tpu.vector_store %arg7[%swap3A], %select_n3A_802 {strides = array<i32>} : memref<3136xf32, #tpu.memory_space<vmem>>, vector<16xf32>,
    } else {
    }
    "tpu.region"() ({
      %run_scoped3A = tpu.sem_alloc : memref<!tpu.dma_semaphore, #tpu.memory_space<semaphore_mem>>
      %dma_start3A = arith.constant 0 : i32
      %dma_start3A_45 = tpu.memref_slice %arg7[%dma_start3A] : memref<3136xf32, #tpu.memory_space<vmem>> -> memref<3120xf32, #tpu.memory_space<vmem>>
      %dma_start3A_46 = tpu.memref_slice %arg4[%add3A_6] : memref<100000xf32, #tpu.memory_space<hbm>> -> memref<3120xf32, #tpu.memory_space<hbm>>
      %dma_start3A_47 = tpu.memref_slice %arg4[%add3A_6] : memref<100000xf32, #tpu.memory_space<hbm>> -> memref<3120xf32, #tpu.memory_space<hbm>>
      %dma_start3A_48 = arith.constant 0 : i32
      %dma_start3A_49 = tpu.memref_slice %arg7[%dma_start3A_48] : memref<3136xf32, #tpu.memory_space<vmem>> -> memref<3120xf32, #tpu.memory_space<vmem>>
      tpu.enqueue_dma source(%dma_start3A_49 : memref<3120xf32, #tpu.memory_space<vmem>>) target(%dma_start3A_47 : memref<3120xf32, #tpu.memory_space<hbm>>) target_semaphore(%run_scoped3A : memref<!tpu.dma_semaphore, #tpu.memory_space<semaphore_mem>>)
      %dma_wait3A = arith.constant 0 : i32
      %dma_wait3A_50 = tpu.memref_slice %arg7[%dma_wait3A] : memref<3136xf32, #tpu.memory_space<vmem>> -> memref<3120xf32, #tpu.memory_space<vmem>>
      %dma_wait3A_51 = tpu.memref_slice %arg4[%add3A_6] : memref<100000xf32, #tpu.memory_space<hbm>> -> memref<3120xf32, #tpu.memory_space<hbm>>
      %dma_wait3A_52 = tpu.memref_slice %arg4[%add3A_6] : memref<100000xf32, #tpu.memory_space<hbm>> -> memref<3120xf32, #tpu.memory_space<hbm>>
      %dma_wait3A_53 = arith.constant 0 : i32
      %dma_wait3A_54 = tpu.memref_slice %arg7[%dma_wait3A_53] : memref<3136xf32, #tpu.memory_space<vmem>> -> memref<3120xf32, #tpu.memory_space<vmem>>
      tpu.wait_dma2 semaphore(%run_scoped3A : memref<!tpu.dma_semaphore, #tpu.memory_space<semaphore_mem>>) src(%dma_wait3A_54 : memref<3120xf32, #tpu.memory_space<vmem>>) dst(%dma_wait3A_52 : memref<3120xf32, #tpu.memory_space<hbm>>)
      tpu.yield
    }) : () -> ()
    %lt3A_40 = arith.constant 10 : i32
    %lt3A_41 = arith.cmpi slt, %add3A, %lt3A_40 : i32
    %convert_element_type3A_42 = arith.extui %lt3A_41 : i1 to i32
    %cond3A_43 = arith.constant 0 : i32
    %cond3A_44 = arith.cmpi ne, %convert_element_type3A_42, %cond3A_43 : i32
    scf.if %cond3A_44 {
      %add3A_45 = arith.constant 3120 : i32
      %add3A_46 = arith.addi %add3A_6, %add3A_45 : i32
      "tpu.region"() ({
        %run_scoped3A = tpu.sem_alloc : memref<!tpu.dma_semaphore, #tpu.memory_space<semaphore_mem>>
        %dma_start3A = arith.constant 3120 : i32
        %dma_start3A_47 = tpu.memref_slice %arg7[%dma_start3A] : memref<3136xf32, #tpu.memory_space<vmem>> -> memref<16xf32, #tpu.memory_space<vmem>>
        %dma_start3A_48 = tpu.memref_slice %arg4[%add3A_46] : memref<100000xf32, #tpu.memory_space<hbm>> -> memref<16xf32, #tpu.memory_space<hbm>>
        %dma_start3A_49 = tpu.memref_slice %arg4[%add3A_46] : memref<100000xf32, #tpu.memory_space<hbm>> -> memref<16xf32, #tpu.memory_space<hbm>>
        %dma_start3A_50 = arith.constant 3120 : i32
        %dma_start3A_51 = tpu.memref_slice %arg7[%dma_start3A_50] : memref<3136xf32, #tpu.memory_space<vmem>> -> memref<16xf32, #tpu.memory_space<vmem>>
        tpu.enqueue_dma source(%dma_start3A_51 : memref<16xf32, #tpu.memory_space<vmem>>) target(%dma_start3A_49 : memref<16xf32, #tpu.memory_space<hbm>>) target_semaphore(%run_scoped3A : memref<!tpu.dma_semaphore, #tpu.memory_space<semaphore_mem>>)
        %dma_wait3A = arith.constant 3120 : i32
        %dma_wait3A_52 = tpu.memref_slice %arg7[%dma_wait3A] : memref<3136xf32, #tpu.memory_space<vmem>> -> memref<16xf32, #tpu.memory_space<vmem>>
        %dma_wait3A_53 = tpu.memref_slice %arg4[%add3A_46] : memref<100000xf32, #tpu.memory_space<hbm>> -> memref<16xf32, #tpu.memory_space<hbm>>
        %dma_wait3A_54 = tpu.memref_slice %arg4[%add3A_46] : memref<100000xf32, #tpu.memory_space<hbm>> -> memref<16xf32, #tpu.memory_space<hbm>>
        %dma_wait3A_55 = arith.constant 3120 : i32
        %dma_wait3A_56 = tpu.memref_slice %arg7[%dma_wait3A_55] : memref<3136xf32, #tpu.memory_space<vmem>> -> memref<16xf32, #tpu.memory_space<vmem>>
        tpu.wait_dma2 semaphore(%run_scoped3A : memref<!tpu.dma_semaphore, #tpu.memory_space<semaphore_mem>>) src(%dma_wait3A_56 : memref<16xf32, #tpu.memory_space<vmem>>) dst(%dma_wait3A_54 : memref<16xf32, #tpu.memory_space<hbm>>)
        tpu.yield
      }) : () -> ()
    } else {
    }
    return
  }
}

module attributes {stable_mosaic.version = 14 : i64} {
  func.func @_fin_body(%arg0: memref<784x128xi32, #tpu.memory_space<vmem>>, %arg1: memref<784x128xi32, #tpu.memory_space<vmem>>, %arg2: memref<1x1xf32, #tpu.memory_space<vmem>>, %arg3: memref<784x128xf32, #tpu.memory_space<vmem>>, %arg4: memref<784x128xf32, #tpu.memory_space<vmem>>) attributes {dimension_semantics = [], scalar_prefetch = 0 : i64, scratch_operands = 0 : i64, tpu.core_type = #tpu.core_type<tc>} {
    %get3A = arith.constant 0 : index
    %get3A_0 = arith.constant 0 : index
    %get3A_1 = vector.load %arg3[%get3A, %get3A_0] : memref<784x128xf32, #tpu.memory_space<vmem>>, vector<784x128xf32>
    %get3A_2 = arith.constant 0 : index
    %get3A_3 = arith.constant 0 : index
    %get3A_4 = vector.load %arg2[%get3A_2, %get3A_3] : memref<1x1xf32, #tpu.memory_space<vmem>>, vector<1x1xf32>
    %add3A = vector.broadcast %get3A_4 : vector<1x1xf32> to vector<784x128xf32>
    %add3A_5 = arith.addf %get3A_1, %add3A : vector<784x128xf32>
    %get3A_6 = arith.constant 0 : index
    %get3A_7 = arith.constant 0 : index
    %get3A_8 = vector.load %arg0[%get3A_6, %get3A_7] : memref<784x128xi32, #tpu.memory_space<vmem>>, vector<784x128xi32>
    %eq3A = arith.constant 1 : i32
    %eq3A_9 = vector.broadcast %eq3A : i32 to vector<784x128xi32>
    %eq3A_10 = arith.cmpi eq, %get3A_8, %eq3A_9 : vector<784x128xi32>
    %jit3A = arith.constant -1.000000e+30 : f32
    %jit3A_11 = arith.constant 0.000000e+00 : f32
    %broadcast_in_dim3A = vector.broadcast %jit3A : f32 to vector<784x128xf32>
    %broadcast_in_dim3A_12 = vector.broadcast %jit3A_11 : f32 to vector<784x128xf32>
    %select_n3A = arith.select %eq3A_10, %broadcast_in_dim3A, %broadcast_in_dim3A_12 : vector<784x128xi1>, vector<784x128xf32>
    %add3A_13 = arith.addf %add3A_5, %select_n3A : vector<784x128xf32>
    %get3A_14 = arith.constant 0 : index
    %get3A_15 = arith.constant 0 : index
    %get3A_16 = vector.load %arg1[%get3A_14, %get3A_15] : memref<784x128xi32, #tpu.memory_space<vmem>>, vector<784x128xi32>
    %eq3A_17 = arith.constant 1 : i32
    %eq3A_18 = vector.broadcast %eq3A_17 : i32 to vector<784x128xi32>
    %eq3A_19 = arith.cmpi eq, %get3A_16, %eq3A_18 : vector<784x128xi32>
    %jit3A_20 = arith.constant -1.000000e+30 : f32
    %jit3A_21 = arith.constant 0.000000e+00 : f32
    %broadcast_in_dim3A_22 = vector.broadcast %jit3A_20 : f32 to vector<784x128xf32>
    %broadcast_in_dim3A_23 = vector.broadcast %jit3A_21 : f32 to vector<784x128xf32>
    %select_n3A_24 = arith.select %eq3A_19, %broadcast_in_dim3A_22, %broadcast_in_dim3A_23 : vector<784x128xi1>, vector<784x128xf32>
    %add3A_25 = arith.addf %add3A_13, %select_n3A_24 : vector<784x128xf32>
    %reduce_max3A = vector.shape_cast %add3A_25 : vector<784x128xf32> to vector<1x784x128xf32>
    %reduce_max3A_26 = arith.constant dense<0xFF800000> : vector<1xf32>
    %reduce_max3A_27 = vector.multi_reduction <maximumf>, %reduce_max3A, %reduce_max3A_26 [1, 2] : vector<1x784x128xf32> to vector<1xf32>
    %reduce_max3A_28 = vector.shape_cast %reduce_max3A_27 : vector<1xf32> to vector<1x1x1xf32>
    %reduce_max3A_29 = vector.extract %reduce_max3A_28[0, 0, 0] : f32 from vector<1x1x1xf32>
    %sub3A = vector.broadcast %reduce_max3A_29 : f32 to vector<784x128xf32>
    %sub3A_30 = arith.subf %add3A_25, %sub3A : vector<784x128xf32>
    %exp3A = math.exp %sub3A_30 : vector<784x128xf32>
    %reduce_sum3A = vector.shape_cast %exp3A : vector<784x128xf32> to vector<1x784x128xf32>
    %reduce_sum3A_31 = arith.constant dense<0.000000e+00> : vector<1xf32>
    %reduce_sum3A_32 = vector.multi_reduction <add>, %reduce_sum3A, %reduce_sum3A_31 [1, 2] : vector<1x784x128xf32> to vector<1xf32>
    %reduce_sum3A_33 = vector.shape_cast %reduce_sum3A_32 : vector<1xf32> to vector<1x1x1xf32>
    %reduce_sum3A_34 = vector.extract %reduce_sum3A_33[0, 0, 0] : f32 from vector<1x1x1xf32>
    %div3A = arith.constant 1.000000e+00 : f32
    %div3A_35 = arith.divf %div3A, %reduce_sum3A_34 : f32
    %mul3A = vector.broadcast %div3A_35 : f32 to vector<784x128xf32>
    %mul3A_36 = arith.mulf %exp3A, %mul3A : vector<784x128xf32>
    %swap3A = arith.constant 0 : index
    %swap3A_37 = arith.constant 0 : index
    %swap3A_38 = vector.load %arg4[%swap3A, %swap3A_37] : memref<784x128xf32, #tpu.memory_space<vmem>>, vector<784x128xf32>
    tpu.vector_store %arg4[%swap3A, %swap3A_37], %mul3A_36 {strides = array<i32>} : memref<784x128xf32, #tpu.memory_space<vmem>>, vector<784x128xf32>,
    return
  }
}

</mosaic_0001>

<sc_bundles>
// kernel: kernel.4.cloned.1.call-start
scs
__scs_entry_jumppad:
0x0: {  	(pc) =	sbr.rel $0x88, $3  }
0x1: {  	(tag) =	ssettag $0x0;
	lr =	simm.s32 $0x1  }
0x2: {  	[smem:$0x3F9C] =	sst lr;
	_ =	strace $0xD0000000  }
0x3: {  	_ = 	snop  }
0x4: {  	_ = 	snop  }
0x5: {  	_ = 	snop  }
0x6: {  	_ = 	snop  }
0x7: {  	_ = 	snop  }
__scs_overlays_trampoline_lowered:
0x8: {  	[smem:$0x3FAB] =	sst s0  }
0x9: {  	[smem:$0x3FAC] =	sst s1  }
0xa: {  	[smem:$0x3FAD] =	sst s2  }
0xb: {  	[smem:$0x3FAE] =	sst s3  }
0xc: {  	[smem:$0x3FAF] =	sst s4  }
0xd: {  	[smem:$0x3FB0] =	sst s5  }
0xe: {  	[smem:$0x3FB1] =	sst s6  }
0xf: {  	[smem:$0x3FB2] =	sst s7  }
0x10: {  	[smem:$0x3FB3] =	sst s8  }
0x11: {  	[smem:$0x3FB4] =	sst s9;
	s0 =	simm.s32 @!p0 $0x0  }
0x12: {  	s1 =	sld [smem:$0x3F9A];
	s0 =	simm.s32 @p0 $0x1  }
0x13: {  	[smem:$0x3FB5] =	sst s0;
	s0 =	simm.s32 @!p1 $0x0  }
0x14: {  	s2 =	sld [smem:$0x3F99];
	s0 =	simm.s32 @p1 $0x1  }
0x15: {  	[smem:$0x3FB6] =	sst s0;
	s0 =	simm.s32 @!p2 $0x0  }
0x16: {  	s3 =	sld [smem:$0x3FDB];
	s0 =	simm.s32 @p2 $0x1  }
0x17: {  	s4 =	simm.s32 $0x1BF5;
	[smem:$0x3FB8] =	sst s0  }
0x18: {  	s0 =	sld [smem:$0x3F9B];
	_ =	swait.ge [sflag:s4], $0x0  }
0x19: {  	s7 =	sld [smem:$0x3F9C]  }
0x1a: {  	s8 =	sadd.s32 $0xFFFFE003, lr  }
0x1b: {  	s9 =	sadd.s32 $0xFFFFFEF7, lr;
	s5 =	simm.s32 $0xFFFFFFFF;
	p2 =	slt.u32 s8, $0xFFFFF086  }
0x1c: {  	p1 =	slt.u32 s9, $0xF7A;
	s5 =	simm.s32 @!p2 $0x0  }
0x1d: {  	s5 =	simm.s32 @p1 $0x1;
	p0 =	seq.s32 s7, s2  }
0x1e: {  	s7 =	smul.u32 @!p0 $0xF7A, s2;
	p2 =	seq.s32 @!p0 s5, $0x0  }
0x1f: {  	s9 =	smul.u32 $0xF7A, s1;
	s8 =	simm.s32 @!p0 $0x1BF5;
	p2 =	por !p2, p0  }
0x20: {  	[sflag:s8] =	ssyncset.s32 @!p0 $0xFFFFF086;
	s6 =	sadd.s32 @!p0 s3, s7;
	s7 =	simm.s32 @!p0 $0x108  }
0x21: {  	s3 =	sadd.s32 s3, s9;
	s6 =	sadd.s32 @!p0 $0x88, s6;
	s7 =	simm.s32 @p2 $0x1082  }
0x22: {  	[simem:s7], [sflag:s8] =	dma.local @!p0 [hbm:s6], $0xF7A  }
0x23: {  	s9 =	sor.u32 $0xD0000000, s2;
	s6 =	simm.s32 $0x108;
	_ =	swait.ge @!p0 [sflag:s8], $0x0  }
0x24: {  	s3 =	sadd.s32 $0x88, s3;
	s6 =	simm.s32 @!p1 $0x1082;
	[sflag:s4] =	ssyncset.s32 $0xFFFFF086  }
0x25: {  	[simem:s6], [sflag:s4] =	dma.local [hbm:s3], $0xF7A  }
0x26: {  	[smem:$0x3F9C] =	sst s1;
	(tag) =	ssettag s2;
	_ =	strace s9  }
0x27: {  	s1 =	sld [smem:$0x3FAC]  }
0x28: {  	s2 =	sld [smem:$0x3FAD]  }
0x29: {  	s4 =	sld [smem:$0x3FAF]  }
0x2a: {  	p0 =	seq.s32 s5, $0x0;
	s5 =	sld [smem:$0x3FB0]  }
0x2b: {  	s6 =	sld [smem:$0x3FB1]  }
0x2c: {  	s7 =	sld [smem:$0x3FB2]  }
0x2d: {  	s3 =	simm.s32 $0x108;
	s8 =	sld [smem:$0x3FB3]  }
0x2e: {  	s3 =	simm.s32 @!p0 $0x1082;
	s9 =	sld [smem:$0x3FB4]  }
0x2f: {  	lr =	sadd.s32 s0, s3;
	s0 =	sld [smem:$0x3FAB]  }
0x30: {  	s3 =	sld [smem:$0x3FAE]  }
0x31: {  	[smem:$0x3FB7] =	sst s10  }
0x32: {  	s10 =	sld [smem:$0x3FB5];
	_ =	sdelay $0x3  }
0x33: {  	p0 =	seq.s32 s10, $0x1;
	s10 =	sld [smem:$0x3FB7];
	_ =	sdelay $0x3  }
0x34: {  	[smem:$0x3FB7] =	sst s10  }
0x35: {  	s10 =	sld [smem:$0x3FB6];
	_ =	sdelay $0x3  }
0x36: {  	p1 =	seq.s32 s10, $0x1;
	s10 =	sld [smem:$0x3FB7];
	_ =	sdelay $0x3  }
0x37: {  	[smem:$0x3FB7] =	sst s10  }
0x38: {  	s10 =	sld [smem:$0x3FB8]  }
0x39: {  	_ = 	snop;
	(pc) =	sbr.ind lr, $3  }
0x3a: {  	_ = 	snop  }
0x3b: {  	_ = 	snop  }
0x3c: {  	p2 =	seq.s32 s10, $0x1;
	s10 =	sld [smem:$0x3FB7]  }
0x3d: {  	_ =	shalt  }
0x3e: {  	_ =	shalt  }
0x3f: {  	_ =	shalt  }
0x40: {  	_ =	shalt  }
0x41: {  	_ =	shalt  }
0x42: {  	_ =	shalt  }
0x43: {  	_ =	shalt  }
0x44: {  	_ =	shalt  }
0x45: {  	_ =	shalt  }
0x46: {  	_ =	shalt  }
0x47: {  	_ =	shalt  }
0x48: {  	_ =	shalt  }
0x49: {  	_ =	shalt  }
0x4a: {  	_ =	shalt  }
0x4b: {  	_ =	shalt  }
0x4c: {  	_ =	shalt  }
0x4d: {  	_ =	shalt  }
0x4e: {  	_ =	shalt  }
0x4f: {  	_ =	shalt  }
0x50: {  	_ =	shalt  }
0x51: {  	_ =	shalt  }
0x52: {  	_ =	shalt  }
0x53: {  	_ =	shalt  }
0x54: {  	_ =	shalt  }
0x55: {  	_ =	shalt  }
0x56: {  	_ =	shalt  }
0x57: {  	_ =	shalt  }
0x58: {  	_ =	shalt  }
0x59: {  	_ =	shalt  }
0x5a: {  	_ =	shalt  }
0x5b: {  	_ =	shalt  }
0x5c: {  	_ =	shalt  }
0x5d: {  	_ =	shalt  }
0x5e: {  	_ =	shalt  }
0x5f: {  	_ =	shalt  }
0x60: {  	_ =	shalt  }
0x61: {  	_ =	shalt  }
0x62: {  	_ =	shalt  }
0x63: {  	_ =	shalt  }
0x64: {  	_ =	shalt  }
0x65: {  	_ =	shalt  }
0x66: {  	_ =	shalt  }
0x67: {  	_ =	shalt  }
0x68: {  	_ =	shalt  }
0x69: {  	_ =	shalt  }
0x6a: {  	_ =	shalt  }
0x6b: {  	_ =	shalt  }
0x6c: {  	_ =	shalt  }
0x6d: {  	_ =	shalt  }
0x6e: {  	_ =	shalt  }
0x6f: {  	_ =	shalt  }
0x70: {  	_ =	shalt  }
0x71: {  	_ =	shalt  }
0x72: {  	_ =	shalt  }
0x73: {  	_ =	shalt  }
0x74: {  	_ =	shalt  }
0x75: {  	_ =	shalt  }
0x76: {  	_ =	shalt  }
0x77: {  	_ =	shalt  }
0x78: {  	_ =	shalt  }
0x79: {  	_ =	shalt  }
0x7a: {  	_ =	shalt  }
0x7b: {  	_ =	shalt  }
0x7c: {  	_ =	shalt  }
0x7d: {  	_ =	shalt  }
0x7e: {  	_ =	shalt  }
0x7f: {  	_ =	shalt  }
0x80: {  	_ =	shalt  }
0x81: {  	_ =	shalt  }
0x82: {  	_ =	shalt  }
0x83: {  	_ =	shalt  }
0x84: {  	_ =	shalt  }
0x85: {  	_ =	shalt  }
0x86: {  	_ =	shalt  }
0x87: {  	_ =	shalt  }
.Lfunc_end0:
.L_simem_size_0:
called_computation_lowered:
.L_overlay_start_0:
0x88: {  	s2 =	sld [smem:$0x3FD9]  }
0x89: {  	s3 =	sld [smem:$0x3FFE];
	_ =	sdelay $0x1  }
0x8a: {  	s1 =	srdreg.scid  }
0x8b: {  	s0 =	sand.u32 $0x1, s1  }
0x8c: {  	s18 =	sshll.u32 s0, $0xA;
	s2 =	sadd.s32 s3, s2  }
0x8d: {  	s2 =	sadd.s32 s2, s18  }
0x8e: {  	[smem:$0x3FC3] =	sst s2  }
0x8f: {  	_ = 	snop  }
0x90: {  	s2 =	sld [smem:$0x3FC9]  }
0x91: {  	s19 =	sld [smem:$0x3FC8]  }
0x92: {  	s4 =	sld [smem:$0x3FD0];
	(tm) =	ssettm $0x1  }
0x93: {  	s5 =	sld [smem:$0x3FFB];
	_ =	sdelay $0x3  }
0x94: {  	_ =	strace s5  }
0x95: {  	s5 =	sld [smem:$0x3FFC];
	_ =	sdelay $0x3  }
0x96: {  	_ =	strace s5  }
0x97: {  	s5 =	sld [smem:$0x3FFD];
	_ =	sdelay $0x3  }
0x98: {  	_ =	strace s5  }
0x99: {  	_ =	strace $0x8FFFFFFF  }
0x9a: {  	s20 =	sld [smem:$0x3FDB];
	_ =	sdelay $0x1  }
0x9b: {  	s6 =	simm.s32 $_scs_section_size  }
0x9c: {  	s7 =	simm.s32 $_size__tile_overlayer_lowered;
	s8 =	simm.s32 $_tile_overlayer_lowered  }
0x9d: {  	s23 =	simm.s32 $0x1BFF;
	s22 =	sshll.u32 s8, $0x1;
	s5 =	sadd.s32 s6, s20  }
0x9e: {  	s9 =	simm.s32 $0x0;
	s21 =	sshll.u32 s7, $0x1;
	s7 =	sadd.s32 s22, s5  }
0x9f: {  	[timem:s9], [sflag:s23] =	dma.local [hbm:s7], s21  }
0xa0: {  	_ =	swait.ge [sflag:s23], s21  }
0xa1: {  	s6 =	ssub.s32 $0x0, s21;
	[sflag:s23] =	ssyncset.done $0x0  }
0xa2: {  	[sflag:s23] =	ssyncadd.s32 s6;
	_ =	sdelay $0x1  }
0xa3: {  	s24 =	simm.s32 $0x1B8B  }
0xa4: {  	_ =	swait.ge [sflag:s24], $0x1  }
0xa5: {  	[sflag:s24] =	ssyncset.done $0x0  }
0xa6: {  	s25 =	simm.s32 $0x1B8E;
	[sflag:s24] =	ssyncadd.s32 $0xFFFFFFFF  }
0xa7: {  	s26 =	simm.s32 $execute0_lowered;
	[smem:$0x3FD2] =	sst s25  }
0xa8: {  	s6 =	sshll.u32 s26, $0x1;
	_ =	strace $0x80000046;
	[dreg:$0x1] =	wrdreg $0xFFFFFFFF  }
0xa9: {  	s28 =	simm.s32 $_size_execute0_lowered;
	s5 =	sadd.s32 s5, s6;
	[dreg:$0x0] =	wrdreg $0x0  }
0xaa: {  	s6 =	sshll.u32 s28, $0x1;
	[dreg:$0x2] =	wrdreg s5  }
0xab: {  	[dreg:$0x3] =	wrdreg s6  }
0xac: {  	[dreg:$0x4] =	wrdreg $0xC0  }
0xad: {  	_ =	task [dreg:s9], $0x5FFFF  }
0xae: {  	[dreg:$0x1] =	wrdreg $0xFFFFFFFF  }
0xaf: {  	[dreg:$0x0] =	wrdreg $0x60  }
0xb0: {  	[dreg:$0x2] =	wrdreg s2  }
0xb1: {  	[dreg:$0x3] =	wrdreg s19  }
0xb2: {  	[dreg:$0x4] =	wrdreg s4  }
0xb3: {  	[dreg:$0x5] =	wrdreg $0x9  }
0xb4: {  	_ =	task.clear_ibuf [dreg:s9], $0x6FFFF;
	_ =	strace $0x90000046  }
0xb5: {  	s29 =	simm.s32 $0x9;
	_ =	strace $0x80000048  }
0xb6: {  	_ =	swait.ge [sflag:s29], $0x1  }
0xb7: {  	[sflag:s29] =	ssyncadd.s32 $0xFFFFFFFF  }
0xb8: {  	_ =	strace $0x90000048  }
0xb9: {  	_ =	sfence  }
0xba: {  	s30 =	sld [smem:$0x0];
	_ =	sdelay $0x2  }
0xbb: {  	s31 =	sshll.u32 s1, $0xD;
	s1 =	sshrl.u32 s1, $0x2  }
0xbc: {  	s3 =	sand.u32 $0x4000, s31;
	s1 =	sadd.s32 s1, s30  }
0xbd: {  	s0 =	sor.u32 s3, s0;
	s1 =	sshll.u32 s1, $0x11  }
0xbe: {  	s0 =	sor.u32 s1, s0  }
0xbf: {  	s0 =	sadd.s32 $0x8F2B, s0  }
0xc0: {  	[sflag:s0] =	ssyncadd.remote.s32 $0x1  }
0xc1: {  	_ =	sfence.sel $0xFFFF  }
0xc2: {  	[dreg:$0x0] =	wrdreg $0xFFFFFFFF;
	(pc) =	sbr.abs _section_cstart, $3  }
0xc3: {  	[dreg:$0x1] =	wrdreg $0xFFFFFFFF  }
0xc4: {  	_ =	task.clear_ibuf [dreg:s9], $0x2FFFF;
	_ =	strace $0x9FFFFFFF  }
0xc5: {  	(tm) =	ssettm $0x7FFFFFFF  }
tec
execute0_lowered:
.L_overlay_start_1:
0x0: {  	(tag) =	ssettag $0x1  }
0x1: {  	s1 =	rddreg [dreg:$0x0]  }
0x2: {  	s3 =	rddreg [dreg:$0x1]  }
0x3: {  	s2 =	srdreg.scid;
	s0 =	stileid.u32  }
0x4: {  	s6 =	rddreg [dreg:$0x2];
	s12 =	simm.s32 $0x7800;
	s13 =	simm.s32 $0x16800  }
0x5: {  	s14 =	simm.s32 $0x4;
	s15 =	simm.s32 $0x16880;
	s16 =	simm.s32 $0x174B0  }
0x6: {  	s17 =	simm.s32 $0x0;
	s5 =	sand.u32 $0x1, s2;
	s4 =	sshll.u32 s0, $0x1  }
0x7: {  	s2 =	rddreg [dreg:$0x3];
	p0 =	sgt.u32 s0, $0x4;
	s7 =	sor.u32 s5, s4  }
0x8: {  	s4 =	simm.s32 $0x0;
	s8 =	smul.u32 $0xC30, s7;
	s7 =	smin.u32 s7, $0xA  }
0x9: {  	s9 =	ssub.s32 $0x2, s5;
	[smem:$0x7FF] =	sst s4;
	s29 =	sshll.u32 s7, $0x4  }
.Ltmp0:
0xa: {  	s30 =	sshrl.u32 s9, $0x1;
	s5 =	sadd.s32 s8, s29;
	(pc) =	sbr.rel .LBB2_1-.Ltmp0, $4  }
0xb: {  	v0 =	vlaneseq.u32;
	vm0 =	vmmov $0xff;
	_ =	strace $0x80000047;
	s10 =	ssub.s32 s9, s30;
	s8 =	sshll.u32 s5, $0x4  }
0xc: {  	vm1 =	vcmask $0xB08;
	vm2 =	vcmask $0x1310;
	v1 =	vmul.u32 $0xFFFFFFFF, v0;
	s10 =	smax.u32 s10, $0x1;
	s31 =	sshrl.u32 s5, $0x3;
	s11 =	sadd.s32 $0xF00, s8  }
0xd: {  	vm3 =	vcmask $0x1B18;
	vm4 =	vcmask $0x2320;
	vm5 =	vcmask $0x2B28;
	s6 =	sadd.s32 s6, s31;
	s7 =	sadd.s32 s1, s8;
	s11 =	sand.u32 $0x1FFFFF00, s11  }
0xe: {  	vm6 =	vcmask $0x3330;
	vm7 =	vcmask $0x3B38;
	v1 =	vadd.s32 $0xF, v1;
	s8 =	sadd.s32 $0xC300, s7;
	s9 =	sadd.s32 $0x186, s6;
	s11 =	sadd.s32 s1, s11  }
.LBB2_7:
0xf: {  	[hbm4b:s6+s4] =	stream.linear.scatter [tilespmem:s15], [sflag:$0x4], $0xC30, $0x38;
	[tilespmem:$0x17500] =	vst v63  }
0x10: {  	_ =	swait.ge [sflag:s14], $0xC30  }
0x11: {  	[sflag:s14] =	ssyncset.done $0x0  }
0x12: {  	[sflag:s14] =	ssyncadd.s32 $0xFFFFF3D0  }
.LBB2_8:
0x13: {  	s17 =	sadd.s32 $0x1, s17  }
0x14: {  	p1 =	sne.s32 s17, s10  }
.Ltmp1:
0x15: {  	_ = 	snop;
	(pc) =	sbr.rel @!p1 .LBB2_9-.Ltmp1, $1  }
0x16: {  	_ =	sdelay $0x3  }
.LBB2_1:
0x17: {  	[tilespmem:s4], [sflag:$0x1] =	stream.linear.gather [hbm4b:s7+s4], $0x7800, $0x38;
	[tilespmem:$0x17500] =	vst v63  }
0x18: {  	_ = 	snop  }
0x19: {  	[tilespmem:s12], [sflag:$0x2] =	stream.linear.gather [hbm4b:s11+s4], $0x7800, $0x38;
	[tilespmem:$0x17500] =	vst v63  }
0x1a: {  	_ = 	snop  }
0x1b: {  	[tilespmem:s13], [sflag:$0x4] =	stream.linear.gather [hbm4b:s3+s4], $0x80, $0x38;
	[tilespmem:$0x17500] =	vst v63  }
0x1c: {  	_ =	swait.ge [sflag:s14], $0x80  }
0x1d: {  	[sflag:s14] =	ssyncset.done $0x0  }
0x1e: {  	[sflag:s14] =	ssyncadd.s32 $0xFFFFFF80  }
0x1f: {  	v9 =	vld [tilespmem:$0x16800]  }
0x20: {  	v8 =	vld [tilespmem:$0x16810]  }
0x21: {  	v7 =	vld [tilespmem:$0x16820]  }
0x22: {  	v6 =	vld [tilespmem:$0x16830]  }
0x23: {  	v5 =	vld [tilespmem:$0x16840]  }
0x24: {  	v4 =	vld [tilespmem:$0x16850]  }
0x25: {  	v3 =	vld [tilespmem:$0x16860]  }
0x26: {  	s18 =	simm.s32 $0x0;
	s19 =	simm.s32 $0x16880;
	s20 =	simm.s32 $0x0;
	v2 =	vld [tilespmem:$0x16870]  }
.LBB2_2:
0x27: {  	p1 =	sgt.u32 s20, $0xA  }
0x28: {  	s21 =	sadd.s32 @!p1 $0x2, s20  }
0x29: {  	s22 =	smul.u32 @!p1 $0xAB, s21;
	_ =	sdelay $0x1  }
0x2a: {  	s22 =	sshrl.u32 @!p1 s22, $0x9  }
0x2b: {  	s22 =	sand.u32 @!p1 $0x7F, s22  }
0x2c: {  	s22 =	smul.u32 @!p1 $0x3, s22;
	_ =	sdelay $0x1  }
0x2d: {  	s22 =	ssub.s32 @!p1 s21, s22;
	s21 =	smul.u32 @!p1 $0xF0, s21  }
0x2e: {  	s24 =	smulhi.u32 $0xAAAAAAAB, s20  }
0x2f: {  	s26 =	smul.u32 $0xAB, s20;
	s22 =	sand.u32 @!p1 $0xFF, s22;
	s21 =	sadd.s32 @!p1 s5, s21  }
0x30: {  	s25 =	simm.s32 @!p1 $0x0;
	s23 =	smul.u32 @!p1 $0x1E000, s22;
	s21 =	sshll.u32 @!p1 s21, $0x4  }
0x31: {  	s30 =	sshrl.u32 s24, $0x1;
	s31 =	sshrl.u32 s26, $0x9;
	s21 =	sand.u32 @!p1 $0x1FFFFF00, s21  }
0x32: {  	s22 =	sadd.s32 @!p1 $0x1, s22;
	s23 =	sshrl.u32 @!p1 s23, $0x2;
	s21 =	sadd.s32 @!p1 s1, s21  }
0x33: {  	[tilespmem:s23], [sflag:s22] =	stream.linear.gather @!p1 [hbm4b:s21+s25], $0x7800, $0x38;
	[tilespmem:$0x17500] =	vst v63  }
0x34: {  	s21 =	smul.u32 $0xFFFA6000, s30;
	s22 =	sand.u32 $0x7F, s31  }
0x35: {  	s22 =	smul.u32 $0x3, s22  }
0x36: {  	s21 =	sshra.s32 s21, $0x2  }
0x37: {  	s21 =	sadd.s32 s21, s18;
	s22 =	ssub.s32 s20, s22  }
0x38: {  	s22 =	sand.u32 $0xFF, s22;
	v10 =	vmov s21  }
0x39: {  	s22 =	sadd.s32 $0x1, s22  }
0x3a: {  	_ =	swait.ge [sflag:s22], $0x7800  }
0x3b: {  	[sflag:s22] =	ssyncset.done $0x0  }
0x3c: {  	s23 =	simm.s32 $0x0;
	[sflag:s22] =	ssyncadd.s32 $0xFFFF8800  }
0x3d: {  	v11 =	vld.idx.msk [tilespmem:v10+s23+$0x7F0 ss:$0x1], $0xffff  }
0x3e: {  	v12 =	vld.idx.msk [tilespmem:v10+s23+$0x770 ss:$0x1], $0xffff  }
0x3f: {  	v13 =	vld.idx.msk [tilespmem:v10+s23+$0x7E0 ss:$0x1], $0xffff  }
0x40: {  	v14 =	vld.idx.msk [tilespmem:v10+s23+$0x760 ss:$0x1], $0xffff  }
0x41: {  	v15 =	vld.idx.msk [tilespmem:v10+s23+$0x7D0 ss:$0x1], $0xffff  }
0x42: {  	v16 =	vld.idx.msk [tilespmem:v10+s23+$0x750 ss:$0x1], $0xffff  }
0x43: {  	v17 =	vld.idx.msk [tilespmem:v10+s23+$0x7C0 ss:$0x1], $0xffff  }
0x44: {  	v18 =	vld.idx.msk [tilespmem:v10+s23+$0x740 ss:$0x1], $0xffff  }
0x45: {  	v19 =	vld.idx.msk [tilespmem:v10+s23+$0x6E0 ss:$0x1], $0xffff  }
0x46: {  	v20 =	vld.idx.msk [tilespmem:v10+s23+$0x7B0 ss:$0x1], $0xffff  }
0x47: {  	v21 =	vld.idx.msk [tilespmem:v10+s23+$0x730 ss:$0x1], $0xffff  }
0x48: {  	v22 =	vld.idx.msk [tilespmem:v10+s23+$0x6D0 ss:$0x1], $0xffff  }
0x49: {  	v23 =	vld.idx.msk [tilespmem:v10+s23+$0x650 ss:$0x1], $0xffff  }
0x4a: {  	v24 =	vld.idx.msk [tilespmem:v10+s23+$0x5F0 ss:$0x1], $0xffff  }
0x4b: {  	v25 =	vld.idx.msk [tilespmem:v10+s23+$0x570 ss:$0x1], $0xffff  }
0x4c: {  	v26 =	vld.idx.msk [tilespmem:v10+s23+$0x7A0 ss:$0x1], $0xffff  }
0x4d: {  	v27 =	vld.idx.msk [tilespmem:v10+s23+$0x720 ss:$0x1], $0xffff  }
0x4e: {  	v28 =	vld.idx.msk [tilespmem:v10+s23+$0x6C0 ss:$0x1], $0xffff  }
0x4f: {  	v29 =	vld.idx.msk [tilespmem:v10+s23+$0x640 ss:$0x1], $0xffff  }
0x50: {  	v30 =	vld.idx.msk [tilespmem:v10+s23+$0x5E0 ss:$0x1], $0xffff  }
0x51: {  	v31 =	vld.idx.msk [tilespmem:v10+s23+$0x560 ss:$0x1], $0xffff  }
0x52: {  	v32 =	vld.idx.msk [tilespmem:v10+s23+$0x790 ss:$0x1], $0xffff  }
0x53: {  	v33 =	vld.idx.msk [tilespmem:v10+s23+$0x780 ss:$0x1], $0xffff  }
0x54: {  	v34 =	vld.idx.msk [tilespmem:v10+s23+$0x710 ss:$0x1], $0xffff  }
0x55: {  	v35 =	vld.idx.msk [tilespmem:v10+s23+$0x700 ss:$0x1], $0xffff  }
0x56: {  	v36 =	vld.idx.msk [tilespmem:v10+s23+$0x6B0 ss:$0x1], $0xffff  }
0x57: {  	v37 =	vld.idx.msk [tilespmem:v10+s23+$0x630 ss:$0x1], $0xffff  }
0x58: {  	v38 =	vld.idx.msk [tilespmem:v10+s23+$0x5D0 ss:$0x1], $0xffff  }
0x59: {  	v39 =	vld.idx.msk [tilespmem:v10+s23+$0x550 ss:$0x1], $0xffff  }
0x5a: {  	v40 =	vld.idx.msk [tilespmem:v10+s23+$0x6A0 ss:$0x1], $0xffff  }
0x5b: {  	v41 =	vld.idx.msk [tilespmem:v10+s23+$0x620 ss:$0x1], $0xffff  }
0x5c: {  	v42 =	vld.idx.msk [tilespmem:v10+s23+$0x5C0 ss:$0x1], $0xffff  }
0x5d: {  	v43 =	vld.idx.msk [tilespmem:v10+s23+$0x540 ss:$0x1], $0xffff  }
0x5e: {  	v44 =	vld.idx.msk [tilespmem:v10+s23+$0x4E0 ss:$0x1], $0xffff  }
0x5f: {  	v45 =	vld.idx.msk [tilespmem:v10+s23+$0x460 ss:$0x1], $0xffff  }
0x60: {  	v46 =	vld.idx.msk [tilespmem:v10+s23+$0x690 ss:$0x1], $0xffff  }
0x61: {  	v47 =	vld.idx.msk [tilespmem:v10+s23+$0x680 ss:$0x1], $0xffff  }
0x62: {  	v48 =	vld.idx.msk [tilespmem:v10+s23+$0x610 ss:$0x1], $0xffff  }
0x63: {  	v49 =	vld.idx.msk [tilespmem:v10+s23+$0x600 ss:$0x1], $0xffff  }
0x64: {  	v50 =	vld.idx.msk [tilespmem:v10+s23+$0x5B0 ss:$0x1], $0xffff  }
0x65: {  	v51 =	vld.idx.msk [tilespmem:v10+s23+$0x530 ss:$0x1], $0xffff  }
0x66: {  	v52 =	vld.idx.msk [tilespmem:v10+s23+$0x4D0 ss:$0x1], $0xffff  }
0x67: {  	v53 =	vld.idx.msk [tilespmem:v10+s23+$0x450 ss:$0x1], $0xffff  }
0x68: {  	v54 =	vld.idx.msk [tilespmem:v10+s23+$0x3F0 ss:$0x1], $0xffff  }
0x69: {  	v55 =	vld.idx.msk [tilespmem:v10+s23+$0x370 ss:$0x1], $0xffff  }
0x6a: {  	v56 =	vld.idx.msk [tilespmem:v10+s23+$0x5A0 ss:$0x1], $0xffff  }
0x6b: {  	v57 =	vld.idx.msk [tilespmem:v10+s23+$0x520 ss:$0x1], $0xffff;
	v33 =	vmul.f32 v33, v9;
	v32 =	vmul.f32 v32, v8  }
0x6c: {  	v58 =	vld.idx.msk [tilespmem:v10+s23+$0x3D0 ss:$0x1], $0xffff;
	v35 =	vmul.f32 v35, v9;
	v34 =	vmul.f32 v34, v8  }
0x6d: {  	v59 =	vld.idx.msk [tilespmem:v10+s23+$0x2F0 ss:$0x1], $0xffff;
	v26 =	vmul.f32 v26, v7;
	v32 =	vadd.f32 v32, v33  }
0x6e: {  	v61 =	vld.idx.msk [tilespmem:v10+s23+$0x3C0 ss:$0x1], $0xffff;
	v27 =	vmul.f32 v27, v7;
	v34 =	vadd.f32 v34, v35  }
0x6f: {  	v62 =	vld.idx.msk [tilespmem:v10+s23+$0x340 ss:$0x1], $0xffff;
	v20 =	vmul.f32 v20, v6;
	v26 =	vadd.f32 v26, v32  }
0x70: {  	v63 =	vld.idx.msk [tilespmem:v10+s23+$0x490 ss:$0x1], $0xffff;
	v21 =	vmul.f32 v21, v6;
	v17 =	vmul.f32 v17, v5;
	v27 =	vadd.f32 v27, v34  }
0x71: {  	v18 =	vmul.f32 v18, v5;
	v15 =	vmul.f32 v15, v4;
	v33 =	vld.idx.msk [tilespmem:v10+s23+$0x4C0 ss:$0x1], $0xffff;
	v20 =	vadd.f32 v20, v26  }
0x72: {  	v16 =	vmul.f32 v16, v4;
	v13 =	vmul.f32 v13, v3;
	v35 =	vld.idx.msk [tilespmem:v10+s23+$0x440 ss:$0x1], $0xffff;
	v21 =	vadd.f32 v21, v27  }
0x73: {  	v14 =	vmul.f32 v14, v3;
	v12 =	vmul.f32 v12, v2;
	v17 =	vadd.f32 v17, v20;
	v20 =	vld.idx.msk [tilespmem:v10+s23+$0x510 ss:$0x1], $0xffff  }
0x74: {  	v22 =	vmul.f32 v22, v4;
	v24 =	vmul.f32 v24, v2;
	v18 =	vadd.f32 v18, v21;
	v21 =	vld.idx.msk [tilespmem:v10+s23+$0x500 ss:$0x1], $0xffff  }
0x75: {  	v23 =	vmul.f32 v23, v4;
	v30 =	vmul.f32 v30, v3;
	v32 =	vld.idx.msk [tilespmem:v10+s23+$0x3E0 ss:$0x1], $0xffff;
	v15 =	vadd.f32 v15, v17  }
0x76: {  	v31 =	vmul.f32 v31, v3;
	v36 =	vmul.f32 v36, v6;
	v34 =	vld.idx.msk [tilespmem:v10+s23+$0x360 ss:$0x1], $0xffff;
	v16 =	vadd.f32 v16, v18  }
0x77: {  	v47 =	vmul.f32 v47, v9;
	v26 =	vld.idx.msk [tilespmem:v10+s23+$0x590 ss:$0x1], $0xffff;
	v13 =	vadd.f32 v13, v15;
	v15 =	vmul.f32 v11, v2  }
0x78: {  	v42 =	vmul.f32 v42, v5;
	v27 =	vld.idx.msk [tilespmem:v10+s23+$0x580 ss:$0x1], $0xffff;
	v11 =	vmul.f32 v19, v3;
	v14 =	vadd.f32 v14, v16  }
0x79: {  	v17 =	vld.idx.msk [tilespmem:v10+s23+$0x4B0 ss:$0x1], $0xffff;
	v21 =	vmul.f32 v21, v9;
	v20 =	vmul.f32 v20, v8;
	v13 =	vadd.f32 v15, v13  }
0x7a: {  	v18 =	vld.idx.msk [tilespmem:v10+s23+$0x430 ss:$0x1], $0xffff;
	v16 =	vmul.f32 v28, v5;
	v28 =	vmul.f32 v29, v5;
	v12 =	vadd.f32 v12, v14  }
0x7b: {  	v19 =	vld.idx.msk [tilespmem:v10+s23+$0x350 ss:$0x1], $0xffff;
	v20 =	vadd.f32 v20, v21;
	v21 =	vmul.f32 v57, v7;
	v14 =	vperm.xlane v13, v1  }
0x7c: {  	v29 =	vld.idx.msk [tilespmem:v10+s23+$0x420 ss:$0x1], $0xffff;
	v15 =	vmul.f32 v25, v2;
	v60 =	vperm.xlane v12, v1  }
0x7d: {  	v25 =	vld.idx.msk [tilespmem:v10+s23+$0x4A0 ss:$0x1], $0xffff;
	v20 =	vadd.f32 v21, v20;
	v21 =	vmul.f32 v51, v6;
	v13 =	vadd.f32 v13, v14  }
0x7e: {  	v14 =	vmul.f32 v38, v4;
	v38 =	vmul.f32 v40, v7;
	v12 =	vadd.f32 v12, v60;
	v40 =	vld.idx.msk [tilespmem:v10+s23+$0x2E0 ss:$0x1], $0xffff  }
0x7f: {  	v27 =	vmul.f32 v27, v9;
	v26 =	vmul.f32 v26, v8;
	v60 =	vld.idx.msk [tilespmem:v10+s23+$0x260 ss:$0x1], $0xffff;
	v20 =	vadd.f32 v21, v20  }
0x80: {  	v21 =	vmul.f32 v43, v5;
	v43 =	vmul.f32 v55, v2;
	v55 =	vld.idx.msk [tilespmem:v10+s23+$0x190 ss:$0x1], $0xffff;
	v12 =	vsel vm0, v12, v13  }
0x81: {  	v13 =	vadd.f32 v26, v27;
	v26 =	vmul.f32 v56, v7;
	v27 =	vmul.f32 v46, v8;
	v46 =	vld.idx.msk [tilespmem:v10+s23+$0x480 ss:$0x1], $0xffff  }
0x82: {  	v48 =	vmul.f32 v48, v8;
	v41 =	vmul.f32 v41, v7;
	v56 =	vld.idx.msk [tilespmem:v10+s23+$0x410 ss:$0x1], $0xffff;
	v20 =	vadd.f32 v21, v20  }
0x83: {  	v21 =	vmul.f32 v39, v4;
	v13 =	vadd.f32 v26, v13;
	v26 =	vmul.f32 v50, v6;
	v50 =	vld.idx.msk [tilespmem:v10+s23+$0x400 ss:$0x1], $0xffff  }
0x84: {  	v37 =	vmul.f32 v37, v6;
	v61 =	vmul.f32 v61, v5;
	v27 =	vadd.f32 v27, v47;
	v47 =	vld.idx.msk [tilespmem:v10+s23+$0x3B0 ss:$0x1], $0xffff  }
0x85: {  	v20 =	vadd.f32 v21, v20;
	v13 =	vadd.f32 v26, v13;
	v26 =	vmul.f32 v49, v9;
	v49 =	vld.idx.msk [tilespmem:v10+s23+$0x330 ss:$0x1], $0xffff  }
0x86: {  	v35 =	vmul.f32 v35, v5;
	v33 =	vmul.f32 v33, v5;
	v27 =	vadd.f32 v38, v27;
	v38 =	vld.idx.msk [tilespmem:v10+s23+$0x2D0 ss:$0x1], $0xffff  }
0x87: {  	v32 =	vmul.f32 v32, v3;
	v57 =	vmul.f32 v17, v6;
	v20 =	vadd.f32 v31, v20;
	v31 =	vld.idx.msk [tilespmem:v10+s23+$0x2C0 ss:$0x1], $0xffff  }
0x88: {  	v29 =	vmul.f32 v29, v7;
	v13 =	vadd.f32 v42, v13;
	v26 =	vadd.f32 v48, v26;
	v42 =	vld.idx.msk [tilespmem:v10+s23+$0x250 ss:$0x1], $0xffff  }
0x89: {  	v25 =	vmul.f32 v25, v7;
	v39 =	vmul.f32 v52, v4;
	v27 =	vadd.f32 v36, v27;
	v36 =	vld.idx.msk [tilespmem:v10+s23+$0x1F0 ss:$0x1], $0xffff  }
0x8a: {  	v40 =	vmul.f32 v40, v3;
	v56 =	vmul.f32 v56, v8;
	v26 =	vadd.f32 v41, v26;
	v41 =	vld.idx.msk [tilespmem:v10+s23+$0x170 ss:$0x1], $0xffff  }
0x8b: {  	v51 =	vadd.f32 v14, v13;
	v13 =	vmul.f32 v44, v3;
	v21 =	vadd.f32 v16, v27;
	v27 =	vld.idx.msk [tilespmem:v10+s23+$0x3A0 ss:$0x1], $0xffff  }
0x8c: {  	v20 =	vadd.f32 v15, v20;
	v14 =	vmul.f32 v45, v3;
	v16 =	vmul.f32 v53, v4;
	v45 =	vld.idx.msk [tilespmem:v10+s23+$0x380 ss:$0x1], $0xffff  }
0x8d: {  	v53 =	vmul.f32 v58, v4;
	v58 =	vmul.f32 v63, v8;
	v63 =	vld.idx.msk [tilespmem:v10+s23+$0x2A0 ss:$0x1], $0xffff;
	v30 =	vadd.f32 v30, v51  }
0x8e: {  	v44 =	vmul.f32 v54, v2;
	v54 =	vmul.f32 v55, v8;
	v26 =	vadd.f32 v37, v26;
	v37 =	vld.idx.msk [tilespmem:v10+s23+$0x320 ss:$0x1], $0xffff  }
0x8f: {  	v38 =	vmul.f32 v38, v4;
	v15 =	vadd.f32 v22, v21;
	v21 =	vld.idx.msk [tilespmem:v10+s23+$0x240 ss:$0x1], $0xffff;
	v24 =	vadd.f32 v24, v30  }
0x90: {  	v22 =	vmul.f32 v34, v3;
	v34 =	vperm.xlane v20, v1;
	v30 =	vld.idx.msk [tilespmem:v10+s23+$0x390 ss:$0x1], $0xffff;
	v26 =	vadd.f32 v28, v26  }
0x91: {  	v51 =	vmul.f32 v18, v6;
	v28 =	vld.idx.msk [tilespmem:v10+s23+$0x310 ss:$0x1], $0xffff;
	v48 =	vperm.xlane v24, v1  }
0x92: {  	v31 =	vmul.f32 v31, v5;
	v42 =	vmul.f32 v42, v4;
	v17 =	vadd.f32 v23, v26;
	v23 =	vld.idx.msk [tilespmem:v10+s23+$0x160 ss:$0x1], $0xffff  }
0x93: {  	v36 =	vmul.f32 v36, v2;
	v26 =	vmul.f32 v45, v9;
	v18 =	vadd.f32 v24, v48;
	v24 =	vld.idx.msk [tilespmem:v10+s23+$0x300 ss:$0x1], $0xffff  }
0x94: {  	v45 =	vld.idx.msk [tilespmem:v10+s23+$0x2B0 ss:$0x1], $0xffff;
	v48 =	vmul.f32 v19, v4;
	v19 =	vadd.f32 v20, v34;
	v20 =	vmul.f32 v46, v9  }
0x95: {  	v27 =	vmul.f32 v27, v7;
	v34 =	vld.idx.msk [tilespmem:v10+s23+$0x1E0 ss:$0x1], $0xffff;
	v30 =	vmul.f32 v30, v8  }
0x96: {  	v41 =	vmul.f32 v41, v2;
	v21 =	vmul.f32 v21, v5;
	v46 =	vld.idx.msk [tilespmem:v10+s23+$0x230 ss:$0x1], $0xffff;
	v20 =	vadd.f32 v58, v20  }
0x97: {  	v28 =	vmul.f32 v28, v8;
	v19 =	vsel vm0, v19, v18;
	v58 =	vld.idx.msk [tilespmem:v10+s23+$0x280 ss:$0x1], $0xffff;
	v26 =	vadd.f32 v30, v26  }
0x98: {  	v18 =	vmul.f32 v59, v2;
	v30 =	vld.idx.msk [tilespmem:v10+s23+$0x1D0 ss:$0x1], $0xffff;
	v20 =	vadd.f32 v25, v20;
	v24 =	vmul.f32 v24, v9  }
0x99: {  	v59 =	vmul.f32 v62, v5;
	v25 =	vld.idx.msk [tilespmem:v10+s23+$0x150 ss:$0x1], $0xffff;
	v26 =	vadd.f32 v27, v26;
	v27 =	vmul.f32 v47, v6  }
0x9a: {  	v62 =	vmul.f32 v63, v7;
	v47 =	vld.idx.msk [tilespmem:v10+s23+$0x1C0 ss:$0x1], $0xffff;
	v20 =	vadd.f32 v57, v20;
	v24 =	vadd.f32 v28, v24  }
0x9b: {  	v57 =	vld.idx.msk [tilespmem:v10+s23+$0x290 ss:$0x1], $0xffff;
	v28 =	vmul.f32 v37, v7;
	v26 =	vadd.f32 v27, v26;
	v27 =	vmul.f32 v50, v9  }
0x9c: {  	v45 =	vmul.f32 v45, v6;
	v23 =	vmul.f32 v23, v3;
	v37 =	vld.idx.msk [tilespmem:v10+s23+$0x220 ss:$0x1], $0xffff;
	v20 =	vadd.f32 v33, v20  }
0x9d: {  	v24 =	vadd.f32 v28, v24;
	v28 =	vmul.f32 v49, v6;
	v27 =	vadd.f32 v56, v27;
	v56 =	vld.idx.msk [tilespmem:v10+s23+$0x180 ss:$0x1], $0xffff  }
0x9e: {  	v26 =	vadd.f32 v61, v26;
	v20 =	vadd.f32 v39, v20;
	v39 =	vmul.f32 v60, v3;
	v60 =	vld.idx.msk [tilespmem:v10+s23+$0x200 ss:$0x1], $0xffff  }
0x9f: {  	v34 =	vmul.f32 v34, v3;
	v33 =	vmul.f32 v58, v9;
	v24 =	vadd.f32 v28, v24;
	v28 =	vld.idx.msk [tilespmem:v10+s23+$0x140 ss:$0x1], $0xffff  }
0xa0: {  	v26 =	vadd.f32 v53, v26;
	v27 =	vadd.f32 v29, v27;
	v29 =	vld.idx.msk [tilespmem:v10+s23+$0x210 ss:$0x1], $0xffff;
	v61 =	vmul.f32 v57, v8  }
0xa1: {  	v46 =	vmul.f32 v46, v6;
	v57 =	vld.idx.msk [tilespmem:v10+s23+$0x110 ss:$0x1], $0xffff;
	v13 =	vadd.f32 v13, v20;
	v24 =	vadd.f32 v59, v24  }
0xa2: {  	v30 =	vmul.f32 v30, v4;
	v26 =	vadd.f32 v32, v26;
	v32 =	vld.idx.msk [tilespmem:v10+s23+$0x1B0 ss:$0x1], $0xffff;
	v33 =	vadd.f32 v61, v33  }
0xa3: {  	v25 =	vmul.f32 v25, v4;
	v27 =	vadd.f32 v51, v27;
	v59 =	vld.idx.msk [tilespmem:v10+s23+$0x100 ss:$0x1], $0xffff;
	v24 =	vadd.f32 v48, v24  }
0xa4: {  	v37 =	vmul.f32 v37, v7;
	v61 =	vld.idx.msk [tilespmem:v10+s23+$0x80 ss:$0x1], $0xffff;
	v26 =	vadd.f32 v44, v26;
	v33 =	vadd.f32 v62, v33  }
0xa5: {  	v44 =	vld.idx.msk [tilespmem:v10+s23+$0x1A0 ss:$0x1], $0xffff;
	v49 =	vmul.f32 v60, v9;
	v27 =	vadd.f32 v35, v27;
	v29 =	vmul.f32 v29, v8  }
0xa6: {  	v60 =	vld.idx.msk [tilespmem:v10+s23+$0x90 ss:$0x1], $0xffff;
	v28 =	vmul.f32 v28, v5;
	v35 =	vmul.f32 v57, v8;
	v22 =	vadd.f32 v22, v24  }
0xa7: {  	v62 =	vld.idx.msk [tilespmem:v10+s23+$0x10 ss:$0x1], $0xffff;
	v63 =	vperm.xlane v26, v1;
	v33 =	vadd.f32 v45, v33;
	v45 =	vmul.f32 v47, v5  }
0xa8: {  	v16 =	vadd.f32 v16, v27;
	v29 =	vadd.f32 v29, v49;
	v32 =	vmul.f32 v32, v6  }
0xa9: {  	v24 =	vld.idx.msk [tilespmem:v10+s23+$0x120 ss:$0x1], $0xffff;
	v50 =	vmul.f32 v59, v9;
	v22 =	vadd.f32 v43, v22;
	v26 =	vadd.f32 v26, v63  }
0xaa: {  	v53 =	vld.idx.msk [tilespmem:v10+s23+$0xA0 ss:$0x1], $0xffff;
	v31 =	vadd.f32 v31, v33;
	v43 =	vmul.f32 v56, v9;
	v33 =	vmul.f32 v61, v9  }
0xab: {  	v63 =	vld.idx.msk [tilespmem:v10+s23+$0x0 ss:$0x1], $0xffff;
	v14 =	vadd.f32 v14, v16;
	v29 =	vadd.f32 v37, v29;
	v44 =	vmul.f32 v44, v7  }
0xac: {  	v48 =	vld.idx.msk [tilespmem:v10+s23+$0x130 ss:$0x1], $0xffff;
	v49 =	vmul.f32 v60, v8;
	v35 =	vadd.f32 v35, v50;
	v37 =	vmul.f32 v62, v8  }
0xad: {  	v55 =	vld.idx.msk [tilespmem:v10+s23+$0x20 ss:$0x1], $0xffff;
	v58 =	vperm.xlane v22, v1;
	v31 =	vadd.f32 v38, v31;
	v29 =	vadd.f32 v46, v29  }
0xae: {  	v56 =	vld.idx.msk [tilespmem:v10+s23+$0x30 ss:$0x1], $0xffff;
	v43 =	vadd.f32 v54, v43;
	v24 =	vmul.f32 v24, v7;
	v33 =	vadd.f32 v49, v33  }
0xaf: {  	v46 =	vmul.f32 v53, v7;
	v22 =	vadd.f32 v22, v58;
	v21 =	vadd.f32 v21, v29;
	v29 =	vld.idx.msk [tilespmem:v10+s23+$0xB0 ss:$0x1], $0xffff  }
0xb0: {  	v57 =	vld.idx.msk [tilespmem:v10+s23+$0xC0 ss:$0x1], $0xffff;
	v31 =	vadd.f32 v40, v31;
	v59 =	vadd.f32 v44, v43;
	v38 =	vmul.f32 v63, v9  }
0xb1: {  	v52 =	vmul.f32 v48, v6;
	v58 =	vld.idx.msk [tilespmem:v10+s23+$0x40 ss:$0x1], $0xffff;
	v24 =	vadd.f32 v24, v35;
	v33 =	vadd.f32 v46, v33  }
0xb2: {  	v61 =	vmul.f32 v55, v7;
	v60 =	vld.idx.msk [tilespmem:v10+s23+$0xD0 ss:$0x1], $0xffff;
	v32 =	vadd.f32 v32, v59;
	v37 =	vadd.f32 v37, v38  }
0xb3: {  	v62 =	vld.idx.msk [tilespmem:v10+s23+$0x50 ss:$0x1], $0xffff;
	v49 =	vmul.f32 v56, v6;
	v18 =	vadd.f32 v18, v31;
	v24 =	vadd.f32 v52, v24  }
0xb4: {  	v63 =	vld.idx.msk [tilespmem:v10+s23+$0xE0 ss:$0x1], $0xffff;
	v21 =	vadd.f32 v42, v21;
	v37 =	vadd.f32 v61, v37;
	v29 =	vmul.f32 v29, v6  }
0xb5: {  	v51 =	vld.idx.msk [tilespmem:v10+s23+$0x60 ss:$0x1], $0xffff;
	v52 =	vmul.f32 v57, v5;
	v24 =	vadd.f32 v28, v24;
	v28 =	vadd.f32 v45, v32  }
0xb6: {  	v53 =	vld.idx.msk [tilespmem:v10+s23+$0xF0 ss:$0x1], $0xffff;
	v54 =	vmul.f32 v58, v5;
	v37 =	vadd.f32 v49, v37;
	v29 =	vadd.f32 v29, v33  }
0xb7: {  	v55 =	vld.idx.msk [tilespmem:v10+s23+$0x70 ss:$0x1], $0xffff;
	v56 =	vmul.f32 v60, v4;
	v24 =	vadd.f32 v25, v24;
	v25 =	vadd.f32 v30, v28  }
0xb8: {  	v30 =	vmul.f32 v62, v4;
	v28 =	vadd.f32 v54, v37;
	v29 =	vadd.f32 v52, v29  }
0xb9: {  	v35 =	vmul.f32 v63, v3;
	v23 =	vadd.f32 v23, v24;
	v24 =	vadd.f32 v34, v25  }
0xba: {  	v25 =	vld.idx.msk [tilespmem:v10+s23+$0x270 ss:$0x1], $0xffff;
	v28 =	vadd.f32 v30, v28;
	v30 =	vmul.f32 v51, v3;
	v29 =	vadd.f32 v56, v29  }
0xbb: {  	(xrf2) =	vadd.scan.msk.f32 $0xffff, v12;
	v32 =	vmul.f32 v53, v2;
	v23 =	vadd.f32 v41, v23;
	v24 =	vadd.f32 v36, v24  }
0xbc: {  	v59 =	vld.idx.msk [tilespmem:v10+s23+$0x470 ss:$0x1], $0xffff;
	v12 =	vadd.f32 v30, v28;
	v28 =	vmul.f32 v55, v2;
	v29 =	vadd.f32 v35, v29  }
0xbd: {  	v21 =	vadd.f32 v39, v21;
	v57 =	vperm.xlane v23, v1;
	v58 =	vperm.xlane v24, v1  }
0xbe: {  	v30 =	vld.idx.msk [tilespmem:v10+s23+$0x4F0 ss:$0x1], $0xffff;
	v12 =	vadd.f32 v28, v12;
	v28 =	vadd.f32 v32, v29  }
0xbf: {  	(xrf2) =	vadd.scan.msk.f32 $0xffff, v19;
	v19 =	vadd.f32 v23, v57;
	v23 =	vadd.f32 v24, v58;
	v24 =	vmul.f32 v25, v2  }
0xc0: {  	v27 =	vld.idx.msk [tilespmem:v10+s23+$0x6F0 ss:$0x1], $0xffff;
	v22 =	vsel vm0, v22, v26;
	v26 =	vperm.xlane v12, v1;
	v29 =	vperm.xlane v28, v1  }
0xc1: {  	v20 =	vperm.xlane v18, v1;
	v16 =	vmul.f32 v59, v2;
	v25 =	vld.idx.msk [tilespmem:v10+s23+$0x660 ss:$0x1], $0xffff;
	v21 =	vadd.f32 v24, v21  }
0xc2: {  	(xrf2) =	vadd.scan.msk.f32 $0xffff, v22;
	v19 =	vsel vm0, v19, v23;
	v12 =	vadd.f32 v12, v26;
	v24 =	vadd.f32 v28, v29  }
0xc3: {  	v23 =	vld.idx.msk [tilespmem:v10+s23+$0x670 ss:$0x1], $0xffff;
	(xrf2) =	vadd.scan.msk.f32 $0xffff, v19;
	v26 =	vmul.f32 v30, v2;
	v19 =	vperm.xlane v21, v1  }
0xc4: {  	v18 =	vadd.f32 v18, v20;
	v14 =	vadd.f32 v16, v14;
	v12 =	vsel vm0, v12, v24  }
0xc5: {  	v13 =	vadd.f32 v26, v13;
	(xrf2) =	vadd.scan.msk.f32 $0xffff, v12;
	v12 =	vadd.f32 v21, v19  }
0xc6: {  	v11 =	vadd.f32 v11, v15;
	v16 =	vmul.f32 v25, v3  }
0xc7: {  	v15 =	vperm.xlane v14, v1;
	v12 =	vsel vm0, v12, v18;
	v18 =	vperm.xlane v13, v1  }
0xc8: {  	v16 =	vadd.f32 v16, v17;
	v17 =	vmul.f32 v23, v2;
	v19 =	vmul.f32 v27, v2  }
0xc9: {  	(xrf2) =	vadd.scan.msk.f32 $0xffff, v12;
	v12 =	vadd.f32 v14, v15;
	v13 =	vadd.f32 v13, v18  }
0xca: {  	v16 =	vadd.f32 v17, v16;
	v11 =	vadd.f32 v19, v11  }
0xcb: {  	v14, _, _ =	vpop (xrf2);
	v12 =	vsel vm0, v12, v13  }
0xcc: {  	v15, _, _ =	vpop (xrf2);
	v17 =	vperm.xlane v11, v1;
	v13 =	vperm.xlane v16, v1  }
0xcd: {  	v18, _, _ =	vpop (xrf2);
	(xrf2) =	vadd.scan.msk.f32 $0xffff, v12  }
0xce: {  	v11 =	vadd.f32 v11, v17;
	v13 =	vadd.f32 v16, v13;
	v12, _, _ =	vpop (xrf2)  }
0xcf: {  	v16, _, _ =	vpop (xrf2)  }
0xd0: {  	v11 =	vsel vm0, v13, v11;
	(v2sf) =	vpush v16, $0x7  }
0xd1: {  	(xrf2) =	vadd.scan.msk.f32 $0xffff, v11;
	(v2sf) =	vpush v16, $0xF  }
0xd2: {  	(v2sf) =	vpush v12, $0x7  }
0xd3: {  	v11, _, _ =	vpop (xrf2);
	(v2sf) =	vpush v12, $0xF  }
0xd4: {  	(v2sf) =	vpush v11, $0x7  }
0xd5: {  	(v2sf) =	vpush v11, $0xF  }
0xd6: {  	(v2sf) =	vpush v18, $0x7  }
0xd7: {  	v13, _, _ =	vpop (xrf2);
	(v2sf) =	vpush v18, $0xF  }
0xd8: {  	(v2sf) =	vpush v13, $0x7  }
0xd9: {  	(v2sf) =	vpush v13, $0xF  }
0xda: {  	(v2sf) =	vpush v15, $0x7  }
0xdb: {  	v17, _, _ =	vpop (xrf2);
	(v2sf) =	vpush v15, $0xF  }
0xdc: {  	(v2sf) =	vpush v17, $0x7  }
0xdd: {  	(v2sf) =	vpush v17, $0xF  }
0xde: {  	(v2sf) =	vpush v14, $0x7  }
0xdf: {  	s24 =	spop (v2sf);
	(v2sf) =	vpush v14, $0xF  }
0xe0: {  	s25 =	spop (v2sf)  }
0xe1: {  	v0 =	vlaneseq.u32;
	v16 =	vbroadcast v16, $0x7;
	s21 =	ssub.f32 s25, s24;
	s26 =	spop (v2sf)  }
0xe2: {  	vm8 =	veq.s32 v0, $0x1;
	v12 =	vbroadcast v12, $0x7;
	s28 =	spop (v2sf)  }
0xe3: {  	v16 =	vsel vm8, s21, v16;
	s29 =	ssub.f32 s28, s26;
	s30 =	spop (v2sf)  }
0xe4: {  	vm9 =	veq.s32 v0, $0x3;
	v11 =	vbroadcast v11, $0x7;
	v12 =	vsel vm1, v12, v16;
	s31 =	spop (v2sf)  }
0xe5: {  	v12 =	vsel vm9, s29, v12;
	s22 =	ssub.f32 s31, s30;
	s23 =	spop (v2sf)  }
0xe6: {  	vm10 =	veq.s32 v0, $0x5;
	v11 =	vsel vm2, v11, v12;
	v12 =	vbroadcast v18, $0x7;
	s24 =	spop (v2sf)  }
0xe7: {  	v11 =	vsel vm10, s22, v11;
	s25 =	ssub.f32 s24, s23;
	s26 =	spop (v2sf)  }
0xe8: {  	vm11 =	veq.s32 v0, $0x7;
	v11 =	vsel vm3, v12, v11;
	v12 =	vbroadcast v13, $0x7;
	s28 =	spop (v2sf)  }
0xe9: {  	v11 =	vsel vm11, s25, v11;
	s29 =	ssub.f32 s28, s26;
	s30 =	spop (v2sf)  }
0xea: {  	vm12 =	veq.s32 v0, $0x9;
	v11 =	vsel vm4, v12, v11;
	v12 =	vbroadcast v15, $0x7;
	s31 =	spop (v2sf)  }
0xeb: {  	v11 =	vsel vm12, s29, v11;
	s24 =	ssub.f32 s31, s30;
	s25 =	spop (v2sf)  }
0xec: {  	vm13 =	veq.s32 v0, $0xB;
	v11 =	vsel vm5, v12, v11;
	v12 =	vbroadcast v17, $0x7;
	s26 =	spop (v2sf)  }
0xed: {  	v11 =	vsel vm13, s24, v11;
	s28 =	ssub.f32 s26, s25;
	s29 =	spop (v2sf)  }
0xee: {  	vm14 =	veq.s32 v0, $0xD;
	v11 =	vsel vm6, v12, v11;
	v12 =	vbroadcast v14, $0x7;
	s30 =	spop (v2sf)  }
0xef: {  	v11 =	vsel vm14, s28, v11;
	s31 =	ssub.f32 s30, s29  }
0xf0: {  	vm15 =	veq.s32 v0, $0xF;
	v11 =	vsel vm7, v12, v11  }
0xf1: {  	v11 =	vsel vm15, s31, v11  }
0xf2: {  	s21 =	simm.s32 $0x800;
	[tilespmem:s19+$0x0] =	vst v11  }
0xf3: {  	v11 =	vld.idx.msk [tilespmem:v10+s21+$0x7F0 ss:$0x1], $0xffff  }
0xf4: {  	v12 =	vld.idx.msk [tilespmem:v10+s21+$0x770 ss:$0x1], $0xffff  }
0xf5: {  	v13 =	vld.idx.msk [tilespmem:v10+s21+$0x7E0 ss:$0x1], $0xffff  }
0xf6: {  	v14 =	vld.idx.msk [tilespmem:v10+s21+$0x760 ss:$0x1], $0xffff  }
0xf7: {  	v15 =	vld.idx.msk [tilespmem:v10+s21+$0x7D0 ss:$0x1], $0xffff  }
0xf8: {  	v16 =	vld.idx.msk [tilespmem:v10+s21+$0x750 ss:$0x1], $0xffff  }
0xf9: {  	v17 =	vld.idx.msk [tilespmem:v10+s21+$0x7C0 ss:$0x1], $0xffff  }
0xfa: {  	v18 =	vld.idx.msk [tilespmem:v10+s21+$0x740 ss:$0x1], $0xffff  }
0xfb: {  	v19 =	vld.idx.msk [tilespmem:v10+s21+$0x6E0 ss:$0x1], $0xffff  }
0xfc: {  	v20 =	vld.idx.msk [tilespmem:v10+s21+$0x7B0 ss:$0x1], $0xffff  }
0xfd: {  	v21 =	vld.idx.msk [tilespmem:v10+s21+$0x730 ss:$0x1], $0xffff  }
0xfe: {  	v22 =	vld.idx.msk [tilespmem:v10+s21+$0x6D0 ss:$0x1], $0xffff  }
0xff: {  	v23 =	vld.idx.msk [tilespmem:v10+s21+$0x650 ss:$0x1], $0xffff  }
0x100: {  	v24 =	vld.idx.msk [tilespmem:v10+s21+$0x5F0 ss:$0x1], $0xffff  }
0x101: {  	v25 =	vld.idx.msk [tilespmem:v10+s21+$0x570 ss:$0x1], $0xffff  }
0x102: {  	v26 =	vld.idx.msk [tilespmem:v10+s21+$0x7A0 ss:$0x1], $0xffff  }
0x103: {  	v27 =	vld.idx.msk [tilespmem:v10+s21+$0x720 ss:$0x1], $0xffff  }
0x104: {  	v28 =	vld.idx.msk [tilespmem:v10+s21+$0x6C0 ss:$0x1], $0xffff  }
0x105: {  	v29 =	vld.idx.msk [tilespmem:v10+s21+$0x640 ss:$0x1], $0xffff  }
0x106: {  	v30 =	vld.idx.msk [tilespmem:v10+s21+$0x5E0 ss:$0x1], $0xffff  }
0x107: {  	v31 =	vld.idx.msk [tilespmem:v10+s21+$0x560 ss:$0x1], $0xffff  }
0x108: {  	v60 =	vld.idx.msk [tilespmem:v10+s21+$0x790 ss:$0x1], $0xffff  }
0x109: {  	v61 =	vld.idx.msk [tilespmem:v10+s21+$0x780 ss:$0x1], $0xffff  }
0x10a: {  	v62 =	vld.idx.msk [tilespmem:v10+s21+$0x710 ss:$0x1], $0xffff  }
0x10b: {  	v63 =	vld.idx.msk [tilespmem:v10+s21+$0x700 ss:$0x1], $0xffff  }
0x10c: {  	v36 =	vld.idx.msk [tilespmem:v10+s21+$0x6B0 ss:$0x1], $0xffff  }
0x10d: {  	v37 =	vld.idx.msk [tilespmem:v10+s21+$0x630 ss:$0x1], $0xffff  }
0x10e: {  	v38 =	vld.idx.msk [tilespmem:v10+s21+$0x5D0 ss:$0x1], $0xffff  }
0x10f: {  	v39 =	vld.idx.msk [tilespmem:v10+s21+$0x550 ss:$0x1], $0xffff  }
0x110: {  	v40 =	vld.idx.msk [tilespmem:v10+s21+$0x6A0 ss:$0x1], $0xffff  }
0x111: {  	v41 =	vld.idx.msk [tilespmem:v10+s21+$0x620 ss:$0x1], $0xffff  }
0x112: {  	v42 =	vld.idx.msk [tilespmem:v10+s21+$0x5C0 ss:$0x1], $0xffff  }
0x113: {  	v43 =	vld.idx.msk [tilespmem:v10+s21+$0x540 ss:$0x1], $0xffff  }
0x114: {  	v44 =	vld.idx.msk [tilespmem:v10+s21+$0x4E0 ss:$0x1], $0xffff  }
0x115: {  	v45 =	vld.idx.msk [tilespmem:v10+s21+$0x460 ss:$0x1], $0xffff  }
0x116: {  	v46 =	vld.idx.msk [tilespmem:v10+s21+$0x690 ss:$0x1], $0xffff  }
0x117: {  	v47 =	vld.idx.msk [tilespmem:v10+s21+$0x680 ss:$0x1], $0xffff  }
0x118: {  	v48 =	vld.idx.msk [tilespmem:v10+s21+$0x610 ss:$0x1], $0xffff  }
0x119: {  	v49 =	vld.idx.msk [tilespmem:v10+s21+$0x600 ss:$0x1], $0xffff  }
0x11a: {  	v50 =	vld.idx.msk [tilespmem:v10+s21+$0x5B0 ss:$0x1], $0xffff  }
0x11b: {  	v51 =	vld.idx.msk [tilespmem:v10+s21+$0x530 ss:$0x1], $0xffff  }
0x11c: {  	v52 =	vld.idx.msk [tilespmem:v10+s21+$0x4D0 ss:$0x1], $0xffff  }
0x11d: {  	v53 =	vld.idx.msk [tilespmem:v10+s21+$0x450 ss:$0x1], $0xffff  }
0x11e: {  	v54 =	vld.idx.msk [tilespmem:v10+s21+$0x3F0 ss:$0x1], $0xffff  }
0x11f: {  	v55 =	vld.idx.msk [tilespmem:v10+s21+$0x370 ss:$0x1], $0xffff  }
0x120: {  	v56 =	vld.idx.msk [tilespmem:v10+s21+$0x5A0 ss:$0x1], $0xffff  }
0x121: {  	v57 =	vld.idx.msk [tilespmem:v10+s21+$0x520 ss:$0x1], $0xffff  }
0x122: {  	v58 =	vld.idx.msk [tilespmem:v10+s21+$0x4C0 ss:$0x1], $0xffff;
	v33 =	vmul.f32 v61, v9;
	v32 =	vmul.f32 v60, v8  }
0x123: {  	v59 =	vld.idx.msk [tilespmem:v10+s21+$0x350 ss:$0x1], $0xffff;
	v35 =	vmul.f32 v63, v9;
	v34 =	vmul.f32 v62, v8  }
0x124: {  	v0 =	vld.idx.msk [tilespmem:v10+s21+$0x480 ss:$0x1], $0xffff;
	v26 =	vmul.f32 v26, v7;
	v32 =	vadd.f32 v32, v33  }
0x125: {  	v27 =	vmul.f32 v27, v7;
	v60 =	vld.idx.msk [tilespmem:v10+s21+$0x2F0 ss:$0x1], $0xffff;
	v34 =	vadd.f32 v34, v35  }
0x126: {  	v20 =	vmul.f32 v20, v6;
	v62 =	vld.idx.msk [tilespmem:v10+s21+$0x340 ss:$0x1], $0xffff;
	v26 =	vadd.f32 v26, v32  }
0x127: {  	v21 =	vmul.f32 v21, v6;
	v63 =	vld.idx.msk [tilespmem:v10+s21+$0x2E0 ss:$0x1], $0xffff;
	v27 =	vadd.f32 v27, v34  }
0x128: {  	v17 =	vmul.f32 v17, v5;
	v18 =	vmul.f32 v18, v5;
	v33 =	vld.idx.msk [tilespmem:v10+s21+$0x440 ss:$0x1], $0xffff;
	v20 =	vadd.f32 v20, v26  }
0x129: {  	v15 =	vmul.f32 v15, v4;
	v16 =	vmul.f32 v16, v4;
	v35 =	vld.idx.msk [tilespmem:v10+s21+$0x3E0 ss:$0x1], $0xffff;
	v21 =	vadd.f32 v21, v27  }
0x12a: {  	v13 =	vmul.f32 v13, v3;
	v14 =	vmul.f32 v14, v3;
	v27 =	vld.idx.msk [tilespmem:v10+s21+$0x510 ss:$0x1], $0xffff;
	v17 =	vadd.f32 v17, v20  }
0x12b: {  	v12 =	vmul.f32 v12, v2;
	v22 =	vmul.f32 v22, v4;
	v20 =	vld.idx.msk [tilespmem:v10+s21+$0x500 ss:$0x1], $0xffff;
	v18 =	vadd.f32 v18, v21  }
0x12c: {  	v23 =	vmul.f32 v23, v4;
	v30 =	vmul.f32 v30, v3;
	v32 =	vld.idx.msk [tilespmem:v10+s21+$0x360 ss:$0x1], $0xffff;
	v15 =	vadd.f32 v15, v17  }
0x12d: {  	v31 =	vmul.f32 v31, v3;
	v36 =	vmul.f32 v36, v6;
	v34 =	vld.idx.msk [tilespmem:v10+s21+$0x590 ss:$0x1], $0xffff;
	v16 =	vadd.f32 v16, v18  }
0x12e: {  	v47 =	vmul.f32 v47, v9;
	v26 =	vld.idx.msk [tilespmem:v10+s21+$0x580 ss:$0x1], $0xffff;
	v13 =	vadd.f32 v13, v15;
	v15 =	vmul.f32 v11, v2  }
0x12f: {  	v21 =	vld.idx.msk [tilespmem:v10+s21+$0x4B0 ss:$0x1], $0xffff;
	v27 =	vmul.f32 v27, v8;
	v11 =	vmul.f32 v19, v3;
	v14 =	vadd.f32 v14, v16  }
0x130: {  	v17 =	vld.idx.msk [tilespmem:v10+s21+$0x430 ss:$0x1], $0xffff;
	v19 =	vmul.f32 v24, v2;
	v20 =	vmul.f32 v20, v9;
	v13 =	vadd.f32 v15, v13  }
0x131: {  	v18 =	vld.idx.msk [tilespmem:v10+s21+$0x3D0 ss:$0x1], $0xffff;
	v16 =	vmul.f32 v28, v5;
	v28 =	vmul.f32 v29, v5;
	v12 =	vadd.f32 v12, v14  }
0x132: {  	v24 =	vld.idx.msk [tilespmem:v10+s21+$0x4A0 ss:$0x1], $0xffff;
	v20 =	vadd.f32 v27, v20;
	v27 =	vmul.f32 v57, v7;
	v14 =	vperm.xlane v13, v1  }
0x133: {  	v29 =	vld.idx.msk [tilespmem:v10+s21+$0x3C0 ss:$0x1], $0xffff;
	v15 =	vmul.f32 v25, v2;
	v61 =	vperm.xlane v12, v1  }
0x134: {  	v25 =	vld.idx.msk [tilespmem:v10+s21+$0x420 ss:$0x1], $0xffff;
	v20 =	vadd.f32 v27, v20;
	v27 =	vmul.f32 v51, v6;
	v13 =	vadd.f32 v13, v14  }
0x135: {  	v14 =	vmul.f32 v38, v4;
	v38 =	vmul.f32 v40, v7;
	v12 =	vadd.f32 v12, v61;
	v40 =	vld.idx.msk [tilespmem:v10+s21+$0x260 ss:$0x1], $0xffff  }
0x136: {  	v34 =	vmul.f32 v34, v8;
	v26 =	vmul.f32 v26, v9;
	v61 =	vld.idx.msk [tilespmem:v10+s21+$0x490 ss:$0x1], $0xffff  }
0x137: {  	v20 =	vadd.f32 v27, v20;
	v27 =	vmul.f32 v43, v5;
	v43 =	vld.idx.msk [tilespmem:v10+s21+$0x390 ss:$0x1], $0xffff;
	v12 =	vsel vm0, v12, v13  }
0x138: {  	v13 =	vadd.f32 v34, v26;
	v26 =	vmul.f32 v56, v7;
	v34 =	vmul.f32 v46, v8;
	v46 =	vld.idx.msk [tilespmem:v10+s21+$0x410 ss:$0x1], $0xffff  }
0x139: {  	v42 =	vmul.f32 v42, v5;
	v48 =	vmul.f32 v48, v8;
	v56 =	vld.idx.msk [tilespmem:v10+s21+$0x400 ss:$0x1], $0xffff;
	v20 =	vadd.f32 v27, v20  }
0x13a: {  	v27 =	vmul.f32 v39, v4;
	v39 =	vld.idx.msk [tilespmem:v10+s21+$0x2C0 ss:$0x1], $0xffff;
	v13 =	vadd.f32 v26, v13;
	v26 =	vmul.f32 v50, v6  }
0x13b: {  	v41 =	vmul.f32 v41, v7;
	v37 =	vmul.f32 v37, v6;
	v50 =	vld.idx.msk [tilespmem:v10+s21+$0x3B0 ss:$0x1], $0xffff;
	v34 =	vadd.f32 v34, v47  }
0x13c: {  	v0 =	vmul.f32 v0, v9;
	v47 =	vld.idx.msk [tilespmem:v10+s21+$0x330 ss:$0x1], $0xffff;
	v20 =	vadd.f32 v27, v20;
	v13 =	vadd.f32 v26, v13  }
0x13d: {  	v21 =	vmul.f32 v21, v6;
	v26 =	vmul.f32 v49, v9;
	v49 =	vld.idx.msk [tilespmem:v10+s21+$0x2D0 ss:$0x1], $0xffff;
	v34 =	vadd.f32 v38, v34  }
0x13e: {  	v25 =	vmul.f32 v25, v7;
	v38 =	vld.idx.msk [tilespmem:v10+s21+$0x250 ss:$0x1], $0xffff;
	v20 =	vadd.f32 v31, v20;
	v13 =	vadd.f32 v42, v13  }
0x13f: {  	v31 =	vmul.f32 v55, v2;
	v55 =	vld.idx.msk [tilespmem:v10+s21+$0x2B0 ss:$0x1], $0xffff;
	v26 =	vadd.f32 v48, v26;
	v34 =	vadd.f32 v36, v34  }
0x140: {  	v42 =	vld.idx.msk [tilespmem:v10+s21+$0x1F0 ss:$0x1], $0xffff;
	v39 =	vmul.f32 v39, v5;
	v20 =	vadd.f32 v15, v20;
	v51 =	vadd.f32 v14, v13  }
0x141: {  	v36 =	vld.idx.msk [tilespmem:v10+s21+$0x170 ss:$0x1], $0xffff;
	v26 =	vadd.f32 v41, v26;
	v13 =	vmul.f32 v44, v3;
	v14 =	vmul.f32 v45, v3  }
0x142: {  	v48 =	vld.idx.msk [tilespmem:v10+s21+$0x240 ss:$0x1], $0xffff;
	v27 =	vadd.f32 v16, v34;
	v16 =	vmul.f32 v53, v4;
	v44 =	vmul.f32 v54, v2  }
0x143: {  	v41 =	vld.idx.msk [tilespmem:v10+s21+$0x3A0 ss:$0x1], $0xffff;
	v45 =	vmul.f32 v33, v5;
	v33 =	vmul.f32 v58, v5;
	v30 =	vadd.f32 v30, v51  }
0x144: {  	v34 =	vld.idx.msk [tilespmem:v10+s21+$0x320 ss:$0x1], $0xffff;
	v54 =	vmul.f32 v59, v4;
	v58 =	vperm.xlane v20, v1  }
0x145: {  	v26 =	vadd.f32 v37, v26;
	v37 =	vmul.f32 v52, v4;
	v19 =	vadd.f32 v19, v30;
	v30 =	vld.idx.msk [tilespmem:v10+s21+$0x380 ss:$0x1], $0xffff  }
0x146: {  	v53 =	vld.idx.msk [tilespmem:v10+s21+$0x1E0 ss:$0x1], $0xffff;
	v51 =	vmul.f32 v35, v3;
	v15 =	vadd.f32 v22, v27;
	v27 =	vmul.f32 v32, v3  }
0x147: {  	v22 =	vld.idx.msk [tilespmem:v10+s21+$0x310 ss:$0x1], $0xffff;
	v35 =	vmul.f32 v18, v4;
	v18 =	vadd.f32 v20, v58;
	v20 =	vmul.f32 v61, v8  }
0x148: {  	v52 =	vmul.f32 v17, v6;
	v61 =	vmul.f32 v49, v4;
	v26 =	vadd.f32 v28, v26;
	v28 =	vld.idx.msk [tilespmem:v10+s21+$0x300 ss:$0x1], $0xffff  }
0x149: {  	v59 =	vld.idx.msk [tilespmem:v10+s21+$0x150 ss:$0x1], $0xffff;
	v0 =	vadd.f32 v20, v0;
	v20 =	vmul.f32 v24, v7;
	v57 =	vperm.xlane v19, v1  }
0x14a: {  	v32 =	vld.idx.msk [tilespmem:v10+s21+$0x160 ss:$0x1], $0xffff;
	v17 =	vadd.f32 v23, v26;
	v26 =	vmul.f32 v43, v8;
	v23 =	vmul.f32 v30, v9  }
0x14b: {  	v58 =	vld.idx.msk [tilespmem:v10+s21+$0x1D0 ss:$0x1], $0xffff;
	v24 =	vmul.f32 v41, v7;
	v0 =	vadd.f32 v20, v0;
	v19 =	vadd.f32 v19, v57  }
0x14c: {  	v41 =	vld.idx.msk [tilespmem:v10+s21+$0x280 ss:$0x1], $0xffff;
	v43 =	vmul.f32 v62, v5;
	v22 =	vmul.f32 v22, v8;
	v23 =	vadd.f32 v26, v23  }
0x14d: {  	v57 =	vld.idx.msk [tilespmem:v10+s21+$0x230 ss:$0x1], $0xffff;
	v0 =	vadd.f32 v21, v0;
	v19 =	vsel vm0, v18, v19;
	v26 =	vmul.f32 v28, v9  }
0x14e: {  	v18 =	vmul.f32 v60, v2;
	v60 =	vld.idx.msk [tilespmem:v10+s21+$0x140 ss:$0x1], $0xffff;
	v20 =	vadd.f32 v24, v23;
	v23 =	vmul.f32 v50, v6  }
0x14f: {  	v21 =	vmul.f32 v56, v9;
	v28 =	vld.idx.msk [tilespmem:v10+s21+$0x2A0 ss:$0x1], $0xffff;
	v22 =	vadd.f32 v22, v26;
	v26 =	vmul.f32 v34, v7  }
0x150: {  	v30 =	vmul.f32 v63, v3;
	v24 =	vmul.f32 v29, v5;
	v34 =	vld.idx.msk [tilespmem:v10+s21+$0x290 ss:$0x1], $0xffff;
	v20 =	vadd.f32 v23, v20  }
0x151: {  	v56 =	vld.idx.msk [tilespmem:v10+s21+$0x1C0 ss:$0x1], $0xffff;
	v23 =	vmul.f32 v46, v8;
	v22 =	vadd.f32 v26, v22;
	v26 =	vmul.f32 v47, v6  }
0x152: {  	v0 =	vadd.f32 v33, v0;
	v33 =	vld.idx.msk [tilespmem:v10+s21+$0x1A0 ss:$0x1], $0xffff;
	v29 =	vmul.f32 v38, v4;
	v24 =	vadd.f32 v24, v20  }
0x153: {  	v50 =	vld.idx.msk [tilespmem:v10+s21+$0x220 ss:$0x1], $0xffff;
	v38 =	vmul.f32 v60, v5;
	v23 =	vadd.f32 v23, v21;
	v22 =	vadd.f32 v26, v22  }
0x154: {  	v46 =	vld.idx.msk [tilespmem:v10+s21+$0x200 ss:$0x1], $0xffff;
	v28 =	vmul.f32 v28, v7;
	v20 =	vadd.f32 v37, v0;
	v24 =	vadd.f32 v35, v24  }
0x155: {  	v47 =	vld.idx.msk [tilespmem:v10+s21+$0x0 ss:$0x1], $0xffff;
	v21 =	vmul.f32 v40, v3;
	v62 =	vmul.f32 v34, v8;
	v26 =	vadd.f32 v43, v22  }
0x156: {  	v0 =	vld.idx.msk [tilespmem:v10+s21+$0x210 ss:$0x1], $0xffff;
	v34 =	vmul.f32 v48, v5;
	v24 =	vadd.f32 v51, v24;
	v51 =	vmul.f32 v41, v9  }
0x157: {  	v37 =	vld.idx.msk [tilespmem:v10+s21+$0x130 ss:$0x1], $0xffff;
	v48 =	vmul.f32 v57, v6;
	v25 =	vadd.f32 v25, v23;
	v26 =	vadd.f32 v54, v26  }
0x158: {  	v40 =	vld.idx.msk [tilespmem:v10+s21+$0x190 ss:$0x1], $0xffff;
	v22 =	vmul.f32 v36, v2;
	v44 =	vadd.f32 v44, v24;
	v24 =	vadd.f32 v62, v51  }
0x159: {  	v35 =	vld.idx.msk [tilespmem:v10+s21+$0x1B0 ss:$0x1], $0xffff;
	v23 =	vmul.f32 v42, v2;
	v25 =	vadd.f32 v52, v25;
	v27 =	vadd.f32 v27, v26  }
0x15a: {  	v36 =	vld.idx.msk [tilespmem:v10+s21+$0x120 ss:$0x1], $0xffff;
	v26 =	vmul.f32 v53, v3;
	v53 =	vmul.f32 v55, v6;
	v52 =	vadd.f32 v28, v24  }
0x15b: {  	v43 =	vld.idx.msk [tilespmem:v10+s21+$0x180 ss:$0x1], $0xffff;
	v0 =	vmul.f32 v0, v8;
	v27 =	vadd.f32 v31, v27;
	v31 =	vmul.f32 v46, v9  }
0x15c: {  	v42 =	vld.idx.msk [tilespmem:v10+s21+$0x90 ss:$0x1], $0xffff;
	v62 =	vmul.f32 v50, v7;
	v63 =	vperm.xlane v44, v1;
	v54 =	vadd.f32 v53, v52  }
0x15d: {  	v41 =	vld.idx.msk [tilespmem:v10+s21+$0x110 ss:$0x1], $0xffff;
	v24 =	vadd.f32 v45, v25;
	v28 =	vmul.f32 v32, v3;
	v0 =	vadd.f32 v0, v31  }
0x15e: {  	v45 =	vld.idx.msk [tilespmem:v10+s21+$0x100 ss:$0x1], $0xffff;
	v55 =	vperm.xlane v27, v1;
	v25 =	vadd.f32 v44, v63;
	v63 =	vadd.f32 v39, v54  }
0x15f: {  	v46 =	vld.idx.msk [tilespmem:v10+s21+$0x80 ss:$0x1], $0xffff;
	v32 =	vmul.f32 v58, v4;
	v31 =	vmul.f32 v59, v4;
	v49 =	vadd.f32 v62, v0  }
0x160: {  	s23 =	simm.s32 $0x4000;
	s22 =	smov.u32 s19;
	v44 =	vld.idx.msk [tilespmem:v10+s21+$0x10 ss:$0x1], $0xffff;
	v27 =	vadd.f32 v27, v55;
	v39 =	vmul.f32 v56, v5;
	v50 =	vadd.f32 v61, v63  }
.LBB2_3:
0x161: {  	p1 =	sne.s32 s23, $0x1C000;
	v0 =	vld.idx.msk [tilespmem:v10+s21+$0xA0 ss:$0x1], $0xffff;
	v37 =	vmul.f32 v37, v6;
	v35 =	vmul.f32 v35, v6;
	v48 =	vadd.f32 v48, v49  }
0x162: {  	v43 =	vmul.f32 v43, v9;
	v40 =	vmul.f32 v40, v8;
	v49 =	vld.idx.msk [tilespmem:v10+s21+$0x20 ss:$0x1], $0xffff;
	v30 =	vadd.f32 v30, v50  }
0x163: {  	v45 =	vmul.f32 v45, v9;
	v41 =	vmul.f32 v41, v8;
	v50 =	vld.idx.msk [tilespmem:v10+s21+$0xB0 ss:$0x1], $0xffff;
	v34 =	vadd.f32 v34, v48  }
0x164: {  	v36 =	vmul.f32 v36, v7;
	v33 =	vmul.f32 v33, v7;
	v40 =	vadd.f32 v40, v43;
	v48 =	vld.idx.msk [tilespmem:v10+s21+$0x30 ss:$0x1], $0xffff  }
0x165: {  	v42 =	vmul.f32 v42, v8;
	v43 =	vmul.f32 v46, v9;
	v41 =	vadd.f32 v41, v45;
	v46 =	vld.idx.msk [tilespmem:v10+s21+$0xC0 ss:$0x1], $0xffff  }
0x166: {  	v44 =	vmul.f32 v44, v8;
	v45 =	vmul.f32 v47, v9;
	v29 =	vadd.f32 v29, v34;
	v47 =	vld.idx.msk [tilespmem:v10+s21+$0x40 ss:$0x1], $0xffff  }
0x167: {  	v36 =	vadd.f32 v36, v41;
	v33 =	vadd.f32 v33, v40;
	v0 =	vmul.f32 v0, v7;
	v34 =	vld.idx.msk [tilespmem:v10+s21+$0xD0 ss:$0x1], $0xffff  }
0x168: {  	v42 =	vadd.f32 v42, v43;
	v40 =	vadd.f32 v44, v45;
	v41 =	vmul.f32 v49, v7;
	v44 =	vld.idx.msk [tilespmem:v10+s21+$0x50 ss:$0x1], $0xffff  }
0x169: {  	v36 =	vadd.f32 v37, v36;
	v33 =	vadd.f32 v35, v33;
	v43 =	vmul.f32 v50, v6;
	v45 =	vld.idx.msk [tilespmem:v10+s21+$0xE0 ss:$0x1], $0xffff  }
0x16a: {  	v0 =	vadd.f32 v0, v42;
	v35 =	vadd.f32 v41, v40;
	v37 =	vmul.f32 v48, v6;
	v40 =	vld.idx.msk [tilespmem:v10+s21+$0x60 ss:$0x1], $0xffff  }
0x16b: {  	v36 =	vadd.f32 v38, v36;
	v33 =	vadd.f32 v39, v33;
	v41 =	vmul.f32 v46, v5;
	v42 =	vld.idx.msk [tilespmem:v10+s21+$0xF0 ss:$0x1], $0xffff  }
0x16c: {  	v0 =	vadd.f32 v43, v0;
	v35 =	vadd.f32 v37, v35;
	v37 =	vmul.f32 v47, v5;
	v38 =	vld.idx.msk [tilespmem:v10+s21+$0x70 ss:$0x1], $0xffff  }
0x16d: {  	v31 =	vadd.f32 v31, v36;
	v32 =	vadd.f32 v32, v33;
	v34 =	vmul.f32 v34, v4  }
0x16e: {  	v0 =	vadd.f32 v41, v0;
	v33 =	vadd.f32 v37, v35;
	v35 =	vmul.f32 v44, v4;
	(xrf2) =	vadd.scan.msk.f32 $0xffff, v12  }
0x16f: {  	v28 =	vadd.f32 v28, v31;
	v26 =	vadd.f32 v26, v32;
	v12 =	vmul.f32 v45, v3;
	v31 =	vld.idx.msk [tilespmem:v10+s21+$0x270 ss:$0x1], $0xffff  }
0x170: {  	v0 =	vadd.f32 v34, v0;
	v32 =	vadd.f32 v35, v33;
	v33 =	vmul.f32 v40, v3  }
0x171: {  	v22 =	vadd.f32 v22, v28;
	v23 =	vadd.f32 v23, v26;
	v34 =	vmul.f32 v42, v2;
	v26 =	vld.idx.msk [tilespmem:v10+s21+$0x4F0 ss:$0x1], $0xffff  }
0x172: {  	v0 =	vadd.f32 v12, v0;
	v28 =	vadd.f32 v33, v32;
	v32 =	vmul.f32 v38, v2;
	(xrf2) =	vadd.scan.msk.f32 $0xffff, v19  }
0x173: {  	v21 =	vadd.f32 v21, v29;
	v12 =	vperm.xlane v22, v1;
	v19 =	vperm.xlane v23, v1;
	v29 =	vld.idx.msk [tilespmem:v10+s21+$0x470 ss:$0x1], $0xffff  }
0x174: {  	v25 =	vsel vm0, v27, v25;
	v0 =	vadd.f32 v34, v0;
	v28 =	vadd.f32 v32, v28;
	v27 =	vld.idx.msk [tilespmem:v10+s21+$0x660 ss:$0x1], $0xffff  }
0x175: {  	v32 =	vadd.f32 v22, v12;
	v19 =	vadd.f32 v23, v19;
	v22 =	vmul.f32 v31, v2;
	(xrf2) =	vadd.scan.msk.f32 $0xffff, v25  }
0x176: {  	v16 =	vadd.f32 v16, v24;
	v23 =	vperm.xlane v28, v1;
	v25 =	vperm.xlane v0, v1;
	v24 =	vld.idx.msk [tilespmem:v10+s21+$0x6F0 ss:$0x1], $0xffff  }
0x177: {  	v18 =	vadd.f32 v18, v30;
	v31 =	vsel vm0, v32, v19;
	v19 =	vadd.f32 v22, v21;
	v21 =	vld.idx.msk [tilespmem:v10+s21+$0x670 ss:$0x1], $0xffff  }
0x178: {  	v22 =	vadd.f32 v28, v23;
	v0 =	vadd.f32 v0, v25;
	v23 =	vmul.f32 v26, v2;
	(xrf2) =	vadd.scan.msk.f32 $0xffff, v31;
	v12, _, _ =	vpop (xrf2)  }
0x179: {  	v13 =	vadd.f32 v13, v20;
	v14 =	vadd.f32 v14, v16;
	v16 =	vmul.f32 v29, v2  }
0x17a: {  	v25 =	vperm.xlane v19, v1;
	v0 =	vsel vm0, v22, v0;
	v22 =	vperm.xlane v18, v1  }
0x17b: {  	v13 =	vadd.f32 v23, v13;
	v14 =	vadd.f32 v16, v14;
	v16 =	vmul.f32 v27, v3;
	(xrf2) =	vadd.scan.msk.f32 $0xffff, v0  }
0x17c: {  	v23 =	vadd.f32 v19, v25;
	v18 =	vadd.f32 v18, v22;
	v19 =	vmul.f32 v24, v2;
	v20, _, _ =	vpop (xrf2)  }
0x17d: {  	v11 =	vadd.f32 v11, v15;
	v16 =	vadd.f32 v16, v17;
	v17 =	vmul.f32 v21, v2  }
0x17e: {  	v15 =	vperm.xlane v14, v1;
	v21 =	vsel vm0, v23, v18;
	v18 =	vperm.xlane v13, v1  }
0x17f: {  	v11 =	vadd.f32 v19, v11;
	v16 =	vadd.f32 v17, v16;
	(xrf2) =	vadd.scan.msk.f32 $0xffff, v21;
	v0, _, _ =	vpop (xrf2)  }
0x180: {  	v14 =	vadd.f32 v14, v15;
	v13 =	vadd.f32 v13, v18;
	_ =	sdelay $0x1  }
0x181: {  	v15 =	vperm.xlane v11, v1;
	v18 =	vperm.xlane v16, v1;
	v13 =	vsel vm0, v14, v13;
	v17, _, _ =	vpop (xrf2)  }
0x182: {  	(xrf2) =	vadd.scan.msk.f32 $0xffff, v13  }
0x183: {  	v11 =	vadd.f32 v11, v15;
	v13 =	vadd.f32 v16, v18  }
0x184: {  	v14, _, _ =	vpop (xrf2)  }
0x185: {  	v11 =	vsel vm0, v13, v11;
	(v2sf) =	vpush v14, $0x7  }
0x186: {  	(v2sf) =	vpush v14, $0xF;
	(xrf2) =	vadd.scan.msk.f32 $0xffff, v11  }
0x187: {  	(v2sf) =	vpush v17, $0x7  }
0x188: {  	(v2sf) =	vpush v17, $0xF;
	v11, _, _ =	vpop (xrf2)  }
0x189: {  	(v2sf) =	vpush v11, $0x7  }
0x18a: {  	(v2sf) =	vpush v11, $0xF  }
0x18b: {  	(v2sf) =	vpush v0, $0x7  }
0x18c: {  	(v2sf) =	vpush v0, $0xF;
	v13, _, _ =	vpop (xrf2)  }
0x18d: {  	(v2sf) =	vpush v13, $0x7  }
0x18e: {  	(v2sf) =	vpush v13, $0xF  }
0x18f: {  	(v2sf) =	vpush v20, $0x7  }
0x190: {  	(v2sf) =	vpush v20, $0xF;
	v15, _, _ =	vpop (xrf2)  }
0x191: {  	(v2sf) =	vpush v15, $0x7  }
0x192: {  	(v2sf) =	vpush v15, $0xF  }
0x193: {  	(v2sf) =	vpush v12, $0x7  }
0x194: {  	s21 =	spop (v2sf);
	(v2sf) =	vpush v12, $0xF  }
0x195: {  	s24 =	spop (v2sf)  }
0x196: {  	v14 =	vbroadcast v14, $0x7;
	s21 =	ssub.f32 s24, s21;
	s24 =	spop (v2sf)  }
0x197: {  	v16 =	vbroadcast v17, $0x7;
	s25 =	spop (v2sf)  }
0x198: {  	v14 =	vsel vm8, s21, v14;
	s21 =	ssub.f32 s25, s24;
	s24 =	spop (v2sf)  }
0x199: {  	v11 =	vbroadcast v11, $0x7;
	v14 =	vsel vm1, v16, v14;
	s25 =	spop (v2sf)  }
0x19a: {  	v14 =	vsel vm9, s21, v14;
	s21 =	ssub.f32 s25, s24;
	s24 =	spop (v2sf)  }
0x19b: {  	v0 =	vbroadcast v0, $0x7;
	v11 =	vsel vm2, v11, v14;
	s25 =	spop (v2sf)  }
0x19c: {  	v11 =	vsel vm10, s21, v11;
	s21 =	ssub.f32 s25, s24;
	s24 =	spop (v2sf)  }
0x19d: {  	v0 =	vsel vm3, v0, v11;
	v11 =	vbroadcast v13, $0x7;
	s25 =	spop (v2sf)  }
0x19e: {  	v0 =	vsel vm11, s21, v0;
	s21 =	ssub.f32 s25, s24;
	s24 =	spop (v2sf)  }
0x19f: {  	v0 =	vsel vm4, v11, v0;
	v11 =	vbroadcast v20, $0x7;
	s25 =	spop (v2sf)  }
0x1a0: {  	v0 =	vsel vm12, s21, v0;
	s21 =	ssub.f32 s25, s24;
	s24 =	spop (v2sf)  }
0x1a1: {  	v0 =	vsel vm5, v11, v0;
	v11 =	vbroadcast v15, $0x7;
	s25 =	spop (v2sf)  }
0x1a2: {  	v0 =	vsel vm13, s21, v0;
	s21 =	ssub.f32 s25, s24;
	s24 =	spop (v2sf)  }
0x1a3: {  	v0 =	vsel vm6, v11, v0;
	v11 =	vbroadcast v12, $0x7;
	s25 =	spop (v2sf)  }
0x1a4: {  	v0 =	vsel vm14, s21, v0;
	s21 =	ssub.f32 s25, s24  }
0x1a5: {  	v0 =	vsel vm7, v11, v0  }
0x1a6: {  	s22 =	sadd.s32 $0x10, s22;
	v0 =	vsel vm15, s21, v0  }
0x1a7: {  	s21 =	sshra.s32 s23, $0x2;
	[tilespmem:s22+$0x0] =	vst v0  }
0x1a8: {  	v11 =	vld.idx.msk [tilespmem:v10+s21+$0x7F0 ss:$0x1], $0xffff  }
0x1a9: {  	v12 =	vld.idx.msk [tilespmem:v10+s21+$0x770 ss:$0x1], $0xffff  }
0x1aa: {  	v0 =	vld.idx.msk [tilespmem:v10+s21+$0x7E0 ss:$0x1], $0xffff  }
0x1ab: {  	v22 =	vld.idx.msk [tilespmem:v10+s21+$0x760 ss:$0x1], $0xffff  }
0x1ac: {  	v24 =	vld.idx.msk [tilespmem:v10+s21+$0x7D0 ss:$0x1], $0xffff  }
0x1ad: {  	v30 =	vld.idx.msk [tilespmem:v10+s21+$0x750 ss:$0x1], $0xffff  }
0x1ae: {  	v31 =	vld.idx.msk [tilespmem:v10+s21+$0x7C0 ss:$0x1], $0xffff  }
0x1af: {  	v32 =	vld.idx.msk [tilespmem:v10+s21+$0x740 ss:$0x1], $0xffff  }
0x1b0: {  	v23 =	vld.idx.msk [tilespmem:v10+s21+$0x6E0 ss:$0x1], $0xffff  }
0x1b1: {  	v26 =	vld.idx.msk [tilespmem:v10+s21+$0x7B0 ss:$0x1], $0xffff  }
0x1b2: {  	v34 =	vld.idx.msk [tilespmem:v10+s21+$0x730 ss:$0x1], $0xffff  }
0x1b3: {  	v35 =	vld.idx.msk [tilespmem:v10+s21+$0x6D0 ss:$0x1], $0xffff  }
0x1b4: {  	v40 =	vld.idx.msk [tilespmem:v10+s21+$0x650 ss:$0x1], $0xffff  }
0x1b5: {  	v41 =	vld.idx.msk [tilespmem:v10+s21+$0x5F0 ss:$0x1], $0xffff  }
0x1b6: {  	v42 =	vld.idx.msk [tilespmem:v10+s21+$0x570 ss:$0x1], $0xffff  }
0x1b7: {  	v27 =	vld.idx.msk [tilespmem:v10+s21+$0x7A0 ss:$0x1], $0xffff  }
0x1b8: {  	v36 =	vld.idx.msk [tilespmem:v10+s21+$0x720 ss:$0x1], $0xffff  }
0x1b9: {  	v43 =	vld.idx.msk [tilespmem:v10+s21+$0x6C0 ss:$0x1], $0xffff  }
0x1ba: {  	v44 =	vld.idx.msk [tilespmem:v10+s21+$0x640 ss:$0x1], $0xffff  }
0x1bb: {  	v45 =	vld.idx.msk [tilespmem:v10+s21+$0x5E0 ss:$0x1], $0xffff  }
0x1bc: {  	v46 =	vld.idx.msk [tilespmem:v10+s21+$0x560 ss:$0x1], $0xffff  }
0x1bd: {  	v25 =	vld.idx.msk [tilespmem:v10+s21+$0x790 ss:$0x1], $0xffff  }
0x1be: {  	v28 =	vld.idx.msk [tilespmem:v10+s21+$0x780 ss:$0x1], $0xffff  }
0x1bf: {  	v38 =	vld.idx.msk [tilespmem:v10+s21+$0x710 ss:$0x1], $0xffff  }
0x1c0: {  	v47 =	vld.idx.msk [tilespmem:v10+s21+$0x700 ss:$0x1], $0xffff  }
0x1c1: {  	v48 =	vld.idx.msk [tilespmem:v10+s21+$0x6B0 ss:$0x1], $0xffff  }
0x1c2: {  	v13 =	vld.idx.msk [tilespmem:v10+s21+$0x630 ss:$0x1], $0xffff  }
0x1c3: {  	v49 =	vld.idx.msk [tilespmem:v10+s21+$0x5D0 ss:$0x1], $0xffff  }
0x1c4: {  	v15 =	vld.idx.msk [tilespmem:v10+s21+$0x550 ss:$0x1], $0xffff  }
0x1c5: {  	v50 =	vld.idx.msk [tilespmem:v10+s21+$0x6A0 ss:$0x1], $0xffff  }
0x1c6: {  	v19 =	vld.idx.msk [tilespmem:v10+s21+$0x620 ss:$0x1], $0xffff  }
0x1c7: {  	v33 =	vld.idx.msk [tilespmem:v10+s21+$0x5C0 ss:$0x1], $0xffff  }
0x1c8: {  	v29 =	vld.idx.msk [tilespmem:v10+s21+$0x540 ss:$0x1], $0xffff  }
0x1c9: {  	v16 =	vld.idx.msk [tilespmem:v10+s21+$0x4E0 ss:$0x1], $0xffff  }
0x1ca: {  	v14 =	vld.idx.msk [tilespmem:v10+s21+$0x460 ss:$0x1], $0xffff  }
0x1cb: {  	v51 =	vld.idx.msk [tilespmem:v10+s21+$0x690 ss:$0x1], $0xffff  }
0x1cc: {  	v52 =	vld.idx.msk [tilespmem:v10+s21+$0x680 ss:$0x1], $0xffff  }
0x1cd: {  	v37 =	vld.idx.msk [tilespmem:v10+s21+$0x610 ss:$0x1], $0xffff  }
0x1ce: {  	v39 =	vld.idx.msk [tilespmem:v10+s21+$0x600 ss:$0x1], $0xffff  }
0x1cf: {  	v53 =	vld.idx.msk [tilespmem:v10+s21+$0x5B0 ss:$0x1], $0xffff  }
0x1d0: {  	v54 =	vld.idx.msk [tilespmem:v10+s21+$0x530 ss:$0x1], $0xffff  }
0x1d1: {  	v18 =	vld.idx.msk [tilespmem:v10+s21+$0x4D0 ss:$0x1], $0xffff  }
0x1d2: {  	v21 =	vld.idx.msk [tilespmem:v10+s21+$0x450 ss:$0x1], $0xffff  }
0x1d3: {  	v17 =	vld.idx.msk [tilespmem:v10+s21+$0x3F0 ss:$0x1], $0xffff  }
0x1d4: {  	v20 =	vld.idx.msk [tilespmem:v10+s21+$0x370 ss:$0x1], $0xffff  }
0x1d5: {  	v56 =	vmul.f32 v25, v8;
	v28 =	vmul.f32 v28, v9;
	v55 =	vld.idx.msk [tilespmem:v10+s21+$0x5A0 ss:$0x1], $0xffff  }
0x1d6: {  	v38 =	vmul.f32 v38, v8;
	v47 =	vmul.f32 v47, v9;
	v57 =	vld.idx.msk [tilespmem:v10+s21+$0x520 ss:$0x1], $0xffff  }
0x1d7: {  	v58 =	vmul.f32 v27, v7;
	v56 =	vadd.f32 v56, v28;
	v25 =	vld.idx.msk [tilespmem:v10+s21+$0x4C0 ss:$0x1], $0xffff  }
0x1d8: {  	v36 =	vmul.f32 v36, v7;
	v38 =	vadd.f32 v38, v47;
	v28 =	vld.idx.msk [tilespmem:v10+s21+$0x440 ss:$0x1], $0xffff  }
0x1d9: {  	v47 =	vadd.f32 v58, v56;
	v56 =	vmul.f32 v26, v6;
	v27 =	vld.idx.msk [tilespmem:v10+s21+$0x3E0 ss:$0x1], $0xffff  }
0x1da: {  	v34 =	vmul.f32 v34, v6;
	v36 =	vadd.f32 v36, v38;
	v26 =	vld.idx.msk [tilespmem:v10+s21+$0x360 ss:$0x1], $0xffff  }
0x1db: {  	v31 =	vmul.f32 v31, v5;
	v38 =	vadd.f32 v56, v47;
	v58 =	vld.idx.msk [tilespmem:v10+s21+$0x590 ss:$0x1], $0xffff  }
0x1dc: {  	v32 =	vmul.f32 v32, v5;
	v34 =	vadd.f32 v34, v36;
	v47 =	vld.idx.msk [tilespmem:v10+s21+$0x580 ss:$0x1], $0xffff  }
0x1dd: {  	v24 =	vmul.f32 v24, v4;
	v31 =	vadd.f32 v31, v38;
	v56 =	vld.idx.msk [tilespmem:v10+s21+$0x510 ss:$0x1], $0xffff  }
0x1de: {  	v30 =	vmul.f32 v30, v4;
	v34 =	vadd.f32 v32, v34;
	v59 =	vld.idx.msk [tilespmem:v10+s21+$0x500 ss:$0x1], $0xffff  }
0x1df: {  	v0 =	vmul.f32 v0, v3;
	v24 =	vadd.f32 v24, v31;
	v32 =	vld.idx.msk [tilespmem:v10+s21+$0x4B0 ss:$0x1], $0xffff  }
0x1e0: {  	v22 =	vmul.f32 v22, v3;
	v30 =	vadd.f32 v30, v34;
	v38 =	vld.idx.msk [tilespmem:v10+s21+$0x430 ss:$0x1], $0xffff  }
0x1e1: {  	v12 =	vmul.f32 v12, v2;
	v0 =	vadd.f32 v0, v24;
	v24 =	vmul.f32 v11, v2;
	v36 =	vld.idx.msk [tilespmem:v10+s21+$0x3D0 ss:$0x1], $0xffff  }
0x1e2: {  	v61 =	vmul.f32 v35, v4;
	v11 =	vmul.f32 v23, v3;
	v22 =	vadd.f32 v22, v30;
	v60 =	vld.idx.msk [tilespmem:v10+s21+$0x350 ss:$0x1], $0xffff  }
0x1e3: {  	v40 =	vmul.f32 v40, v4;
	v41 =	vmul.f32 v41, v2;
	v0 =	vadd.f32 v24, v0;
	v31 =	vld.idx.msk [tilespmem:v10+s21+$0x2F0 ss:$0x1], $0xffff  }
0x1e4: {  	v42 =	vmul.f32 v42, v2;
	v43 =	vmul.f32 v43, v5;
	v12 =	vadd.f32 v12, v22;
	v35 =	vld.idx.msk [tilespmem:v10+s21+$0x4A0 ss:$0x1], $0xffff  }
0x1e5: {  	v44 =	vmul.f32 v44, v5;
	v22 =	vperm.xlane v0, v1;
	v34 =	vld.idx.msk [tilespmem:v10+s21+$0x420 ss:$0x1], $0xffff  }
0x1e6: {  	v45 =	vmul.f32 v45, v3;
	v62 =	vperm.xlane v12, v1;
	v30 =	vld.idx.msk [tilespmem:v10+s21+$0x3C0 ss:$0x1], $0xffff  }
0x1e7: {  	v46 =	vmul.f32 v46, v3;
	v48 =	vmul.f32 v48, v6;
	v0 =	vadd.f32 v0, v22;
	v24 =	vld.idx.msk [tilespmem:v10+s21+$0x340 ss:$0x1], $0xffff  }
0x1e8: {  	v49 =	vmul.f32 v49, v4;
	v50 =	vmul.f32 v50, v7;
	v12 =	vadd.f32 v12, v62;
	v23 =	vld.idx.msk [tilespmem:v10+s21+$0x2E0 ss:$0x1], $0xffff  }
0x1e9: {  	v58 =	vmul.f32 v58, v8;
	v47 =	vmul.f32 v47, v9;
	v22 =	vld.idx.msk [tilespmem:v10+s21+$0x260 ss:$0x1], $0xffff  }
0x1ea: {  	v12 =	vsel vm0, v12, v0;
	v56 =	vmul.f32 v56, v8;
	v59 =	vmul.f32 v59, v9;
	v62 =	vld.idx.msk [tilespmem:v10+s21+$0x490 ss:$0x1], $0xffff  }
0x1eb: {  	v51 =	vmul.f32 v51, v8;
	v55 =	vmul.f32 v55, v7;
	v47 =	vadd.f32 v58, v47;
	v0 =	vld.idx.msk [tilespmem:v10+s21+$0x480 ss:$0x1], $0xffff  }
0x1ec: {  	v52 =	vmul.f32 v52, v9;
	v57 =	vmul.f32 v57, v7;
	v56 =	vadd.f32 v56, v59;
	v58 =	vld.idx.msk [tilespmem:v10+s21+$0x410 ss:$0x1], $0xffff  }
0x1ed: {  	v33 =	vmul.f32 v33, v5;
	v53 =	vmul.f32 v53, v6;
	v47 =	vadd.f32 v55, v47;
	v59 =	vld.idx.msk [tilespmem:v10+s21+$0x400 ss:$0x1], $0xffff  }
0x1ee: {  	v51 =	vadd.f32 v51, v52;
	v54 =	vmul.f32 v54, v6;
	v56 =	vadd.f32 v57, v56;
	v55 =	vld.idx.msk [tilespmem:v10+s21+$0x3B0 ss:$0x1], $0xffff  }
0x1ef: {  	v37 =	vmul.f32 v37, v8;
	v39 =	vmul.f32 v39, v9;
	v47 =	vadd.f32 v53, v47;
	v52 =	vld.idx.msk [tilespmem:v10+s21+$0x330 ss:$0x1], $0xffff  }
0x1f0: {  	v29 =	vmul.f32 v29, v5;
	v50 =	vadd.f32 v50, v51;
	v54 =	vadd.f32 v54, v56;
	v53 =	vld.idx.msk [tilespmem:v10+s21+$0x2D0 ss:$0x1], $0xffff  }
0x1f1: {  	v19 =	vmul.f32 v19, v7;
	v37 =	vadd.f32 v37, v39;
	v33 =	vadd.f32 v33, v47;
	v51 =	vld.idx.msk [tilespmem:v10+s21+$0x250 ss:$0x1], $0xffff  }
0x1f2: {  	v15 =	vmul.f32 v15, v4;
	v47 =	vadd.f32 v48, v50;
	v29 =	vadd.f32 v29, v54;
	v39 =	vld.idx.msk [tilespmem:v10+s21+$0x1F0 ss:$0x1], $0xffff  }
0x1f3: {  	v19 =	vadd.f32 v19, v37;
	v37 =	vmul.f32 v13, v6;
	v33 =	vadd.f32 v49, v33;
	v48 =	vld.idx.msk [tilespmem:v10+s21+$0x170 ss:$0x1], $0xffff  }
0x1f4: {  	v13 =	vmul.f32 v16, v3;
	v15 =	vadd.f32 v15, v29;
	v29 =	vadd.f32 v43, v47;
	v49 =	vld.idx.msk [tilespmem:v10+s21+$0x3A0 ss:$0x1], $0xffff  }
0x1f5: {  	v14 =	vmul.f32 v14, v3;
	v19 =	vadd.f32 v37, v19;
	v33 =	vadd.f32 v45, v33;
	v43 =	vld.idx.msk [tilespmem:v10+s21+$0x320 ss:$0x1], $0xffff  }
0x1f6: {  	v16 =	vmul.f32 v21, v4;
	v21 =	vmul.f32 v18, v4;
	v15 =	vadd.f32 v46, v15;
	v45 =	vld.idx.msk [tilespmem:v10+s21+$0x2C0 ss:$0x1], $0xffff  }
0x1f7: {  	v47 =	vmul.f32 v17, v2;
	v46 =	vmul.f32 v20, v2;
	v17 =	vadd.f32 v41, v33;
	v18 =	vld.idx.msk [tilespmem:v10+s21+$0x390 ss:$0x1], $0xffff  }
0x1f8: {  	v25 =	vmul.f32 v25, v5;
	v28 =	vmul.f32 v28, v5;
	v33 =	vadd.f32 v42, v15;
	v20 =	vld.idx.msk [tilespmem:v10+s21+$0x380 ss:$0x1], $0xffff  }
0x1f9: {  	v27 =	vmul.f32 v27, v3;
	v37 =	vperm.xlane v17, v1;
	v15 =	vadd.f32 v61, v29;
	v41 =	vld.idx.msk [tilespmem:v10+s21+$0x240 ss:$0x1], $0xffff  }
0x1fa: {  	v19 =	vadd.f32 v44, v19;
	v26 =	vmul.f32 v26, v3;
	v42 =	vperm.xlane v33, v1;
	v29 =	vld.idx.msk [tilespmem:v10+s21+$0x310 ss:$0x1], $0xffff  }
0x1fb: {  	v32 =	vmul.f32 v32, v6;
	v38 =	vmul.f32 v38, v6;
	v37 =	vadd.f32 v17, v37;
	v44 =	vld.idx.msk [tilespmem:v10+s21+$0x300 ss:$0x1], $0xffff  }
0x1fc: {  	v36 =	vmul.f32 v36, v4;
	v54 =	vmul.f32 v60, v4;
	v33 =	vadd.f32 v33, v42;
	v50 =	vld.idx.msk [tilespmem:v10+s21+$0x1E0 ss:$0x1], $0xffff  }
0x1fd: {  	v56 =	vmul.f32 v62, v8;
	v0 =	vmul.f32 v0, v9;
	v17 =	vadd.f32 v40, v19;
	v42 =	vld.idx.msk [tilespmem:v10+s21+$0x160 ss:$0x1], $0xffff  }
0x1fe: {  	v19 =	vsel vm0, v33, v37;
	v40 =	vmul.f32 v18, v8;
	v20 =	vmul.f32 v20, v9;
	v57 =	vld.idx.msk [tilespmem:v10+s21+$0x2B0 ss:$0x1], $0xffff  }
0x1ff: {  	v0 =	vadd.f32 v56, v0;
	v18 =	vmul.f32 v31, v2;
	v31 =	vmul.f32 v35, v7;
	v60 =	vld.idx.msk [tilespmem:v10+s21+$0x230 ss:$0x1], $0xffff  }
0x200: {  	v34 =	vmul.f32 v34, v7;
	v33 =	vmul.f32 v49, v7;
	v20 =	vadd.f32 v40, v20;
	v56 =	vld.idx.msk [tilespmem:v10+s21+$0x1D0 ss:$0x1], $0xffff  }
0x201: {  	v0 =	vadd.f32 v31, v0;
	v29 =	vmul.f32 v29, v8;
	v35 =	vmul.f32 v44, v9;
	v49 =	vld.idx.msk [tilespmem:v10+s21+$0x150 ss:$0x1], $0xffff  }
0x202: {  	v30 =	vmul.f32 v30, v5;
	v20 =	vadd.f32 v33, v20;
	v33 =	vmul.f32 v55, v6;
	v31 =	vld.idx.msk [tilespmem:v10+s21+$0x2A0 ss:$0x1], $0xffff  }
0x203: {  	v0 =	vadd.f32 v32, v0;
	v29 =	vadd.f32 v29, v35;
	v35 =	vmul.f32 v43, v7;
	v44 =	vld.idx.msk [tilespmem:v10+s21+$0x220 ss:$0x1], $0xffff  }
0x204: {  	v37 =	vmul.f32 v58, v8;
	v20 =	vadd.f32 v33, v20;
	v33 =	vmul.f32 v59, v9;
	v32 =	vld.idx.msk [tilespmem:v10+s21+$0x290 ss:$0x1], $0xffff  }
0x205: {  	v0 =	vadd.f32 v25, v0;
	v29 =	vadd.f32 v35, v29;
	v35 =	vmul.f32 v52, v6;
	v40 =	vld.idx.msk [tilespmem:v10+s21+$0x280 ss:$0x1], $0xffff  }
0x206: {  	v24 =	vmul.f32 v24, v5;
	v25 =	vadd.f32 v30, v20;
	v33 =	vadd.f32 v37, v33;
	v52 =	vld.idx.msk [tilespmem:v10+s21+$0x1C0 ss:$0x1], $0xffff  }
0x207: {  	v30 =	vmul.f32 v23, v3;
	v20 =	vadd.f32 v21, v0;
	v23 =	vadd.f32 v35, v29;
	v55 =	vld.idx.msk [tilespmem:v10+s21+$0x140 ss:$0x1], $0xffff  }
0x208: {  	v21 =	vmul.f32 v22, v3;
	v25 =	vadd.f32 v36, v25;
	v43 =	vadd.f32 v34, v33;
	v0 =	vld.idx.msk [tilespmem:v10+s21+$0x210 ss:$0x1], $0xffff  }
0x209: {  	v29 =	vmul.f32 v51, v4;
	v51 =	vmul.f32 v53, v4;
	v24 =	vadd.f32 v24, v23;
	v58 =	vld.idx.msk [tilespmem:v10+s21+$0x200 ss:$0x1], $0xffff  }
0x20a: {  	v22 =	vmul.f32 v48, v2;
	v23 =	vmul.f32 v39, v2;
	v25 =	vadd.f32 v27, v25;
	v35 =	vld.idx.msk [tilespmem:v10+s21+$0x1B0 ss:$0x1], $0xffff  }
0x20b: {  	v32 =	vmul.f32 v32, v8;
	v27 =	vmul.f32 v40, v9;
	v24 =	vadd.f32 v54, v24;
	v37 =	vld.idx.msk [tilespmem:v10+s21+$0x130 ss:$0x1], $0xffff  }
0x20c: {  	v34 =	vmul.f32 v41, v5;
	v39 =	vmul.f32 v45, v5;
	v25 =	vadd.f32 v47, v25;
	v33 =	vld.idx.msk [tilespmem:v10+s21+$0x1A0 ss:$0x1], $0xffff  }
0x20d: {  	v31 =	vmul.f32 v31, v7;
	v27 =	vadd.f32 v32, v27;
	v24 =	vadd.f32 v26, v24;
	v36 =	vld.idx.msk [tilespmem:v10+s21+$0x120 ss:$0x1], $0xffff  }
0x20e: {  	v38 =	vadd.f32 v38, v43;
	v26 =	vmul.f32 v50, v3;
	v32 =	vperm.xlane v25, v1;
	v40 =	vld.idx.msk [tilespmem:v10+s21+$0x190 ss:$0x1], $0xffff  }
0x20f: {  	v27 =	vadd.f32 v31, v27;
	v31 =	vmul.f32 v57, v6;
	v47 =	vadd.f32 v46, v24;
	v43 =	vld.idx.msk [tilespmem:v10+s21+$0x180 ss:$0x1], $0xffff  }
0x210: {  	v0 =	vmul.f32 v0, v8;
	v46 =	vmul.f32 v58, v9;
	v24 =	vadd.f32 v28, v38;
	v41 =	vld.idx.msk [tilespmem:v10+s21+$0x110 ss:$0x1], $0xffff  }
.Ltmp2:
0x211: {  	v28 =	vmul.f32 v42, v3;
	v27 =	vadd.f32 v31, v27;
	v31 =	vperm.xlane v47, v1;
	v45 =	vld.idx.msk [tilespmem:v10+s21+$0x100 ss:$0x1], $0xffff;
	(pc) =	sbr.rel @p1 .LBB2_3-.Ltmp2, $4  }
0x212: {  	v38 =	vmul.f32 v44, v7;
	v25 =	vadd.f32 v25, v32;
	v0 =	vadd.f32 v0, v46;
	v42 =	vld.idx.msk [tilespmem:v10+s21+$0x90 ss:$0x1], $0xffff  }
0x213: {  	v48 =	vmul.f32 v60, v6;
	v50 =	vadd.f32 v39, v27;
	v27 =	vadd.f32 v47, v31;
	v46 =	vld.idx.msk [tilespmem:v10+s21+$0x80 ss:$0x1], $0xffff  }
0x214: {  	v32 =	vmul.f32 v56, v4;
	v31 =	vmul.f32 v49, v4;
	v49 =	vadd.f32 v38, v0;
	v44 =	vld.idx.msk [tilespmem:v10+s21+$0x10 ss:$0x1], $0xffff  }
0x215: {  	s23 =	sadd.s32 $0x2000, s23;
	v38 =	vmul.f32 v55, v5;
	v39 =	vmul.f32 v52, v5;
	v50 =	vadd.f32 v51, v50;
	v47 =	vld.idx.msk [tilespmem:v10+s21+$0x0 ss:$0x1], $0xffff  }
0x216: {  	_ =	sdelay $0x1  }
0x217: {  	v0 =	vmul.f32 v37, v6;
	v35 =	vmul.f32 v35, v6  }
0x218: {  	v60 =	vadd.f32 v48, v49;
	v43 =	vmul.f32 v43, v9;
	v40 =	vmul.f32 v40, v8  }
0x219: {  	v61 =	vld.idx.msk [tilespmem:v10+s21+$0xA0 ss:$0x1], $0xffff;
	v45 =	vmul.f32 v45, v9;
	v41 =	vmul.f32 v41, v8;
	v16 =	vadd.f32 v16, v24  }
0x21a: {  	v62 =	vld.idx.msk [tilespmem:v10+s21+$0x20 ss:$0x1], $0xffff;
	v36 =	vmul.f32 v36, v7;
	v13 =	vadd.f32 v13, v20;
	v30 =	vadd.f32 v30, v50  }
0x21b: {  	v63 =	vld.idx.msk [tilespmem:v10+s21+$0xB0 ss:$0x1], $0xffff;
	v42 =	vmul.f32 v42, v8;
	v34 =	vadd.f32 v34, v60;
	v40 =	vadd.f32 v40, v43  }
0x21c: {  	v52 =	vld.idx.msk [tilespmem:v10+s21+$0x30 ss:$0x1], $0xffff;
	v46 =	vmul.f32 v46, v9;
	v41 =	vadd.f32 v41, v45;
	v14 =	vadd.f32 v14, v16  }
0x21d: {  	v53 =	vld.idx.msk [tilespmem:v10+s21+$0xC0 ss:$0x1], $0xffff;
	v44 =	vmul.f32 v44, v8;
	v47 =	vmul.f32 v47, v9;
	v29 =	vadd.f32 v29, v34  }
0x21e: {  	v33 =	vmul.f32 v33, v7;
	v54 =	vld.idx.msk [tilespmem:v10+s21+$0x40 ss:$0x1], $0xffff;
	v36 =	vadd.f32 v36, v41;
	v42 =	vadd.f32 v42, v46  }
0x21f: {  	v55 =	vld.idx.msk [tilespmem:v10+s21+$0xD0 ss:$0x1], $0xffff;
	v48 =	vmul.f32 v61, v7;
	v57 =	vmul.f32 v62, v7;
	v56 =	vadd.f32 v44, v47  }
0x220: {  	v58 =	vld.idx.msk [tilespmem:v10+s21+$0x50 ss:$0x1], $0xffff;
	v33 =	vadd.f32 v33, v40;
	v37 =	vmul.f32 v63, v6;
	v0 =	vadd.f32 v0, v36  }
0x221: {  	v59 =	vld.idx.msk [tilespmem:v10+s21+$0xE0 ss:$0x1], $0xffff;
	v61 =	vmul.f32 v52, v6;
	v42 =	vadd.f32 v48, v42;
	v60 =	vadd.f32 v57, v56  }
0x222: {  	v62 =	vld.idx.msk [tilespmem:v10+s21+$0x60 ss:$0x1], $0xffff;
	v63 =	vmul.f32 v53, v5;
	v33 =	vadd.f32 v35, v33;
	v21 =	vadd.f32 v21, v29  }
0x223: {  	v34 =	vmul.f32 v54, v5;
	v47 =	vld.idx.msk [tilespmem:v10+s21+$0xF0 ss:$0x1], $0xffff;
	v37 =	vadd.f32 v37, v42;
	v36 =	vadd.f32 v61, v60  }
0x224: {  	v40 =	vmul.f32 v55, v4;
	v48 =	vld.idx.msk [tilespmem:v10+s21+$0x70 ss:$0x1], $0xffff;
	v0 =	vadd.f32 v38, v0;
	v33 =	vadd.f32 v39, v33  }
0x225: {  	v51 =	vmul.f32 v58, v4;
	v52 =	vadd.f32 v63, v37;
	v50 =	vadd.f32 v34, v36  }
0x226: {  	v53 =	vld.idx.msk [tilespmem:v10+s21+$0x270 ss:$0x1], $0xffff;
	v35 =	vmul.f32 v59, v3;
	v0 =	vadd.f32 v31, v0;
	v49 =	vadd.f32 v32, v33  }
0x227: {  	v55 =	vmul.f32 v62, v3;
	v56 =	vadd.f32 v40, v52;
	v54 =	vadd.f32 v51, v50  }
0x228: {  	v57 =	vmul.f32 v47, v2;
	v0 =	vadd.f32 v28, v0;
	v26 =	vadd.f32 v26, v49  }
0x229: {  	(xrf2) =	vadd.scan.msk.f32 $0xffff, v12;
	v60 =	vmul.f32 v48, v2;
	v61 =	vadd.f32 v35, v56;
	v59 =	vadd.f32 v55, v54  }
0x22a: {  	v25 =	vsel vm0, v27, v25;
	v62 =	vld.idx.msk [tilespmem:v10+s21+$0x4F0 ss:$0x1], $0xffff;
	v0 =	vadd.f32 v22, v0;
	v58 =	vadd.f32 v23, v26  }
0x22b: {  	v37 =	vld.idx.msk [tilespmem:v10+s21+$0x470 ss:$0x1], $0xffff;
	v40 =	vmul.f32 v53, v2;
	v38 =	vadd.f32 v57, v61;
	v12 =	vadd.f32 v60, v59  }
0x22c: {  	v18 =	vadd.f32 v18, v30;
	v63 =	vperm.xlane v0, v1;
	v36 =	vperm.xlane v58, v1  }
0x22d: {  	v44 =	vld.idx.msk [tilespmem:v10+s21+$0x6F0 ss:$0x1], $0xffff;
	v45 =	vadd.f32 v40, v21;
	v43 =	vperm.xlane v38, v1;
	v42 =	vperm.xlane v12, v1  }
0x22e: {  	(xrf2) =	vadd.scan.msk.f32 $0xffff, v19;
	v41 =	vld.idx.msk [tilespmem:v10+s21+$0x660 ss:$0x1], $0xffff;
	v0 =	vadd.f32 v0, v63;
	v39 =	vadd.f32 v58, v36  }
0x22f: {  	(xrf2) =	vadd.scan.msk.f32 $0xffff, v25;
	v46 =	vadd.f32 v38, v43;
	v12 =	vadd.f32 v12, v42  }
0x230: {  	v10 =	vld.idx.msk [tilespmem:v10+s21+$0x670 ss:$0x1], $0xffff;
	v47 =	vmul.f32 v62, v2;
	v48 =	vmul.f32 v37, v2;
	v0 =	vsel vm0, v0, v39  }
0x231: {  	v50 =	vperm.xlane v18, v1;
	v49 =	vperm.xlane v45, v1;
	(xrf2) =	vadd.scan.msk.f32 $0xffff, v0;
	v0 =	vsel vm0, v12, v46  }
0x232: {  	v53 =	vmul.f32 v44, v2;
	v13 =	vadd.f32 v47, v13;
	v14 =	vadd.f32 v48, v14;
	(xrf2) =	vadd.scan.msk.f32 $0xffff, v0  }
0x233: {  	v51 =	vmul.f32 v41, v3;
	v52 =	vadd.f32 v18, v50;
	v0 =	vadd.f32 v45, v49  }
0x234: {  	v11 =	vadd.f32 v11, v15;
	v55 =	vperm.xlane v13, v1;
	v54 =	vperm.xlane v14, v1  }
0x235: {  	v16 =	vadd.f32 v51, v17;
	v10 =	vmul.f32 v10, v2;
	v0 =	vsel vm0, v0, v52  }
0x236: {  	v56 =	vadd.f32 v13, v55;
	(xrf2) =	vadd.scan.msk.f32 $0xffff, v0;
	v0 =	vadd.f32 v14, v54  }
0x237: {  	v11 =	vadd.f32 v53, v11;
	v10 =	vadd.f32 v10, v16  }
0x238: {  	v57, _, _ =	vpop (xrf2);
	v0 =	vsel vm0, v0, v56  }
0x239: {  	v58, _, _ =	vpop (xrf2);
	v60 =	vperm.xlane v11, v1;
	v59 =	vperm.xlane v10, v1  }
0x23a: {  	v61, _, _ =	vpop (xrf2);
	(xrf2) =	vadd.scan.msk.f32 $0xffff, v0  }
0x23b: {  	v11 =	vadd.f32 v11, v60;
	v10 =	vadd.f32 v10, v59;
	v0, _, _ =	vpop (xrf2)  }
0x23c: {  	v62, _, _ =	vpop (xrf2)  }
0x23d: {  	v10 =	vsel vm0, v10, v11;
	(v2sf) =	vpush v62, $0x7  }
0x23e: {  	(xrf2) =	vadd.scan.msk.f32 $0xffff, v10;
	(v2sf) =	vpush v62, $0xF  }
0x23f: {  	(v2sf) =	vpush v0, $0x7  }
0x240: {  	v10, _, _ =	vpop (xrf2);
	(v2sf) =	vpush v0, $0xF  }
0x241: {  	(v2sf) =	vpush v10, $0x7  }
0x242: {  	(v2sf) =	vpush v10, $0xF  }
0x243: {  	(v2sf) =	vpush v61, $0x7  }
0x244: {  	v11, _, _ =	vpop (xrf2);
	(v2sf) =	vpush v61, $0xF  }
0x245: {  	(v2sf) =	vpush v11, $0x7  }
0x246: {  	(v2sf) =	vpush v11, $0xF  }
0x247: {  	(v2sf) =	vpush v58, $0x7  }
0x248: {  	v63, _, _ =	vpop (xrf2);
	(v2sf) =	vpush v58, $0xF  }
0x249: {  	(v2sf) =	vpush v63, $0x7  }
0x24a: {  	(v2sf) =	vpush v63, $0xF  }
0x24b: {  	(v2sf) =	vpush v57, $0x7  }
0x24c: {  	s30 =	spop (v2sf);
	(v2sf) =	vpush v57, $0xF  }
0x24d: {  	s23 =	spop (v2sf)  }
0x24e: {  	v53 =	vlaneseq.u32;
	v12 =	vbroadcast v62, $0x7;
	s21 =	ssub.f32 s23, s30;
	s31 =	spop (v2sf)  }
0x24f: {  	vm8 =	veq.s32 v53, $0x1;
	v0 =	vbroadcast v0, $0x7;
	s24 =	spop (v2sf)  }
0x250: {  	v12 =	vsel vm8, s21, v12;
	s25 =	ssub.f32 s24, s31;
	s26 =	spop (v2sf)  }
0x251: {  	v10 =	vbroadcast v10, $0x7;
	vm8 =	veq.s32 v53, $0x3;
	v0 =	vsel vm1, v0, v12;
	s28 =	spop (v2sf)  }
0x252: {  	v0 =	vsel vm8, s25, v0;
	s29 =	ssub.f32 s28, s26;
	s30 =	spop (v2sf)  }
0x253: {  	vm8 =	veq.s32 v53, $0x5;
	v0 =	vsel vm2, v10, v0;
	v10 =	vbroadcast v61, $0x7;
	s31 =	spop (v2sf)  }
0x254: {  	v0 =	vsel vm8, s29, v0;
	s25 =	ssub.f32 s31, s30;
	s26 =	spop (v2sf)  }
0x255: {  	vm8 =	veq.s32 v53, $0x7;
	v0 =	vsel vm3, v10, v0;
	v10 =	vbroadcast v11, $0x7;
	s28 =	spop (v2sf)  }
0x256: {  	v0 =	vsel vm8, s25, v0;
	s29 =	ssub.f32 s28, s26;
	s30 =	spop (v2sf)  }
0x257: {  	vm8 =	veq.s32 v53, $0x9;
	v0 =	vsel vm4, v10, v0;
	v10 =	vbroadcast v58, $0x7;
	s31 =	spop (v2sf)  }
0x258: {  	v0 =	vsel vm8, s29, v0;
	s23 =	ssub.f32 s31, s30;
	s24 =	spop (v2sf)  }
0x259: {  	s20 =	sadd.s32 $0x1, s20;
	vm8 =	veq.s32 v53, $0xB;
	v0 =	vsel vm5, v10, v0;
	v10 =	vbroadcast v63, $0x7;
	s25 =	spop (v2sf)  }
0x25a: {  	p1 =	sne.s32 s20, $0xD;
	v0 =	vsel vm8, s23, v0;
	s26 =	ssub.f32 s25, s24;
	s28 =	spop (v2sf)  }
.Ltmp3:
0x25b: {  	vm8 =	veq.s32 v53, $0xD;
	v0 =	vsel vm6, v10, v0;
	v10 =	vbroadcast v57, $0x7;
	s29 =	spop (v2sf);
	(pc) =	sbr.rel @p1 .LBB2_2-.Ltmp3, $4  }
0x25c: {  	v0 =	vsel vm8, s26, v0;
	s30 =	ssub.f32 s29, s28  }
0x25d: {  	vm8 =	veq.s32 v53, $0xF;
	v0 =	vsel vm7, v10, v0  }
0x25e: {  	s31 =	sadd.s32 $0x10, s22;
	v0 =	vsel vm8, s30, v0  }
0x25f: {  	s19 =	sadd.s32 $0xF0, s19;
	s18 =	sadd.s32 $0x7800, s18;
	[tilespmem:s31+$0x0] =	vst v0  }
.Ltmp4:
0x260: {  	(pc) =	sbr.rel @p0 .LBB2_7-.Ltmp4, $1  }
0x261: {  	_ =	sdelay $0x3  }
0x262: {  	[tilespmem:s4], [sflag:$0x4] =	stream.linear.gather [hbm4b:s8+s4], $0x800, $0x38;
	[tilespmem:$0x17500] =	vst v63  }
0x263: {  	_ =	swait.ge [sflag:s14], $0x800  }
0x264: {  	[sflag:s14] =	ssyncset.done $0x0  }
0x265: {  	[sflag:s14] =	ssyncadd.s32 $0xFFFFF800  }
0x266: {  	v0 =	vld [tilespmem:$0x0]  }
0x267: {  	v10 =	vld [tilespmem:$0x10]  }
0x268: {  	v12 =	vld [tilespmem:$0x20]  }
0x269: {  	v13 =	vld [tilespmem:$0x30]  }
0x26a: {  	v14 =	vld [tilespmem:$0x40]  }
0x26b: {  	v15 =	vld [tilespmem:$0x50]  }
0x26c: {  	v16 =	vld [tilespmem:$0x60]  }
0x26d: {  	v17 =	vld [tilespmem:$0x70]  }
0x26e: {  	v18 =	vld [tilespmem:$0x80]  }
0x26f: {  	v19 =	vld [tilespmem:$0x90]  }
0x270: {  	v20 =	vld [tilespmem:$0xA0]  }
0x271: {  	v21 =	vld [tilespmem:$0xB0]  }
0x272: {  	v22 =	vld [tilespmem:$0xC0]  }
0x273: {  	v23 =	vld [tilespmem:$0xD0]  }
0x274: {  	v24 =	vld [tilespmem:$0xE0]  }
0x275: {  	v25 =	vld [tilespmem:$0xF0]  }
0x276: {  	v26 =	vld [tilespmem:$0x100]  }
0x277: {  	v27 =	vld [tilespmem:$0x110]  }
0x278: {  	v28 =	vld [tilespmem:$0x120]  }
0x279: {  	v29 =	vld [tilespmem:$0x130]  }
0x27a: {  	v30 =	vld [tilespmem:$0x140]  }
0x27b: {  	v31 =	vld [tilespmem:$0x150]  }
0x27c: {  	v32 =	vld [tilespmem:$0x160]  }
0x27d: {  	v33 =	vld [tilespmem:$0x170]  }
0x27e: {  	v34 =	vld [tilespmem:$0x180]  }
0x27f: {  	v35 =	vld [tilespmem:$0x190]  }
0x280: {  	v36 =	vld [tilespmem:$0x1A0]  }
0x281: {  	v37 =	vld [tilespmem:$0x1B0]  }
0x282: {  	v38 =	vld [tilespmem:$0x1C0]  }
0x283: {  	v39 =	vld [tilespmem:$0x1D0]  }
0x284: {  	v40 =	vld [tilespmem:$0x1E0]  }
0x285: {  	v41 =	vld [tilespmem:$0x1F0]  }
0x286: {  	v42 =	vld [tilespmem:$0x200]  }
0x287: {  	v43 =	vld [tilespmem:$0x210]  }
0x288: {  	v44 =	vld [tilespmem:$0x220]  }
0x289: {  	v45 =	vld [tilespmem:$0x230]  }
0x28a: {  	v46 =	vld [tilespmem:$0x240]  }
0x28b: {  	v47 =	vld [tilespmem:$0x250]  }
0x28c: {  	v48 =	vld [tilespmem:$0x260]  }
0x28d: {  	v11 =	vld [tilespmem:$0x270]  }
0x28e: {  	v49 =	vld [tilespmem:$0x280];
	v0 =	vmul.f32 v0, v9  }
0x28f: {  	v50 =	vld [tilespmem:$0x290];
	v10 =	vmul.f32 v10, v8;
	v18 =	vmul.f32 v18, v9  }
0x290: {  	v51 =	vld [tilespmem:$0x2A0];
	v19 =	vmul.f32 v19, v8;
	v57 =	vmul.f32 v12, v7  }
0x291: {  	v52 =	vld [tilespmem:$0x2D0];
	v58 =	vmul.f32 v20, v7;
	v59 =	vmul.f32 v13, v6  }
0x292: {  	v12 =	vld [tilespmem:$0x2B0];
	v61 =	vmul.f32 v21, v6;
	v62 =	vmul.f32 v14, v5  }
0x293: {  	v20 =	vld [tilespmem:$0x2C0];
	v63 =	vmul.f32 v22, v5;
	v54 =	vmul.f32 v15, v4  }
0x294: {  	v14 =	vld [tilespmem:$0x2F0];
	v55 =	vmul.f32 v23, v4;
	v56 =	vmul.f32 v16, v3  }
0x295: {  	v21 =	vld [tilespmem:$0x300];
	v31 =	vmul.f32 v31, v4;
	v42 =	vmul.f32 v42, v9  }
0x296: {  	v15 =	vld [tilespmem:$0x310];
	v43 =	vmul.f32 v43, v8;
	v49 =	vmul.f32 v49, v9  }
0x297: {  	v22 =	vld [tilespmem:$0x320];
	v50 =	vmul.f32 v50, v8;
	v0 =	vadd.f32 v10, v0;
	v18 =	vadd.f32 v19, v18  }
0x298: {  	v32 =	vmul.f32 v32, v3;
	v40 =	vmul.f32 v40, v3;
	v19 =	vld [tilespmem:$0x2E0]  }
0x299: {  	v0 =	vadd.f32 v57, v0;
	v60 =	vadd.f32 v58, v18;
	v57 =	vmul.f32 v17, v2;
	v17 =	vld [tilespmem:$0x330]  }
0x29a: {  	v33 =	vmul.f32 v33, v2;
	v58 =	vmul.f32 v24, v3;
	v24 =	vld [tilespmem:$0x340]  }
0x29b: {  	v21 =	vmul.f32 v21, v9;
	v13 =	vadd.f32 v61, v60;
	v60 =	vmul.f32 v26, v9;
	v26 =	vld [tilespmem:$0x350]  }
0x29c: {  	v15 =	vmul.f32 v15, v8;
	v61 =	vmul.f32 v27, v8;
	v27 =	vld [tilespmem:$0x380]  }
0x29d: {  	v0 =	vadd.f32 v59, v0;
	v59 =	vmul.f32 v25, v2;
	v25 =	vadd.f32 v43, v42;
	v42 =	vld [tilespmem:$0x410]  }
0x29e: {  	v41 =	vmul.f32 v41, v2;
	v11 =	vmul.f32 v11, v2;
	v43 =	vld [tilespmem:$0x420]  }
0x29f: {  	v12 =	vmul.f32 v12, v6;
	v14 =	vmul.f32 v14, v2;
	v15 =	vadd.f32 v15, v21;
	v21 =	vld [tilespmem:$0x510]  }
0x2a0: {  	v0 =	vadd.f32 v62, v0;
	v13 =	vadd.f32 v63, v13;
	v63 =	vmul.f32 v35, v8;
	v35 =	vld [tilespmem:$0x360]  }
0x2a1: {  	v62 =	vmul.f32 v34, v9;
	v10 =	vadd.f32 v61, v60;
	v61 =	vmul.f32 v30, v5;
	v30 =	vld [tilespmem:$0x3C0]  }
0x2a2: {  	v60 =	vmul.f32 v37, v6;
	v34 =	vld [tilespmem:$0x3D0];
	v17 =	vmul.f32 v17, v6  }
0x2a3: {  	v37 =	vld [tilespmem:$0x3F0];
	v0 =	vadd.f32 v54, v0;
	v13 =	vadd.f32 v55, v13;
	v54 =	vmul.f32 v28, v7  }
0x2a4: {  	v55 =	vadd.f32 v63, v62;
	v28 =	vld [tilespmem:$0x3B0];
	v62 =	vmul.f32 v38, v5;
	v63 =	vmul.f32 v39, v4  }
0x2a5: {  	v39 =	vld [tilespmem:$0x400];
	v0 =	vadd.f32 v56, v0;
	v18 =	vadd.f32 v58, v13;
	v56 =	vmul.f32 v36, v7  }
0x2a6: {  	v38 =	vld [tilespmem:$0x440];
	v10 =	vadd.f32 v54, v10;
	v58 =	vmul.f32 v29, v6;
	v54 =	vmul.f32 v44, v7  }
0x2a7: {  	v13 =	vld [tilespmem:$0x370];
	v44 =	vmul.f32 v42, v8;
	v21 =	vmul.f32 v21, v8  }
0x2a8: {  	v29 =	vld [tilespmem:$0x390];
	v37 =	vmul.f32 v37, v2;
	v0 =	vadd.f32 v57, v0;
	v18 =	vadd.f32 v59, v18  }
0x2a9: {  	v36 =	vld [tilespmem:$0x3A0];
	v23 =	vadd.f32 v56, v55;
	v10 =	vadd.f32 v58, v10;
	v55 =	vmul.f32 v51, v7  }
0x2aa: {  	v42 =	vld [tilespmem:$0x610];
	v25 =	vadd.f32 v54, v25;
	v56 =	vmul.f32 v45, v6;
	v58 =	vmul.f32 v20, v5  }
0x2ab: {  	v45 =	vld [tilespmem:$0x490];
	v57 =	vperm.xlane v0, v1;
	v59 =	vperm.xlane v18, v1;
	v23 =	vadd.f32 v60, v23  }
0x2ac: {  	v20 =	vld [tilespmem:$0x460];
	v16 =	vadd.f32 v61, v10;
	v25 =	vadd.f32 v56, v25;
	v60 =	vmul.f32 v52, v4  }
0x2ad: {  	v52 =	vmul.f32 v22, v7;
	v22 =	vld [tilespmem:$0x4F0];
	v0 =	vadd.f32 v0, v57;
	v18 =	vadd.f32 v18, v59  }
0x2ae: {  	v13 =	vmul.f32 v13, v2;
	v16 =	vadd.f32 v31, v16;
	v57 =	vmul.f32 v46, v5;
	v31 =	vld [tilespmem:$0x4B0]  }
0x2af: {  	v59 =	vmul.f32 v47, v4;
	v10 =	vsel vm0, v0, v18;
	v0 =	vadd.f32 v62, v23;
	v23 =	vld [tilespmem:$0x3E0]  }
0x2b0: {  	v47 =	vmul.f32 v45, v8;
	v18 =	vadd.f32 v50, v49;
	v16 =	vadd.f32 v32, v16;
	v32 =	vld [tilespmem:$0x430]  }
0x2b1: {  	v15 =	vadd.f32 v52, v15;
	v62 =	vmul.f32 v48, v3;
	v48 =	vmul.f32 v19, v3;
	v19 =	vld [tilespmem:$0x4A0]  }
0x2b2: {  	v25 =	vadd.f32 v57, v25;
	v50 =	vmul.f32 v29, v8;
	v29 =	vld [tilespmem:$0x4E0];
	v18 =	vadd.f32 v55, v18  }
0x2b3: {  	v49 =	vmul.f32 v27, v9;
	v57 =	vmul.f32 v28, v6;
	v28 =	vld [tilespmem:$0x520];
	v0 =	vadd.f32 v63, v0  }
0x2b4: {  	v27 =	vld [tilespmem:$0x550];
	v22 =	vmul.f32 v22, v2;
	v16 =	vadd.f32 v33, v16;
	v12 =	vadd.f32 v12, v18  }
0x2b5: {  	v33 =	vld [tilespmem:$0x470];
	v25 =	vadd.f32 v59, v25;
	v55 =	vmul.f32 v36, v7;
	v59 =	vmul.f32 v30, v5  }
0x2b6: {  	v36 =	vld [tilespmem:$0x500];
	v0 =	vadd.f32 v40, v0;
	v61 =	vperm.xlane v16, v1;
	v12 =	vadd.f32 v58, v12  }
0x2b7: {  	v30 =	vld [tilespmem:$0x560];
	v25 =	vadd.f32 v62, v25;
	v62 =	vmul.f32 v34, v4;
	v23 =	vmul.f32 v23, v3  }
0x2b8: {  	v18 =	vld [tilespmem:$0x4C0];
	v19 =	vmul.f32 v19, v7;
	v0 =	vadd.f32 v41, v0;
	v12 =	vadd.f32 v60, v12  }
0x2b9: {  	v40 =	vld [tilespmem:$0x450];
	v52 =	vmul.f32 v32, v6;
	v16 =	vadd.f32 v16, v61;
	v11 =	vadd.f32 v11, v25  }
0x2ba: {  	v41 =	vld [tilespmem:$0x480];
	v58 =	vmul.f32 v24, v5;
	v61 =	vmul.f32 v35, v3;
	v12 =	vadd.f32 v48, v12  }
0x2bb: {  	v25 =	vld [tilespmem:$0x4D0];
	v45 =	vmul.f32 v36, v9;
	v33 =	vmul.f32 v33, v2  }
0x2bc: {  	v24 =	vld [tilespmem:$0x540];
	v63 =	vperm.xlane v0, v1;
	v51 =	vperm.xlane v11, v1;
	v12 =	vadd.f32 v14, v12  }
0x2bd: {  	v35 =	vld [tilespmem:$0x570];
	v60 =	vmul.f32 v26, v4;
	v18 =	vmul.f32 v18, v5  }
0x2be: {  	v0 =	vadd.f32 v0, v63;
	v11 =	vadd.f32 v11, v51;
	v48 =	vld [tilespmem:$0x580];
	v54 =	vperm.xlane v12, v1  }
0x2bf: {  	v63 =	vmul.f32 v39, v9;
	v46 =	vmul.f32 v41, v9;
	v14 =	vadd.f32 v50, v49;
	v50 =	vld [tilespmem:$0x590]  }
0x2c0: {  	v49 =	vmul.f32 v43, v7;
	v56 =	vadd.f32 v12, v54;
	v12 =	vsel vm0, v16, v0;
	v16 =	vld [tilespmem:$0x530]  }
0x2c1: {  	v43 =	vmul.f32 v29, v3;
	v14 =	vadd.f32 v55, v14;
	v55 =	vmul.f32 v31, v6;
	v54 =	vld [tilespmem:$0x5B0]  }
0x2c2: {  	v0 =	vadd.f32 v17, v15;
	v15 =	vadd.f32 v44, v63;
	v63 =	vmul.f32 v25, v4;
	v25 =	vld [tilespmem:$0x600]  }
0x2c3: {  	v14 =	vadd.f32 v57, v14;
	v17 =	vadd.f32 v47, v46;
	v44 =	vld [tilespmem:$0x620];
	v46 =	vmul.f32 v48, v9  }
0x2c4: {  	v47 =	vmul.f32 v28, v7;
	v28 =	vld [tilespmem:$0x650];
	v34 =	vmul.f32 v50, v8;
	v0 =	vadd.f32 v58, v0  }
0x2c5: {  	v36 =	vld [tilespmem:$0x630];
	v11 =	vsel vm0, v11, v56;
	v14 =	vadd.f32 v59, v14;
	v15 =	vadd.f32 v49, v15  }
0x2c6: {  	v51 =	vld [tilespmem:$0x5A0];
	v17 =	vadd.f32 v19, v17;
	v58 =	vmul.f32 v38, v5;
	v0 =	vadd.f32 v60, v0  }
0x2c7: {  	v31 =	vld [tilespmem:$0x750];
	v14 =	vadd.f32 v62, v14;
	v57 =	vadd.f32 v52, v15;
	v16 =	vmul.f32 v16, v6  }
0x2c8: {  	v56 =	vld [tilespmem:$0x5C0];
	v17 =	vadd.f32 v55, v17;
	v48 =	vmul.f32 v54, v6;
	v39 =	vmul.f32 v25, v9  }
0x2c9: {  	v59 =	vld [tilespmem:$0x5D0];
	v15 =	vadd.f32 v21, v45;
	v44 =	vmul.f32 v44, v7;
	v28 =	vmul.f32 v28, v4  }
0x2ca: {  	v38 =	vld [tilespmem:$0x5F0];
	v0 =	vadd.f32 v61, v0;
	v14 =	vadd.f32 v23, v14;
	v61 =	vmul.f32 v40, v4  }
0x2cb: {  	v19 =	vld [tilespmem:$0x5E0];
	v17 =	vadd.f32 v18, v17;
	v40 =	vmul.f32 v20, v3;
	v18 =	vadd.f32 v34, v46  }
0x2cc: {  	v49 =	vld [tilespmem:$0x680];
	v23 =	vmul.f32 v51, v7;
	v15 =	vadd.f32 v47, v15;
	v51 =	vmul.f32 v24, v5  }
0x2cd: {  	v52 =	vld [tilespmem:$0x690];
	v20 =	vmul.f32 v42, v8;
	v55 =	vmul.f32 v56, v5;
	v0 =	vadd.f32 v13, v0  }
0x2ce: {  	v21 =	vld [tilespmem:$0x670];
	v59 =	vmul.f32 v59, v4;
	v14 =	vadd.f32 v37, v14;
	v13 =	vadd.f32 v58, v57  }
0x2cf: {  	v42 =	vld [tilespmem:$0x700];
	v46 =	vmul.f32 v38, v2;
	v17 =	vadd.f32 v63, v17;
	v18 =	vadd.f32 v23, v18  }
0x2d0: {  	v45 =	vld [tilespmem:$0x710];
	v15 =	vadd.f32 v16, v15;
	v57 =	vmul.f32 v27, v4;
	v60 =	vperm.xlane v0, v1  }
0x2d1: {  	v56 =	vld [tilespmem:$0x6A0];
	v62 =	vperm.xlane v14, v1;
	v13 =	vadd.f32 v61, v13;
	v17 =	vadd.f32 v43, v17  }
0x2d2: {  	v58 =	vld [tilespmem:$0x6B0];
	v41 =	vmul.f32 v52, v8;
	v18 =	vadd.f32 v48, v18;
	v15 =	vadd.f32 v51, v15  }
0x2d3: {  	v63 =	vld [tilespmem:$0x6D0];
	v43 =	vmul.f32 v35, v2;
	v0 =	vadd.f32 v0, v60;
	v14 =	vadd.f32 v14, v62  }
0x2d4: {  	v34 =	vld [tilespmem:$0x660];
	v24 =	vmul.f32 v42, v9;
	v13 =	vadd.f32 v40, v13;
	v17 =	vadd.f32 v22, v17  }
0x2d5: {  	v37 =	vld [tilespmem:$0x640];
	v18 =	vadd.f32 v55, v18;
	v62 =	vmul.f32 v30, v3;
	v40 =	vmul.f32 v49, v9  }
0x2d6: {  	v52 =	vld [tilespmem:$0x720];
	v47 =	vmul.f32 v56, v7;
	v49 =	vmul.f32 v36, v6;
	v13 =	vadd.f32 v33, v13  }
0x2d7: {  	v48 =	vld [tilespmem:$0x780];
	v61 =	vadd.f32 v57, v15;
	v51 =	vmul.f32 v58, v6;
	v58 =	vmul.f32 v45, v8  }
0x2d8: {  	v42 =	vld [tilespmem:$0x770];
	v15 =	vadd.f32 v20, v39;
	v16 =	vmul.f32 v63, v4;
	v50 =	vperm.xlane v13, v1  }
0x2d9: {  	v60 =	vld [tilespmem:$0x6C0];
	v54 =	vperm.xlane v17, v1;
	v0 =	vsel vm0, v0, v14;
	v32 =	vadd.f32 v59, v18  }
0x2da: {  	v33 =	vmul.f32 v19, v3;
	v15 =	vadd.f32 v44, v15;
	v13 =	vadd.f32 v13, v50;
	v50 =	vld [tilespmem:$0x790]  }
0x2db: {  	v55 =	vld [tilespmem:$0x7A0];
	v14 =	vadd.f32 v62, v61;
	v18 =	vadd.f32 v41, v40;
	v63 =	vmul.f32 v52, v7  }
0x2dc: {  	v22 =	vld [tilespmem:$0x6F0];
	v17 =	vadd.f32 v17, v54;
	v15 =	vadd.f32 v49, v15;
	v54 =	vmul.f32 v37, v5  }
0x2dd: {  	v57 =	vld [tilespmem:$0x730];
	v59 =	vmul.f32 v48, v9;
	v20 =	vadd.f32 v58, v24;
	v9 =	vmul.f32 v31, v4  }
0x2de: {  	v14 =	vadd.f32 v43, v14;
	v56 =	vmul.f32 v60, v5;
	v60 =	vld [tilespmem:$0x7B0];
	v15 =	vadd.f32 v54, v15  }
0x2df: {  	v19 =	vld [tilespmem:$0x6E0];
	v18 =	vadd.f32 v47, v18;
	v43 =	vmul.f32 v21, v2;
	v61 =	vmul.f32 v50, v8  }
0x2e0: {  	v52 =	vmul.f32 v42, v2;
	v30 =	vmul.f32 v55, v7;
	v15 =	vadd.f32 v28, v15;
	v28 =	vld [tilespmem:$0x7C0]  }
0x2e1: {  	v62 =	vld [tilespmem:$0x740];
	v47 =	vmul.f32 v22, v2;
	v18 =	vadd.f32 v51, v18;
	v8 =	vadd.f32 v61, v59  }
0x2e2: {  	v13 =	vsel vm0, v13, v17;
	v17 =	vadd.f32 v33, v32;
	v32 =	vmul.f32 v34, v3;
	v34 =	vld [tilespmem:$0x7D0]  }
0x2e3: {  	(xrf2) =	vadd.scan.msk.f32 $0xffff, v10;
	v37 =	vld [tilespmem:$0x760];
	v49 =	vperm.xlane v14, v1;
	v36 =	vmul.f32 v60, v6;
	v7 =	vadd.f32 v30, v8  }
0x2e4: {  	(xrf2) =	vadd.scan.msk.f32 $0xffff, v12;
	v40 =	vld [tilespmem:$0x7E0];
	v20 =	vadd.f32 v63, v20;
	v35 =	vmul.f32 v19, v3;
	v33 =	vmul.f32 v57, v6  }
0x2e5: {  	(xrf2) =	vadd.scan.msk.f32 $0xffff, v11;
	v45 =	vld [tilespmem:$0x7F0];
	v18 =	vadd.f32 v56, v18;
	v41 =	vmul.f32 v28, v5;
	v6 =	vadd.f32 v36, v7  }
0x2e6: {  	(xrf2) =	vadd.scan.msk.f32 $0xffff, v0;
	v39 =	vmul.f32 v62, v5;
	v0 =	vadd.f32 v14, v49;
	v38 =	vadd.f32 v33, v20  }
0x2e7: {  	v17 =	vadd.f32 v46, v17;
	v46 =	vmul.f32 v34, v4;
	v5 =	vadd.f32 v41, v6  }
0x2e8: {  	v48 =	vmul.f32 v37, v3;
	v16 =	vadd.f32 v16, v18;
	v44 =	vadd.f32 v39, v38  }
0x2e9: {  	v3 =	vmul.f32 v40, v3;
	v15 =	vadd.f32 v32, v15;
	v4 =	vadd.f32 v46, v5  }
0x2ea: {  	v2 =	vmul.f32 v45, v2;
	v9 =	vadd.f32 v9, v44;
	v8 =	vadd.f32 v35, v16  }
0x2eb: {  	v10 =	vadd.f32 v43, v15;
	v51 =	vperm.xlane v17, v1;
	v3 =	vadd.f32 v3, v4  }
0x2ec: {  	v50 =	vadd.f32 v48, v9;
	v6 =	vadd.f32 v47, v8  }
0x2ed: {  	v54 =	vadd.f32 v17, v51;
	v2 =	vadd.f32 v2, v3  }
0x2ee: {  	v55 =	vperm.xlane v10, v1;
	v56 =	vperm.xlane v6, v1;
	v4 =	vadd.f32 v52, v50  }
0x2ef: {  	(xrf2) =	vadd.scan.msk.f32 $0xffff, v13;
	v0 =	vsel vm0, v0, v54;
	v59 =	vperm.xlane v2, v1  }
0x2f0: {  	v6 =	vadd.f32 v6, v56;
	v3 =	vadd.f32 v10, v55;
	v58 =	vperm.xlane v4, v1  }
0x2f1: {  	v57, _, _ =	vpop (xrf2);
	(xrf2) =	vadd.scan.msk.f32 $0xffff, v0;
	v2 =	vadd.f32 v2, v59  }
0x2f2: {  	(v2sf) =	vpush v57, $0x7;
	v0 =	vsel vm0, v3, v6;
	v3 =	vadd.f32 v4, v58  }
0x2f3: {  	(v2sf) =	vpush v57, $0xF;
	v60, _, _ =	vpop (xrf2);
	(xrf2) =	vadd.scan.msk.f32 $0xffff, v0  }
0x2f4: {  	(v2sf) =	vpush v60, $0x7;
	v0 =	vsel vm0, v3, v2  }
0x2f5: {  	(v2sf) =	vpush v60, $0xF;
	v2, _, _ =	vpop (xrf2);
	(xrf2) =	vadd.scan.msk.f32 $0xffff, v0  }
0x2f6: {  	(v2sf) =	vpush v2, $0x7  }
0x2f7: {  	v0, _, _ =	vpop (xrf2);
	(v2sf) =	vpush v2, $0xF  }
0x2f8: {  	(v2sf) =	vpush v0, $0x7  }
0x2f9: {  	v3, _, _ =	vpop (xrf2);
	(v2sf) =	vpush v0, $0xF  }
0x2fa: {  	(v2sf) =	vpush v3, $0x7  }
0x2fb: {  	v61, _, _ =	vpop (xrf2);
	(v2sf) =	vpush v3, $0xF  }
0x2fc: {  	(v2sf) =	vpush v61, $0x7  }
0x2fd: {  	v62, _, _ =	vpop (xrf2);
	(v2sf) =	vpush v61, $0xF  }
0x2fe: {  	(v2sf) =	vpush v62, $0x7  }
0x2ff: {  	(v2sf) =	vpush v62, $0xF;
	v63, _, _ =	vpop (xrf2)  }
0x300: {  	(v2sf) =	vpush v63, $0x7  }
0x301: {  	s18 =	spop (v2sf);
	(v2sf) =	vpush v63, $0xF  }
0x302: {  	s19 =	spop (v2sf)  }
0x303: {  	v5 =	vbroadcast v57, $0x7;
	s20 =	spop (v2sf);
	s18 =	ssub.f32 s19, s18  }
0x304: {  	vm8 =	veq.s32 v53, $0x1;
	s28 =	spop (v2sf);
	v4 =	vbroadcast v60, $0x7  }
0x305: {  	v5 =	vsel vm8, s18, v5;
	s19 =	ssub.f32 s28, s20;
	s29 =	spop (v2sf)  }
0x306: {  	vm8 =	veq.s32 v53, $0x3;
	v4 =	vsel vm1, v4, v5;
	v2 =	vbroadcast v2, $0x7;
	s30 =	spop (v2sf)  }
0x307: {  	v4 =	vsel vm8, s19, v4;
	s31 =	spop (v2sf);
	s18 =	ssub.f32 s30, s29  }
0x308: {  	vm8 =	veq.s32 v53, $0x5;
	v2 =	vsel vm2, v2, v4;
	v0 =	vbroadcast v0, $0x7;
	s21 =	spop (v2sf)  }
0x309: {  	v2 =	vsel vm8, s18, v2;
	s22 =	spop (v2sf);
	s19 =	ssub.f32 s21, s31  }
0x30a: {  	vm8 =	veq.s32 v53, $0x7;
	s23 =	spop (v2sf);
	v0 =	vsel vm3, v0, v2;
	v2 =	vbroadcast v3, $0x7  }
0x30b: {  	v0 =	vsel vm8, s19, v0;
	s24 =	spop (v2sf);
	s18 =	ssub.f32 s23, s22  }
0x30c: {  	vm8 =	veq.s32 v53, $0x9;
	s25 =	spop (v2sf);
	v0 =	vsel vm4, v2, v0;
	v2 =	vbroadcast v61, $0x7  }
0x30d: {  	v0 =	vsel vm8, s18, v0;
	s26 =	spop (v2sf);
	s19 =	ssub.f32 s25, s24  }
0x30e: {  	vm8 =	veq.s32 v53, $0xB;
	s28 =	spop (v2sf);
	v0 =	vsel vm5, v2, v0;
	v2 =	vbroadcast v62, $0x7  }
0x30f: {  	v0 =	vsel vm8, s19, v0;
	s29 =	spop (v2sf);
	s18 =	ssub.f32 s28, s26  }
0x310: {  	vm8 =	veq.s32 v53, $0xD;
	v0 =	vsel vm6, v2, v0;
	s30 =	spop (v2sf);
	v2 =	vbroadcast v63, $0x7  }
0x311: {  	v0 =	vsel vm8, s18, v0;
	s31 =	ssub.f32 s30, s29  }
0x312: {  	vm8 =	veq.s32 v53, $0xF;
	v0 =	vsel vm7, v2, v0  }
0x313: {  	v0 =	vsel vm8, s31, v0  }
0x314: {  	[tilespmem:$0x174B0] =	vst v0  }
0x315: {  	[hbm4b:s6+s4] =	stream.linear.scatter [tilespmem:s15], [sflag:$0x4], $0xC30, $0x38;
	[tilespmem:$0x17500] =	vst v63  }
0x316: {  	_ =	swait.ge [sflag:s14], $0xC30  }
0x317: {  	[sflag:s14] =	ssyncset.done $0x0  }
.Ltmp5:
0x318: {  	[sflag:s14] =	ssyncadd.s32 $0xFFFFF3D0;
	(pc) =	sbr.rel .LBB2_8-.Ltmp5, $4  }
0x319: {  	[hbm4b:s9+s4] =	stream.linear.scatter [tilespmem:s16], [sflag:$0x4], $0x10, $0x38;
	[tilespmem:$0x17500] =	vst v63  }
0x31a: {  	_ =	swait.ge [sflag:s14], $0x10  }
0x31b: {  	[sflag:s14] =	ssyncset.done $0x0  }
0x31c: {  	[sflag:s14] =	ssyncadd.s32 $0xFFFFFFF0  }
.LBB2_9:
0x31d: {  	_ =	sfence.sel $0x180000  }
0x31e: {  	[bflag:$0x0] =	sbarrier.arrive $0xFFFF  }
0x31f: {  	p0 =	sne.s32 s0, $0x0;
	_ =	strace $0x90000047  }
0x320: {  	s0 =	sadd.s32 @!p0 $0x100000, s2;
	[bflag:$0x2] =	sbarrier.arrive $0xFFFF  }
0x321: {  	[sflag:s0] =	ssyncadd.tile.s32 @!p0 $0x1;
	_ =	shalt  }
.Lfunc_end2:
_tile_overlayer_lowered:
.L_overlay_start_2:
0x322: {  	(tag) =	ssettag $0x2  }
0x323: {  	s0 =	rddreg [dreg:$0x0];
	s2 =	stileid.u32  }
0x324: {  	s1 =	rddreg [dreg:$0x1];
	p0 =	sne.s32 s2, $0x0  }
0x325: {  	s3 =	rddreg [dreg:$0x2];
	[bflag:$0x3] =	sbarrier.arrive $0xFFFF;
	s2 =	simm.s32 @!p0 $0x1C04  }
0x326: {  	[timem:s3], [sflag:s2] =	dma.local @!p0 [hbm:s0], s1  }
0x327: {  	s0 =	simm.s32 @!p0 $0x4  }
0x328: {  	_ =	swait.ge @!p0 [sflag:s0], s1  }
0x329: {  	s1 =	ssub.s32 @!p0 $0x0, s1;
	[sflag:s0] =	ssyncset.done @!p0 $0x0  }
0x32a: {  	[sflag:s0] =	ssyncadd.s32 @!p0 s1  }
0x32b: {  	[bflag:$0x3] =	sbarrier.arrive $0xFFFF  }
0x32c: {  	_ =	shalt  }

</sc_bundles>
